<compile_context>
chip_gen: v7x
topology: tpu7x:2x2x1
jax: 0.10.2.dev20260603
libtpu: 0.0.44.dev20260713+nightly
codegen_flags: <defaults>
</compile_context>

<pallas_src>
import functools

import jax
import jax.numpy as jnp
from jax import lax
from jax.experimental import pallas as pl
from jax.experimental.pallas import tpu as pltpu
from jax.experimental.pallas import tpu_sc as plsc

NH = 8
NP = 4
K = NH * NP
NC = 2
NS = 16


def _corners_body(q_ref, rp_ref, wx_ref, wy_ref, bx_ref, by_ref, wa_ref,
                  ba_ref, oi_ref, ov_ref, *, W, H, L):
    dn = (((1,), (1,)), ((), ()))
    q = q_ref[0]
    rp = rp_ref[0]

    offx = jax.lax.dot_general(q, wx_ref[...], dn,
                               preferred_element_type=jnp.float32)
    offx = offx + bx_ref[...]
    offy = jax.lax.dot_general(q, wy_ref[...], dn,
                               preferred_element_type=jnp.float32)
    offy = offy + by_ref[...]
    logits = jax.lax.dot_general(q, wa_ref[...], dn,
                                 preferred_element_type=jnp.float32)
    logits = logits + ba_ref[...]

    m = jnp.max(logits, axis=1, keepdims=True)
    ex = jnp.exp(logits - m)
    gi = jax.lax.broadcasted_iota(jnp.int32, (K, K), 0) // NP
    gj = jax.lax.broadcasted_iota(jnp.int32, (K, K), 1) // NP
    G = (gi == gj).astype(jnp.float32)
    denom = jnp.dot(ex, G, preferred_element_type=jnp.float32)
    aw = ex / denom * (1.0 / NH)

    locx = rp[:, 0:1] + offx
    locy = rp[:, 1:2] + offy
    ix = locx * float(W) - 0.5
    iy = locy * float(H) - 0.5

    x0f = jnp.floor(ix)
    y0f = jnp.floor(iy)
    fx = ix - x0f
    fy = iy - y0f
    x1f = x0f + 1.0
    y1f = y0f + 1.0

    vx0 = ((x0f >= 0.0) & (x0f <= W - 1.0)).astype(jnp.float32)
    vx1 = ((x1f >= 0.0) & (x1f <= W - 1.0)).astype(jnp.float32)
    vy0 = ((y0f >= 0.0) & (y0f <= H - 1.0)).astype(jnp.float32)
    vy1 = ((y1f >= 0.0) & (y1f <= H - 1.0)).astype(jnp.float32)

    x0 = jnp.clip(x0f, 0.0, W - 1.0).astype(jnp.int32)
    x1 = jnp.clip(x1f, 0.0, W - 1.0).astype(jnp.int32)
    y0 = jnp.clip(y0f, 0.0, H - 1.0).astype(jnp.int32)
    y1 = jnp.clip(y1f, 0.0, H - 1.0).astype(jnp.int32)

    base = jax.lax.broadcasted_iota(jnp.int32, (L, 1), 0) * (H * W)
    g00 = base + y0 * W + x0
    g01 = base + y0 * W + x1
    g10 = base + y1 * W + x0
    g11 = base + y1 * W + x1

    w00 = aw * (1.0 - fy) * (1.0 - fx) * (vy0 * vx0)
    w01 = aw * (1.0 - fy) * fx * (vy0 * vx1)
    w10 = aw * fy * (1.0 - fx) * (vy1 * vx0)
    w11 = aw * fy * fx * (vy1 * vx1)

    oi_ref[0] = jnp.concatenate([g00, g01, g10, g11], axis=1)
    ov_ref[0] = jnp.concatenate([w00, w01, w10, w11], axis=1)


def _corner_lists(q2, reference_points, W_off, b_off, W_attn, b_attn,
                  h, w, L, e):
    Wx = W_off[0::2]
    Wy = W_off[1::2]
    bx = b_off[0::2].reshape(1, K)
    by = b_off[1::2].reshape(1, K)
    ba = b_attn.reshape(1, K)
    n = q2.shape[0]
    idx, val = pl.pallas_call(
        functools.partial(_corners_body, W=w, H=h, L=L),
        grid=(n,),
        in_specs=[
            pl.BlockSpec((1, L, e), lambda i: (i, 0, 0)),
            pl.BlockSpec((1, L, 2), lambda i: (i, 0, 0)),
            pl.BlockSpec((K, e), lambda i: (0, 0)),
            pl.BlockSpec((K, e), lambda i: (0, 0)),
            pl.BlockSpec((1, K), lambda i: (0, 0)),
            pl.BlockSpec((1, K), lambda i: (0, 0)),
            pl.BlockSpec((K, e), lambda i: (0, 0)),
            pl.BlockSpec((1, K), lambda i: (0, 0)),
        ],
        out_specs=[
            pl.BlockSpec((1, L, 4 * K), lambda i: (i, 0, 0)),
            pl.BlockSpec((1, L, 4 * K), lambda i: (i, 0, 0)),
        ],
        out_shape=[
            jax.ShapeDtypeStruct((n, L, 4 * K), jnp.int32),
            jax.ShapeDtypeStruct((n, L, 4 * K), jnp.float32),
        ],
    )(q2, reference_points, Wx, Wy, bx, by, W_attn, ba)
    return idx, val


def _sc_build_a(idx4, val4, zeros_hbm, n, L, HW):
    rows_per_tile = L // (NC * NS) * 2
    del rows_per_tile
    words_per_tile = L * HW // NS
    n_rounds = n // NC
    chunks = idx4.shape[2]
    mesh = plsc.VectorSubcoreMesh(core_axis_name="c", subcore_axis_name="s")

    GRP = 16

    @functools.partial(
        pl.kernel,
        out_type=jax.ShapeDtypeStruct((n, L * HW), jnp.float32),
        mesh=mesh,
        scratch_types=[
            pltpu.VMEM((chunks, 128), jnp.int32),
            pltpu.VMEM((chunks, 128), jnp.float32),
            pltpu.VMEM_SHARED((L * HW,), jnp.float32),
            pltpu.SemaphoreType.DMA,
        ],
    )
    def build(idx_hbm, val_hbm, z_hbm, a_hbm, idx_v, val_v, a_sp, ssem):
        cid = lax.axis_index("c")
        sid = lax.axis_index("s")
        for r in range(n_rounds):
            b = r * NC + cid
            pltpu.sync_copy(z_hbm, a_sp.at[pl.ds(sid * words_per_tile,
                                                 words_per_tile)])
            pltpu.sync_copy(idx_hbm.at[b, sid], idx_v)
            pltpu.sync_copy(val_hbm.at[b, sid], val_v)

            def body(gidx, carry):
                descs = []
                for i in range(GRP):
                    j = gidx * GRP + i
                    descs.append(pltpu.async_copy(
                        val_v.at[j], a_sp.at[idx_v.at[j]], ssem, add=True))
                for d in descs:
                    d.wait()
                return carry

            lax.fori_loop(0, chunks // GRP, body, 0)
            pltpu.sync_copy(
                a_sp.at[pl.ds(sid * words_per_tile, words_per_tile)],
                a_hbm.at[b, pl.ds(sid * words_per_tile, words_per_tile)])

    return build(idx4, val4, zeros_hbm)


def _matmul_body(a_ref, qf_ref, wo_ref, bo_ref, o_ref):
    dn = (((1,), (1,)), ((), ()))
    a = a_ref[0]
    feat = qf_ref[0]
    s = jnp.dot(a, feat, preferred_element_type=jnp.float32)
    o = jax.lax.dot_general(s, wo_ref[...], dn,
                            preferred_element_type=jnp.float32)
    o_ref[0] = o + bo_ref[...]


def _final_matmul(a, q2, W_out, b_out, n, L, e):
    bo = b_out.reshape(1, e)
    Lc = 1024
    return pl.pallas_call(
        _matmul_body,
        grid=(n, L // Lc),
        in_specs=[
            pl.BlockSpec((1, Lc, L), lambda i, j: (i, j, 0)),
            pl.BlockSpec((1, L, e), lambda i, j: (i, 0, 0)),
            pl.BlockSpec((e, e), lambda i, j: (0, 0)),
            pl.BlockSpec((1, e), lambda i, j: (0, 0)),
        ],
        out_specs=pl.BlockSpec((1, Lc, e), lambda i, j: (i, j, 0)),
        out_shape=jax.ShapeDtypeStruct((n, L, e), jnp.float32),
    )(a, q2, W_out, bo)


def kernel(query, reference_points, W_off, b_off, W_attn, b_attn, W_out,
           b_out):
    n, h, w, e = query.shape
    L = h * w
    HW = h * w
    q2 = query.reshape(n, L, e)

    idx, val = _corner_lists(q2, reference_points, W_off, b_off, W_attn,
                             b_attn, h, w, L, e)
    idx4 = idx.reshape(n, NS, (L // NS) * 4 * K // 128, 128)
    val4 = val.reshape(n, NS, (L // NS) * 4 * K // 128, 128)
    zeros_hbm = jnp.zeros((L * HW // NS,), jnp.float32)

    a = _sc_build_a(idx4, val4, zeros_hbm, n, L, HW)
    out = _final_matmul(a.reshape(n, L, HW), q2, W_out, b_out, n, L, e)
    return out.reshape(n, h, w, e)

# --- scband reference (transcript-rebuilt; emitter-appended) ---
"""Pipeline reference for scband-multi-head-deformable-attention2-d-38354057954012 (READ-ONLY COPY).

The authoritative reference and input builder live on the scoring server;
editing this copy changes nothing except your own understanding.
"""

import jax, jax.numpy as jnp
import numpy as np

N, Hs, Ws, E = 4, 32, 32, 192
NUM_HEADS = 8
NUM_POINTS = 4


def setup_inputs(seed: int = 0):
    key = jax.random.key(seed)
    ks = jax.random.split(key, 8)
    inp = {}
    inp['query'] = jax.random.normal(ks[0], (N, Hs, Ws, E), dtype=jnp.float32)
    inp['reference_points'] = jax.random.uniform(ks[1], (N, Hs * Ws, 2), dtype=jnp.float32)
    inp['W_off'] = jax.random.normal(ks[2], (NUM_HEADS * NUM_POINTS * 2, E), dtype=jnp.float32) * 0.02
    inp['b_off'] = jnp.zeros((NUM_HEADS * NUM_POINTS * 2,), dtype=jnp.float32)
    inp['W_attn'] = jax.random.normal(ks[3], (NUM_HEADS * NUM_POINTS, E), dtype=jnp.float32) * 0.02
    inp['b_attn'] = jnp.zeros((NUM_HEADS * NUM_POINTS,), dtype=jnp.float32)
    inp['W_out'] = jax.random.normal(ks[4], (E, E), dtype=jnp.float32) * 0.02
    inp['b_out'] = jnp.zeros((E,), dtype=jnp.float32)
    return inp


def _grid_sample_bilinear(img, grid):
    # img: [B, C, H, W]; grid: [B, L, P, 2] in [-1, 1]; align_corners=False, zeros padding
    B, C, H, W = img.shape
    gx = grid[..., 0]
    gy = grid[..., 1]
    ix = ((gx + 1.0) * W - 1.0) / 2.0
    iy = ((gy + 1.0) * H - 1.0) / 2.0
    ix0 = jnp.floor(ix)
    iy0 = jnp.floor(iy)
    ix1 = ix0 + 1.0
    iy1 = iy0 + 1.0
    wx1 = ix - ix0
    wx0 = 1.0 - wx1
    wy1 = iy - iy0
    wy0 = 1.0 - wy1
    flat = img.reshape(B, C, H * W)

    def gather(xp, yp):
        valid = ((xp >= 0) & (xp <= W - 1) & (yp >= 0) & (yp <= H - 1)).astype(img.dtype)
        xc = jnp.clip(xp, 0, W - 1).astype(jnp.int32)
        yc = jnp.clip(yp, 0, H - 1).astype(jnp.int32)
        idx = (yc * W + xc).reshape(B, 1, -1)
        vals = jnp.take_along_axis(flat, idx, axis=2).reshape(B, C, xp.shape[1], xp.shape[2])
        return vals * valid[:, None, :, :]

    out = (gather(ix0, iy0) * (wx0 * wy0)[:, None]
           + gather(ix1, iy0) * (wx1 * wy0)[:, None]
           + gather(ix0, iy1) * (wx0 * wy1)[:, None]
           + gather(ix1, iy1) * (wx1 * wy1)[:, None])
    return out


def reference(query, reference_points, W_off, b_off, W_attn, b_attn, W_out, b_out):
    n, h, w, e = query.shape
    L = h * w
    q2 = query.reshape(n, L, e)
    off = q2 @ W_off.T + b_off
    off = off.reshape(n, L, NUM_HEADS, NUM_POINTS, 2).transpose(0, 2, 1, 3, 4)
    aw = q2 @ W_attn.T + b_attn
    aw = aw.reshape(n, L, NUM_HEADS, NUM_POINTS).transpose(0, 2, 1, 3)
    aw = jax.nn.softmax(aw, axis=-1)
    loc = reference_points.reshape(n, 1, L, 1, 2) + off
    grid = loc.reshape(n * NUM_HEADS, L, NUM_POINTS, 2) * 2.0 - 1.0
    qs = query.transpose(0, 3, 1, 2)
    qe = jnp.repeat(qs, NUM_HEADS, axis=0)
    sampled = _grid_sample_bilinear(qe, grid)
    sampled = sampled.reshape(n, NUM_HEADS, e, L, NUM_POINTS).transpose(0, 1, 3, 4, 2)
    out = (sampled * aw[..., None]).sum(axis=3).mean(axis=1)
    out = out.reshape(n, h, w, e)
    out = out @ W_out.T + b_out
    return out

if __name__ == "__main__":
    import jax
    _d = setup_inputs()
    print(jax.jit(kernel)(*tuple(_d.values())))

</pallas_src>

<mosaic_0001>
#map = affine_map<(d0, d1) -> (0, 0, 0, 0)>
#map1 = affine_map<(d0, d1) -> (0)>
#map2 = affine_map<(d0, d1) -> (0, 0)>
module attributes {stable_mosaic.version = 14 : i64} {
  func.func @build(%arg0: i32, %arg1: i32, %arg2: memref<4x16x64x128xi32, #tpu.memory_space<hbm>>, %arg3: memref<4x16x64x128xf32, #tpu.memory_space<hbm>>, %arg4: memref<65536xf32, #tpu.memory_space<hbm>>, %arg5: memref<4x1048576xf32, #tpu.memory_space<hbm>>, %arg6: memref<64x128xi32, #tpu.memory_space<vmem>>, %arg7: memref<64x128xf32, #tpu.memory_space<vmem>>, %arg8: memref<1048576xf32, #tpu.memory_space<vmem_shared>>, %arg9: memref<!tpu.dma_semaphore, #tpu.memory_space<semaphore_mem>>) attributes {dimension_semantics = [#tpu.dimension_semantics<core_parallel>, #tpu.dimension_semantics<subcore_parallel>], iteration_bounds = array<i64: 2, 16>, scalar_prefetch = 0 : i64, scratch_operands = 4 : i64, tpu.core_type = #tpu.core_type<sc_vector_subcore>, window_params = [{transform_indices = #map}, {transform_indices = #map}, {transform_indices = #map1}, {transform_indices = #map2}]} {
    %add3A = arith.constant 0 : i32
    %add3A_0 = arith.addi %add3A, %arg0 : i32
    %mul3A = arith.constant 65536 : i32
    %mul3A_1 = arith.muli %arg1, %mul3A : i32
    "tpu.region"() ({
      %run_scoped3A = tpu.sem_alloc : memref<!tpu.dma_semaphore, #tpu.memory_space<semaphore_mem>>
      %dma_start3A = tpu.memref_slice %arg8[%mul3A_1] : memref<1048576xf32, #tpu.memory_space<vmem_shared>> -> memref<65536xf32, #tpu.memory_space<vmem_shared>>
      tpu.enqueue_dma source(%arg4 : memref<65536xf32, #tpu.memory_space<hbm>>) target(%dma_start3A : memref<65536xf32, #tpu.memory_space<vmem_shared>>) target_semaphore(%run_scoped3A : memref<!tpu.dma_semaphore, #tpu.memory_space<semaphore_mem>>)
      %dma_wait3A = tpu.memref_slice %arg8[%mul3A_1] : memref<1048576xf32, #tpu.memory_space<vmem_shared>> -> memref<65536xf32, #tpu.memory_space<vmem_shared>>
      tpu.wait_dma2 semaphore(%run_scoped3A : memref<!tpu.dma_semaphore, #tpu.memory_space<semaphore_mem>>) src(%arg4 : memref<65536xf32, #tpu.memory_space<hbm>>) dst(%dma_wait3A : memref<65536xf32, #tpu.memory_space<vmem_shared>>)
      tpu.yield
    }) : () -> ()
    "tpu.region"() ({
      %run_scoped3A = tpu.sem_alloc : memref<!tpu.dma_semaphore, #tpu.memory_space<semaphore_mem>>
      %dma_start3A = arith.constant 0 : i32
      %dma_start3A_25 = arith.constant 0 : i32
      %dma_start3A_26 = tpu.memref_slice %arg2[%add3A_0, %arg1, %dma_start3A, %dma_start3A_25] : memref<4x16x64x128xi32, #tpu.memory_space<hbm>> -> memref<1x1x64x128xi32, #tpu.memory_space<hbm>>
      %dma_start3A_27 = tpu.memref_squeeze %dma_start3A_26 : memref<1x1x64x128xi32, #tpu.memory_space<hbm>> -> memref<64x128xi32, #tpu.memory_space<hbm>>
      %dma_start3A_28 = arith.constant 0 : i32
      %dma_start3A_29 = arith.constant 0 : i32
      %dma_start3A_30 = tpu.memref_slice %arg2[%add3A_0, %arg1, %dma_start3A_28, %dma_start3A_29] : memref<4x16x64x128xi32, #tpu.memory_space<hbm>> -> memref<1x1x64x128xi32, #tpu.memory_space<hbm>>
      %dma_start3A_31 = tpu.memref_squeeze %dma_start3A_30 : memref<1x1x64x128xi32, #tpu.memory_space<hbm>> -> memref<64x128xi32, #tpu.memory_space<hbm>>
      tpu.enqueue_dma source(%dma_start3A_31 : memref<64x128xi32, #tpu.memory_space<hbm>>) target(%arg6 : memref<64x128xi32, #tpu.memory_space<vmem>>) target_semaphore(%run_scoped3A : memref<!tpu.dma_semaphore, #tpu.memory_space<semaphore_mem>>)
      %dma_wait3A = arith.constant 0 : i32
      %dma_wait3A_32 = arith.constant 0 : i32
      %dma_wait3A_33 = tpu.memref_slice %arg2[%add3A_0, %arg1, %dma_wait3A, %dma_wait3A_32] : memref<4x16x64x128xi32, #tpu.memory_space<hbm>> -> memref<1x1x64x128xi32, #tpu.memory_space<hbm>>
      %dma_wait3A_34 = tpu.memref_squeeze %dma_wait3A_33 : memref<1x1x64x128xi32, #tpu.memory_space<hbm>> -> memref<64x128xi32, #tpu.memory_space<hbm>>
      %dma_wait3A_35 = arith.constant 0 : i32
      %dma_wait3A_36 = arith.constant 0 : i32
      %dma_wait3A_37 = tpu.memref_slice %arg2[%add3A_0, %arg1, %dma_wait3A_35, %dma_wait3A_36] : memref<4x16x64x128xi32, #tpu.memory_space<hbm>> -> memref<1x1x64x128xi32, #tpu.memory_space<hbm>>
      %dma_wait3A_38 = tpu.memref_squeeze %dma_wait3A_37 : memref<1x1x64x128xi32, #tpu.memory_space<hbm>> -> memref<64x128xi32, #tpu.memory_space<hbm>>
      tpu.wait_dma2 semaphore(%run_scoped3A : memref<!tpu.dma_semaphore, #tpu.memory_space<semaphore_mem>>) src(%dma_wait3A_38 : memref<64x128xi32, #tpu.memory_space<hbm>>) dst(%arg6 : memref<64x128xi32, #tpu.memory_space<vmem>>)
      tpu.yield
    }) : () -> ()
    "tpu.region"() ({
      %run_scoped3A = tpu.sem_alloc : memref<!tpu.dma_semaphore, #tpu.memory_space<semaphore_mem>>
      %dma_start3A = arith.constant 0 : i32
      %dma_start3A_25 = arith.constant 0 : i32
      %dma_start3A_26 = tpu.memref_slice %arg3[%add3A_0, %arg1, %dma_start3A, %dma_start3A_25] : memref<4x16x64x128xf32, #tpu.memory_space<hbm>> -> memref<1x1x64x128xf32, #tpu.memory_space<hbm>>
      %dma_start3A_27 = tpu.memref_squeeze %dma_start3A_26 : memref<1x1x64x128xf32, #tpu.memory_space<hbm>> -> memref<64x128xf32, #tpu.memory_space<hbm>>
      %dma_start3A_28 = arith.constant 0 : i32
      %dma_start3A_29 = arith.constant 0 : i32
      %dma_start3A_30 = tpu.memref_slice %arg3[%add3A_0, %arg1, %dma_start3A_28, %dma_start3A_29] : memref<4x16x64x128xf32, #tpu.memory_space<hbm>> -> memref<1x1x64x128xf32, #tpu.memory_space<hbm>>
      %dma_start3A_31 = tpu.memref_squeeze %dma_start3A_30 : memref<1x1x64x128xf32, #tpu.memory_space<hbm>> -> memref<64x128xf32, #tpu.memory_space<hbm>>
      tpu.enqueue_dma source(%dma_start3A_31 : memref<64x128xf32, #tpu.memory_space<hbm>>) target(%arg7 : memref<64x128xf32, #tpu.memory_space<vmem>>) target_semaphore(%run_scoped3A : memref<!tpu.dma_semaphore, #tpu.memory_space<semaphore_mem>>)
      %dma_wait3A = arith.constant 0 : i32
      %dma_wait3A_32 = arith.constant 0 : i32
      %dma_wait3A_33 = tpu.memref_slice %arg3[%add3A_0, %arg1, %dma_wait3A, %dma_wait3A_32] : memref<4x16x64x128xf32, #tpu.memory_space<hbm>> -> memref<1x1x64x128xf32, #tpu.memory_space<hbm>>
      %dma_wait3A_34 = tpu.memref_squeeze %dma_wait3A_33 : memref<1x1x64x128xf32, #tpu.memory_space<hbm>> -> memref<64x128xf32, #tpu.memory_space<hbm>>
      %dma_wait3A_35 = arith.constant 0 : i32
      %dma_wait3A_36 = arith.constant 0 : i32
      %dma_wait3A_37 = tpu.memref_slice %arg3[%add3A_0, %arg1, %dma_wait3A_35, %dma_wait3A_36] : memref<4x16x64x128xf32, #tpu.memory_space<hbm>> -> memref<1x1x64x128xf32, #tpu.memory_space<hbm>>
      %dma_wait3A_38 = tpu.memref_squeeze %dma_wait3A_37 : memref<1x1x64x128xf32, #tpu.memory_space<hbm>> -> memref<64x128xf32, #tpu.memory_space<hbm>>
      tpu.wait_dma2 semaphore(%run_scoped3A : memref<!tpu.dma_semaphore, #tpu.memory_space<semaphore_mem>>) src(%dma_wait3A_38 : memref<64x128xf32, #tpu.memory_space<hbm>>) dst(%arg7 : memref<64x128xf32, #tpu.memory_space<vmem>>)
      tpu.yield
    }) : () -> ()
    %scan3A = arith.constant 0 : i32
    %scan3A_2 = arith.constant 0 : i32
    %scan3A_3 = arith.constant 4 : i32
    %scan3A_4 = arith.addi %scan3A_2, %scan3A_3 : i32
    %scan3A_5 = arith.constant 1 : i32
    scf.for %scan3A_25 = %scan3A_2 to %scan3A_4 step %scan3A_5  : i32 {
      %mul3A_26 = arith.constant 16 : i32
      %mul3A_27 = arith.muli %scan3A_25, %mul3A_26 : i32
      %add3A_28 = arith.constant 0 : i32
      %add3A_29 = arith.addi %mul3A_27, %add3A_28 : i32
      %dma_start3A = arith.constant 0 : i32
      %dma_start3A_30 = tpu.memref_slice %arg7[%add3A_29, %dma_start3A] : memref<64x128xf32, #tpu.memory_space<vmem>> -> memref<1x128xf32, #tpu.memory_space<vmem>>
      %dma_start3A_31 = tpu.memref_squeeze %dma_start3A_30 : memref<1x128xf32, #tpu.memory_space<vmem>> -> memref<128xf32, #tpu.memory_space<vmem>>
      %dma_start3A_32 = arith.constant 0 : i32
      %dma_start3A_33 = tpu.memref_slice %arg6[%add3A_29, %dma_start3A_32] : memref<64x128xi32, #tpu.memory_space<vmem>> -> memref<1x128xi32, #tpu.memory_space<vmem>>
      %dma_start3A_34 = tpu.memref_squeeze %dma_start3A_33 : memref<1x128xi32, #tpu.memory_space<vmem>> -> memref<128xi32, #tpu.memory_space<vmem>>
      %dma_start3A_35 = arith.constant 0 : i32
      %dma_start3A_36 = tpu.memref_slice %arg8[%dma_start3A_35] : memref<1048576xf32, #tpu.memory_space<vmem_shared>> -> memref<1048576xf32, #tpu.memory_space<vmem_shared>>
      tpu.enqueue_indirect_dma source(%dma_start3A_31 : memref<128xf32, #tpu.memory_space<vmem>>) target(%dma_start3A_36 : memref<1048576xf32, #tpu.memory_space<vmem_shared>>) offsets(%dma_start3A_34 : memref<128xi32, #tpu.memory_space<vmem>>) semaphore(%arg9 : memref<!tpu.dma_semaphore, #tpu.memory_space<semaphore_mem>>) {add = true}
      %mul3A_37 = arith.constant 16 : i32
      %mul3A_38 = arith.muli %scan3A_25, %mul3A_37 : i32
      %add3A_39 = arith.constant 1 : i32
      %add3A_40 = arith.addi %mul3A_38, %add3A_39 : i32
      %dma_start3A_41 = arith.constant 0 : i32
      %dma_start3A_42 = tpu.memref_slice %arg7[%add3A_40, %dma_start3A_41] : memref<64x128xf32, #tpu.memory_space<vmem>> -> memref<1x128xf32, #tpu.memory_space<vmem>>
      %dma_start3A_43 = tpu.memref_squeeze %dma_start3A_42 : memref<1x128xf32, #tpu.memory_space<vmem>> -> memref<128xf32, #tpu.memory_space<vmem>>
      %dma_start3A_44 = arith.constant 0 : i32
      %dma_start3A_45 = tpu.memref_slice %arg6[%add3A_40, %dma_start3A_44] : memref<64x128xi32, #tpu.memory_space<vmem>> -> memref<1x128xi32, #tpu.memory_space<vmem>>
      %dma_start3A_46 = tpu.memref_squeeze %dma_start3A_45 : memref<1x128xi32, #tpu.memory_space<vmem>> -> memref<128xi32, #tpu.memory_space<vmem>>
      %dma_start3A_47 = arith.constant 0 : i32
      %dma_start3A_48 = tpu.memref_slice %arg8[%dma_start3A_47] : memref<1048576xf32, #tpu.memory_space<vmem_shared>> -> memref<1048576xf32, #tpu.memory_space<vmem_shared>>
      tpu.enqueue_indirect_dma source(%dma_start3A_43 : memref<128xf32, #tpu.memory_space<vmem>>) target(%dma_start3A_48 : memref<1048576xf32, #tpu.memory_space<vmem_shared>>) offsets(%dma_start3A_46 : memref<128xi32, #tpu.memory_space<vmem>>) semaphore(%arg9 : memref<!tpu.dma_semaphore, #tpu.memory_space<semaphore_mem>>) {add = true}
      %mul3A_49 = arith.constant 16 : i32
      %mul3A_50 = arith.muli %scan3A_25, %mul3A_49 : i32
      %add3A_51 = arith.constant 2 : i32
      %add3A_52 = arith.addi %mul3A_50, %add3A_51 : i32
      %dma_start3A_53 = arith.constant 0 : i32
      %dma_start3A_54 = tpu.memref_slice %arg7[%add3A_52, %dma_start3A_53] : memref<64x128xf32, #tpu.memory_space<vmem>> -> memref<1x128xf32, #tpu.memory_space<vmem>>
      %dma_start3A_55 = tpu.memref_squeeze %dma_start3A_54 : memref<1x128xf32, #tpu.memory_space<vmem>> -> memref<128xf32, #tpu.memory_space<vmem>>
      %dma_start3A_56 = arith.constant 0 : i32
      %dma_start3A_57 = tpu.memref_slice %arg6[%add3A_52, %dma_start3A_56] : memref<64x128xi32, #tpu.memory_space<vmem>> -> memref<1x128xi32, #tpu.memory_space<vmem>>
      %dma_start3A_58 = tpu.memref_squeeze %dma_start3A_57 : memref<1x128xi32, #tpu.memory_space<vmem>> -> memref<128xi32, #tpu.memory_space<vmem>>
      %dma_start3A_59 = arith.constant 0 : i32
      %dma_start3A_60 = tpu.memref_slice %arg8[%dma_start3A_59] : memref<1048576xf32, #tpu.memory_space<vmem_shared>> -> memref<1048576xf32, #tpu.memory_space<vmem_shared>>
      tpu.enqueue_indirect_dma source(%dma_start3A_55 : memref<128xf32, #tpu.memory_space<vmem>>) target(%dma_start3A_60 : memref<1048576xf32, #tpu.memory_space<vmem_shared>>) offsets(%dma_start3A_58 : memref<128xi32, #tpu.memory_space<vmem>>) semaphore(%arg9 : memref<!tpu.dma_semaphore, #tpu.memory_space<semaphore_mem>>) {add = true}
      %mul3A_61 = arith.constant 16 : i32
      %mul3A_62 = arith.muli %scan3A_25, %mul3A_61 : i32
      %add3A_63 = arith.constant 3 : i32
      %add3A_64 = arith.addi %mul3A_62, %add3A_63 : i32
      %dma_start3A_65 = arith.constant 0 : i32
      %dma_start3A_66 = tpu.memref_slice %arg7[%add3A_64, %dma_start3A_65] : memref<64x128xf32, #tpu.memory_space<vmem>> -> memref<1x128xf32, #tpu.memory_space<vmem>>
      %dma_start3A_67 = tpu.memref_squeeze %dma_start3A_66 : memref<1x128xf32, #tpu.memory_space<vmem>> -> memref<128xf32, #tpu.memory_space<vmem>>
      %dma_start3A_68 = arith.constant 0 : i32
      %dma_start3A_69 = tpu.memref_slice %arg6[%add3A_64, %dma_start3A_68] : memref<64x128xi32, #tpu.memory_space<vmem>> -> memref<1x128xi32, #tpu.memory_space<vmem>>
      %dma_start3A_70 = tpu.memref_squeeze %dma_start3A_69 : memref<1x128xi32, #tpu.memory_space<vmem>> -> memref<128xi32, #tpu.memory_space<vmem>>
      %dma_start3A_71 = arith.constant 0 : i32
      %dma_start3A_72 = tpu.memref_slice %arg8[%dma_start3A_71] : memref<1048576xf32, #tpu.memory_space<vmem_shared>> -> memref<1048576xf32, #tpu.memory_space<vmem_shared>>
      tpu.enqueue_indirect_dma source(%dma_start3A_67 : memref<128xf32, #tpu.memory_space<vmem>>) target(%dma_start3A_72 : memref<1048576xf32, #tpu.memory_space<vmem_shared>>) offsets(%dma_start3A_70 : memref<128xi32, #tpu.memory_space<vmem>>) semaphore(%arg9 : memref<!tpu.dma_semaphore, #tpu.memory_space<semaphore_mem>>) {add = true}
      %mul3A_73 = arith.constant 16 : i32
      %mul3A_74 = arith.muli %scan3A_25, %mul3A_73 : i32
      %add3A_75 = arith.constant 4 : i32
      %add3A_76 = arith.addi %mul3A_74, %add3A_75 : i32
      %dma_start3A_77 = arith.constant 0 : i32
      %dma_start3A_78 = tpu.memref_slice %arg7[%add3A_76, %dma_start3A_77] : memref<64x128xf32, #tpu.memory_space<vmem>> -> memref<1x128xf32, #tpu.memory_space<vmem>>
      %dma_start3A_79 = tpu.memref_squeeze %dma_start3A_78 : memref<1x128xf32, #tpu.memory_space<vmem>> -> memref<128xf32, #tpu.memory_space<vmem>>
      %dma_start3A_80 = arith.constant 0 : i32
      %dma_start3A_81 = tpu.memref_slice %arg6[%add3A_76, %dma_start3A_80] : memref<64x128xi32, #tpu.memory_space<vmem>> -> memref<1x128xi32, #tpu.memory_space<vmem>>
      %dma_start3A_82 = tpu.memref_squeeze %dma_start3A_81 : memref<1x128xi32, #tpu.memory_space<vmem>> -> memref<128xi32, #tpu.memory_space<vmem>>
      %dma_start3A_83 = arith.constant 0 : i32
      %dma_start3A_84 = tpu.memref_slice %arg8[%dma_start3A_83] : memref<1048576xf32, #tpu.memory_space<vmem_shared>> -> memref<1048576xf32, #tpu.memory_space<vmem_shared>>
      tpu.enqueue_indirect_dma source(%dma_start3A_79 : memref<128xf32, #tpu.memory_space<vmem>>) target(%dma_start3A_84 : memref<1048576xf32, #tpu.memory_space<vmem_shared>>) offsets(%dma_start3A_82 : memref<128xi32, #tpu.memory_space<vmem>>) semaphore(%arg9 : memref<!tpu.dma_semaphore, #tpu.memory_space<semaphore_mem>>) {add = true}
      %mul3A_85 = arith.constant 16 : i32
      %mul3A_86 = arith.muli %scan3A_25, %mul3A_85 : i32
      %add3A_87 = arith.constant 5 : i32
      %add3A_88 = arith.addi %mul3A_86, %add3A_87 : i32
      %dma_start3A_89 = arith.constant 0 : i32
      %dma_start3A_90 = tpu.memref_slice %arg7[%add3A_88, %dma_start3A_89] : memref<64x128xf32, #tpu.memory_space<vmem>> -> memref<1x128xf32, #tpu.memory_space<vmem>>
      %dma_start3A_91 = tpu.memref_squeeze %dma_start3A_90 : memref<1x128xf32, #tpu.memory_space<vmem>> -> memref<128xf32, #tpu.memory_space<vmem>>
      %dma_start3A_92 = arith.constant 0 : i32
      %dma_start3A_93 = tpu.memref_slice %arg6[%add3A_88, %dma_start3A_92] : memref<64x128xi32, #tpu.memory_space<vmem>> -> memref<1x128xi32, #tpu.memory_space<vmem>>
      %dma_start3A_94 = tpu.memref_squeeze %dma_start3A_93 : memref<1x128xi32, #tpu.memory_space<vmem>> -> memref<128xi32, #tpu.memory_space<vmem>>
      %dma_start3A_95 = arith.constant 0 : i32
      %dma_start3A_96 = tpu.memref_slice %arg8[%dma_start3A_95] : memref<1048576xf32, #tpu.memory_space<vmem_shared>> -> memref<1048576xf32, #tpu.memory_space<vmem_shared>>
      tpu.enqueue_indirect_dma source(%dma_start3A_91 : memref<128xf32, #tpu.memory_space<vmem>>) target(%dma_start3A_96 : memref<1048576xf32, #tpu.memory_space<vmem_shared>>) offsets(%dma_start3A_94 : memref<128xi32, #tpu.memory_space<vmem>>) semaphore(%arg9 : memref<!tpu.dma_semaphore, #tpu.memory_space<semaphore_mem>>) {add = true}
      %mul3A_97 = arith.constant 16 : i32
      %mul3A_98 = arith.muli %scan3A_25, %mul3A_97 : i32
      %add3A_99 = arith.constant 6 : i32
      %add3A_100 = arith.addi %mul3A_98, %add3A_99 : i32
      %dma_start3A_101 = arith.constant 0 : i32
      %dma_start3A_102 = tpu.memref_slice %arg7[%add3A_100, %dma_start3A_101] : memref<64x128xf32, #tpu.memory_space<vmem>> -> memref<1x128xf32, #tpu.memory_space<vmem>>
      %dma_start3A_103 = tpu.memref_squeeze %dma_start3A_102 : memref<1x128xf32, #tpu.memory_space<vmem>> -> memref<128xf32, #tpu.memory_space<vmem>>
      %dma_start3A_104 = arith.constant 0 : i32
      %dma_start3A_105 = tpu.memref_slice %arg6[%add3A_100, %dma_start3A_104] : memref<64x128xi32, #tpu.memory_space<vmem>> -> memref<1x128xi32, #tpu.memory_space<vmem>>
      %dma_start3A_106 = tpu.memref_squeeze %dma_start3A_105 : memref<1x128xi32, #tpu.memory_space<vmem>> -> memref<128xi32, #tpu.memory_space<vmem>>
      %dma_start3A_107 = arith.constant 0 : i32
      %dma_start3A_108 = tpu.memref_slice %arg8[%dma_start3A_107] : memref<1048576xf32, #tpu.memory_space<vmem_shared>> -> memref<1048576xf32, #tpu.memory_space<vmem_shared>>
      tpu.enqueue_indirect_dma source(%dma_start3A_103 : memref<128xf32, #tpu.memory_space<vmem>>) target(%dma_start3A_108 : memref<1048576xf32, #tpu.memory_space<vmem_shared>>) offsets(%dma_start3A_106 : memref<128xi32, #tpu.memory_space<vmem>>) semaphore(%arg9 : memref<!tpu.dma_semaphore, #tpu.memory_space<semaphore_mem>>) {add = true}
      %mul3A_109 = arith.constant 16 : i32
      %mul3A_110 = arith.muli %scan3A_25, %mul3A_109 : i32
      %add3A_111 = arith.constant 7 : i32
      %add3A_112 = arith.addi %mul3A_110, %add3A_111 : i32
      %dma_start3A_113 = arith.constant 0 : i32
      %dma_start3A_114 = tpu.memref_slice %arg7[%add3A_112, %dma_start3A_113] : memref<64x128xf32, #tpu.memory_space<vmem>> -> memref<1x128xf32, #tpu.memory_space<vmem>>
      %dma_start3A_115 = tpu.memref_squeeze %dma_start3A_114 : memref<1x128xf32, #tpu.memory_space<vmem>> -> memref<128xf32, #tpu.memory_space<vmem>>
      %dma_start3A_116 = arith.constant 0 : i32
      %dma_start3A_117 = tpu.memref_slice %arg6[%add3A_112, %dma_start3A_116] : memref<64x128xi32, #tpu.memory_space<vmem>> -> memref<1x128xi32, #tpu.memory_space<vmem>>
      %dma_start3A_118 = tpu.memref_squeeze %dma_start3A_117 : memref<1x128xi32, #tpu.memory_space<vmem>> -> memref<128xi32, #tpu.memory_space<vmem>>
      %dma_start3A_119 = arith.constant 0 : i32
      %dma_start3A_120 = tpu.memref_slice %arg8[%dma_start3A_119] : memref<1048576xf32, #tpu.memory_space<vmem_shared>> -> memref<1048576xf32, #tpu.memory_space<vmem_shared>>
      tpu.enqueue_indirect_dma source(%dma_start3A_115 : memref<128xf32, #tpu.memory_space<vmem>>) target(%dma_start3A_120 : memref<1048576xf32, #tpu.memory_space<vmem_shared>>) offsets(%dma_start3A_118 : memref<128xi32, #tpu.memory_space<vmem>>) semaphore(%arg9 : memref<!tpu.dma_semaphore, #tpu.memory_space<semaphore_mem>>) {add = true}
      %mul3A_121 = arith.constant 16 : i32
      %mul3A_122 = arith.muli %scan3A_25, %mul3A_121 : i32
      %add3A_123 = arith.constant 8 : i32
      %add3A_124 = arith.addi %mul3A_122, %add3A_123 : i32
      %dma_start3A_125 = arith.constant 0 : i32
      %dma_start3A_126 = tpu.memref_slice %arg7[%add3A_124, %dma_start3A_125] : memref<64x128xf32, #tpu.memory_space<vmem>> -> memref<1x128xf32, #tpu.memory_space<vmem>>
      %dma_start3A_127 = tpu.memref_squeeze %dma_start3A_126 : memref<1x128xf32, #tpu.memory_space<vmem>> -> memref<128xf32, #tpu.memory_space<vmem>>
      %dma_start3A_128 = arith.constant 0 : i32
      %dma_start3A_129 = tpu.memref_slice %arg6[%add3A_124, %dma_start3A_128] : memref<64x128xi32, #tpu.memory_space<vmem>> -> memref<1x128xi32, #tpu.memory_space<vmem>>
      %dma_start3A_130 = tpu.memref_squeeze %dma_start3A_129 : memref<1x128xi32, #tpu.memory_space<vmem>> -> memref<128xi32, #tpu.memory_space<vmem>>
      %dma_start3A_131 = arith.constant 0 : i32
      %dma_start3A_132 = tpu.memref_slice %arg8[%dma_start3A_131] : memref<1048576xf32, #tpu.memory_space<vmem_shared>> -> memref<1048576xf32, #tpu.memory_space<vmem_shared>>
      tpu.enqueue_indirect_dma source(%dma_start3A_127 : memref<128xf32, #tpu.memory_space<vmem>>) target(%dma_start3A_132 : memref<1048576xf32, #tpu.memory_space<vmem_shared>>) offsets(%dma_start3A_130 : memref<128xi32, #tpu.memory_space<vmem>>) semaphore(%arg9 : memref<!tpu.dma_semaphore, #tpu.memory_space<semaphore_mem>>) {add = true}
      %mul3A_133 = arith.constant 16 : i32
      %mul3A_134 = arith.muli %scan3A_25, %mul3A_133 : i32
      %add3A_135 = arith.constant 9 : i32
      %add3A_136 = arith.addi %mul3A_134, %add3A_135 : i32
      %dma_start3A_137 = arith.constant 0 : i32
      %dma_start3A_138 = tpu.memref_slice %arg7[%add3A_136, %dma_start3A_137] : memref<64x128xf32, #tpu.memory_space<vmem>> -> memref<1x128xf32, #tpu.memory_space<vmem>>
      %dma_start3A_139 = tpu.memref_squeeze %dma_start3A_138 : memref<1x128xf32, #tpu.memory_space<vmem>> -> memref<128xf32, #tpu.memory_space<vmem>>
      %dma_start3A_140 = arith.constant 0 : i32
      %dma_start3A_141 = tpu.memref_slice %arg6[%add3A_136, %dma_start3A_140] : memref<64x128xi32, #tpu.memory_space<vmem>> -> memref<1x128xi32, #tpu.memory_space<vmem>>
      %dma_start3A_142 = tpu.memref_squeeze %dma_start3A_141 : memref<1x128xi32, #tpu.memory_space<vmem>> -> memref<128xi32, #tpu.memory_space<vmem>>
      %dma_start3A_143 = arith.constant 0 : i32
      %dma_start3A_144 = tpu.memref_slice %arg8[%dma_start3A_143] : memref<1048576xf32, #tpu.memory_space<vmem_shared>> -> memref<1048576xf32, #tpu.memory_space<vmem_shared>>
      tpu.enqueue_indirect_dma source(%dma_start3A_139 : memref<128xf32, #tpu.memory_space<vmem>>) target(%dma_start3A_144 : memref<1048576xf32, #tpu.memory_space<vmem_shared>>) offsets(%dma_start3A_142 : memref<128xi32, #tpu.memory_space<vmem>>) semaphore(%arg9 : memref<!tpu.dma_semaphore, #tpu.memory_space<semaphore_mem>>) {add = true}
      %mul3A_145 = arith.constant 16 : i32
      %mul3A_146 = arith.muli %scan3A_25, %mul3A_145 : i32
      %add3A_147 = arith.constant 10 : i32
      %add3A_148 = arith.addi %mul3A_146, %add3A_147 : i32
      %dma_start3A_149 = arith.constant 0 : i32
      %dma_start3A_150 = tpu.memref_slice %arg7[%add3A_148, %dma_start3A_149] : memref<64x128xf32, #tpu.memory_space<vmem>> -> memref<1x128xf32, #tpu.memory_space<vmem>>
      %dma_start3A_151 = tpu.memref_squeeze %dma_start3A_150 : memref<1x128xf32, #tpu.memory_space<vmem>> -> memref<128xf32, #tpu.memory_space<vmem>>
      %dma_start3A_152 = arith.constant 0 : i32
      %dma_start3A_153 = tpu.memref_slice %arg6[%add3A_148, %dma_start3A_152] : memref<64x128xi32, #tpu.memory_space<vmem>> -> memref<1x128xi32, #tpu.memory_space<vmem>>
      %dma_start3A_154 = tpu.memref_squeeze %dma_start3A_153 : memref<1x128xi32, #tpu.memory_space<vmem>> -> memref<128xi32, #tpu.memory_space<vmem>>
      %dma_start3A_155 = arith.constant 0 : i32
      %dma_start3A_156 = tpu.memref_slice %arg8[%dma_start3A_155] : memref<1048576xf32, #tpu.memory_space<vmem_shared>> -> memref<1048576xf32, #tpu.memory_space<vmem_shared>>
      tpu.enqueue_indirect_dma source(%dma_start3A_151 : memref<128xf32, #tpu.memory_space<vmem>>) target(%dma_start3A_156 : memref<1048576xf32, #tpu.memory_space<vmem_shared>>) offsets(%dma_start3A_154 : memref<128xi32, #tpu.memory_space<vmem>>) semaphore(%arg9 : memref<!tpu.dma_semaphore, #tpu.memory_space<semaphore_mem>>) {add = true}
      %mul3A_157 = arith.constant 16 : i32
      %mul3A_158 = arith.muli %scan3A_25, %mul3A_157 : i32
      %add3A_159 = arith.constant 11 : i32
      %add3A_160 = arith.addi %mul3A_158, %add3A_159 : i32
      %dma_start3A_161 = arith.constant 0 : i32
      %dma_start3A_162 = tpu.memref_slice %arg7[%add3A_160, %dma_start3A_161] : memref<64x128xf32, #tpu.memory_space<vmem>> -> memref<1x128xf32, #tpu.memory_space<vmem>>
      %dma_start3A_163 = tpu.memref_squeeze %dma_start3A_162 : memref<1x128xf32, #tpu.memory_space<vmem>> -> memref<128xf32, #tpu.memory_space<vmem>>
      %dma_start3A_164 = arith.constant 0 : i32
      %dma_start3A_165 = tpu.memref_slice %arg6[%add3A_160, %dma_start3A_164] : memref<64x128xi32, #tpu.memory_space<vmem>> -> memref<1x128xi32, #tpu.memory_space<vmem>>
      %dma_start3A_166 = tpu.memref_squeeze %dma_start3A_165 : memref<1x128xi32, #tpu.memory_space<vmem>> -> memref<128xi32, #tpu.memory_space<vmem>>
      %dma_start3A_167 = arith.constant 0 : i32
      %dma_start3A_168 = tpu.memref_slice %arg8[%dma_start3A_167] : memref<1048576xf32, #tpu.memory_space<vmem_shared>> -> memref<1048576xf32, #tpu.memory_space<vmem_shared>>
      tpu.enqueue_indirect_dma source(%dma_start3A_163 : memref<128xf32, #tpu.memory_space<vmem>>) target(%dma_start3A_168 : memref<1048576xf32, #tpu.memory_space<vmem_shared>>) offsets(%dma_start3A_166 : memref<128xi32, #tpu.memory_space<vmem>>) semaphore(%arg9 : memref<!tpu.dma_semaphore, #tpu.memory_space<semaphore_mem>>) {add = true}
      %mul3A_169 = arith.constant 16 : i32
      %mul3A_170 = arith.muli %scan3A_25, %mul3A_169 : i32
      %add3A_171 = arith.constant 12 : i32
      %add3A_172 = arith.addi %mul3A_170, %add3A_171 : i32
      %dma_start3A_173 = arith.constant 0 : i32
      %dma_start3A_174 = tpu.memref_slice %arg7[%add3A_172, %dma_start3A_173] : memref<64x128xf32, #tpu.memory_space<vmem>> -> memref<1x128xf32, #tpu.memory_space<vmem>>
      %dma_start3A_175 = tpu.memref_squeeze %dma_start3A_174 : memref<1x128xf32, #tpu.memory_space<vmem>> -> memref<128xf32, #tpu.memory_space<vmem>>
      %dma_start3A_176 = arith.constant 0 : i32
      %dma_start3A_177 = tpu.memref_slice %arg6[%add3A_172, %dma_start3A_176] : memref<64x128xi32, #tpu.memory_space<vmem>> -> memref<1x128xi32, #tpu.memory_space<vmem>>
      %dma_start3A_178 = tpu.memref_squeeze %dma_start3A_177 : memref<1x128xi32, #tpu.memory_space<vmem>> -> memref<128xi32, #tpu.memory_space<vmem>>
      %dma_start3A_179 = arith.constant 0 : i32
      %dma_start3A_180 = tpu.memref_slice %arg8[%dma_start3A_179] : memref<1048576xf32, #tpu.memory_space<vmem_shared>> -> memref<1048576xf32, #tpu.memory_space<vmem_shared>>
      tpu.enqueue_indirect_dma source(%dma_start3A_175 : memref<128xf32, #tpu.memory_space<vmem>>) target(%dma_start3A_180 : memref<1048576xf32, #tpu.memory_space<vmem_shared>>) offsets(%dma_start3A_178 : memref<128xi32, #tpu.memory_space<vmem>>) semaphore(%arg9 : memref<!tpu.dma_semaphore, #tpu.memory_space<semaphore_mem>>) {add = true}
      %mul3A_181 = arith.constant 16 : i32
      %mul3A_182 = arith.muli %scan3A_25, %mul3A_181 : i32
      %add3A_183 = arith.constant 13 : i32
      %add3A_184 = arith.addi %mul3A_182, %add3A_183 : i32
      %dma_start3A_185 = arith.constant 0 : i32
      %dma_start3A_186 = tpu.memref_slice %arg7[%add3A_184, %dma_start3A_185] : memref<64x128xf32, #tpu.memory_space<vmem>> -> memref<1x128xf32, #tpu.memory_space<vmem>>
      %dma_start3A_187 = tpu.memref_squeeze %dma_start3A_186 : memref<1x128xf32, #tpu.memory_space<vmem>> -> memref<128xf32, #tpu.memory_space<vmem>>
      %dma_start3A_188 = arith.constant 0 : i32
      %dma_start3A_189 = tpu.memref_slice %arg6[%add3A_184, %dma_start3A_188] : memref<64x128xi32, #tpu.memory_space<vmem>> -> memref<1x128xi32, #tpu.memory_space<vmem>>
      %dma_start3A_190 = tpu.memref_squeeze %dma_start3A_189 : memref<1x128xi32, #tpu.memory_space<vmem>> -> memref<128xi32, #tpu.memory_space<vmem>>
      %dma_start3A_191 = arith.constant 0 : i32
      %dma_start3A_192 = tpu.memref_slice %arg8[%dma_start3A_191] : memref<1048576xf32, #tpu.memory_space<vmem_shared>> -> memref<1048576xf32, #tpu.memory_space<vmem_shared>>
      tpu.enqueue_indirect_dma source(%dma_start3A_187 : memref<128xf32, #tpu.memory_space<vmem>>) target(%dma_start3A_192 : memref<1048576xf32, #tpu.memory_space<vmem_shared>>) offsets(%dma_start3A_190 : memref<128xi32, #tpu.memory_space<vmem>>) semaphore(%arg9 : memref<!tpu.dma_semaphore, #tpu.memory_space<semaphore_mem>>) {add = true}
      %mul3A_193 = arith.constant 16 : i32
      %mul3A_194 = arith.muli %scan3A_25, %mul3A_193 : i32
      %add3A_195 = arith.constant 14 : i32
      %add3A_196 = arith.addi %mul3A_194, %add3A_195 : i32
      %dma_start3A_197 = arith.constant 0 : i32
      %dma_start3A_198 = tpu.memref_slice %arg7[%add3A_196, %dma_start3A_197] : memref<64x128xf32, #tpu.memory_space<vmem>> -> memref<1x128xf32, #tpu.memory_space<vmem>>
      %dma_start3A_199 = tpu.memref_squeeze %dma_start3A_198 : memref<1x128xf32, #tpu.memory_space<vmem>> -> memref<128xf32, #tpu.memory_space<vmem>>
      %dma_start3A_200 = arith.constant 0 : i32
      %dma_start3A_201 = tpu.memref_slice %arg6[%add3A_196, %dma_start3A_200] : memref<64x128xi32, #tpu.memory_space<vmem>> -> memref<1x128xi32, #tpu.memory_space<vmem>>
      %dma_start3A_202 = tpu.memref_squeeze %dma_start3A_201 : memref<1x128xi32, #tpu.memory_space<vmem>> -> memref<128xi32, #tpu.memory_space<vmem>>
      %dma_start3A_203 = arith.constant 0 : i32
      %dma_start3A_204 = tpu.memref_slice %arg8[%dma_start3A_203] : memref<1048576xf32, #tpu.memory_space<vmem_shared>> -> memref<1048576xf32, #tpu.memory_space<vmem_shared>>
      tpu.enqueue_indirect_dma source(%dma_start3A_199 : memref<128xf32, #tpu.memory_space<vmem>>) target(%dma_start3A_204 : memref<1048576xf32, #tpu.memory_space<vmem_shared>>) offsets(%dma_start3A_202 : memref<128xi32, #tpu.memory_space<vmem>>) semaphore(%arg9 : memref<!tpu.dma_semaphore, #tpu.memory_space<semaphore_mem>>) {add = true}
      %mul3A_205 = arith.constant 16 : i32
      %mul3A_206 = arith.muli %scan3A_25, %mul3A_205 : i32
      %add3A_207 = arith.constant 15 : i32
      %add3A_208 = arith.addi %mul3A_206, %add3A_207 : i32
      %dma_start3A_209 = arith.constant 0 : i32
      %dma_start3A_210 = tpu.memref_slice %arg7[%add3A_208, %dma_start3A_209] : memref<64x128xf32, #tpu.memory_space<vmem>> -> memref<1x128xf32, #tpu.memory_space<vmem>>
      %dma_start3A_211 = tpu.memref_squeeze %dma_start3A_210 : memref<1x128xf32, #tpu.memory_space<vmem>> -> memref<128xf32, #tpu.memory_space<vmem>>
      %dma_start3A_212 = arith.constant 0 : i32
      %dma_start3A_213 = tpu.memref_slice %arg6[%add3A_208, %dma_start3A_212] : memref<64x128xi32, #tpu.memory_space<vmem>> -> memref<1x128xi32, #tpu.memory_space<vmem>>
      %dma_start3A_214 = tpu.memref_squeeze %dma_start3A_213 : memref<1x128xi32, #tpu.memory_space<vmem>> -> memref<128xi32, #tpu.memory_space<vmem>>
      %dma_start3A_215 = arith.constant 0 : i32
      %dma_start3A_216 = tpu.memref_slice %arg8[%dma_start3A_215] : memref<1048576xf32, #tpu.memory_space<vmem_shared>> -> memref<1048576xf32, #tpu.memory_space<vmem_shared>>
      tpu.enqueue_indirect_dma source(%dma_start3A_211 : memref<128xf32, #tpu.memory_space<vmem>>) target(%dma_start3A_216 : memref<1048576xf32, #tpu.memory_space<vmem_shared>>) offsets(%dma_start3A_214 : memref<128xi32, #tpu.memory_space<vmem>>) semaphore(%arg9 : memref<!tpu.dma_semaphore, #tpu.memory_space<semaphore_mem>>) {add = true}
      %dma_wait3A = arith.constant 0 : i32
      %dma_wait3A_217 = tpu.memref_slice %arg7[%add3A_29, %dma_wait3A] : memref<64x128xf32, #tpu.memory_space<vmem>> -> memref<1x128xf32, #tpu.memory_space<vmem>>
      %dma_wait3A_218 = tpu.memref_squeeze %dma_wait3A_217 : memref<1x128xf32, #tpu.memory_space<vmem>> -> memref<128xf32, #tpu.memory_space<vmem>>
      %dma_wait3A_219 = arith.constant 0 : i32
      %dma_wait3A_220 = tpu.memref_slice %arg6[%add3A_29, %dma_wait3A_219] : memref<64x128xi32, #tpu.memory_space<vmem>> -> memref<1x128xi32, #tpu.memory_space<vmem>>
      %dma_wait3A_221 = tpu.memref_squeeze %dma_wait3A_220 : memref<1x128xi32, #tpu.memory_space<vmem>> -> memref<128xi32, #tpu.memory_space<vmem>>
      %dma_wait3A_222 = arith.constant 0 : i32
      %dma_wait3A_223 = tpu.memref_slice %arg8[%dma_wait3A_222] : memref<1048576xf32, #tpu.memory_space<vmem_shared>> -> memref<1048576xf32, #tpu.memory_space<vmem_shared>>
      tpu.wait_indirect_dma semaphore(%arg9 : memref<!tpu.dma_semaphore, #tpu.memory_space<semaphore_mem>>) src(%dma_wait3A_218 : memref<128xf32, #tpu.memory_space<vmem>>) dst(%dma_wait3A_223 : memref<1048576xf32, #tpu.memory_space<vmem_shared>>)
      %dma_wait3A_224 = arith.constant 0 : i32
      %dma_wait3A_225 = tpu.memref_slice %arg7[%add3A_40, %dma_wait3A_224] : memref<64x128xf32, #tpu.memory_space<vmem>> -> memref<1x128xf32, #tpu.memory_space<vmem>>
      %dma_wait3A_226 = tpu.memref_squeeze %dma_wait3A_225 : memref<1x128xf32, #tpu.memory_space<vmem>> -> memref<128xf32, #tpu.memory_space<vmem>>
      %dma_wait3A_227 = arith.constant 0 : i32
      %dma_wait3A_228 = tpu.memref_slice %arg6[%add3A_40, %dma_wait3A_227] : memref<64x128xi32, #tpu.memory_space<vmem>> -> memref<1x128xi32, #tpu.memory_space<vmem>>
      %dma_wait3A_229 = tpu.memref_squeeze %dma_wait3A_228 : memref<1x128xi32, #tpu.memory_space<vmem>> -> memref<128xi32, #tpu.memory_space<vmem>>
      %dma_wait3A_230 = arith.constant 0 : i32
      %dma_wait3A_231 = tpu.memref_slice %arg8[%dma_wait3A_230] : memref<1048576xf32, #tpu.memory_space<vmem_shared>> -> memref<1048576xf32, #tpu.memory_space<vmem_shared>>
      tpu.wait_indirect_dma semaphore(%arg9 : memref<!tpu.dma_semaphore, #tpu.memory_space<semaphore_mem>>) src(%dma_wait3A_226 : memref<128xf32, #tpu.memory_space<vmem>>) dst(%dma_wait3A_231 : memref<1048576xf32, #tpu.memory_space<vmem_shared>>)
      %dma_wait3A_232 = arith.constant 0 : i32
      %dma_wait3A_233 = tpu.memref_slice %arg7[%add3A_52, %dma_wait3A_232] : memref<64x128xf32, #tpu.memory_space<vmem>> -> memref<1x128xf32, #tpu.memory_space<vmem>>
      %dma_wait3A_234 = tpu.memref_squeeze %dma_wait3A_233 : memref<1x128xf32, #tpu.memory_space<vmem>> -> memref<128xf32, #tpu.memory_space<vmem>>
      %dma_wait3A_235 = arith.constant 0 : i32
      %dma_wait3A_236 = tpu.memref_slice %arg6[%add3A_52, %dma_wait3A_235] : memref<64x128xi32, #tpu.memory_space<vmem>> -> memref<1x128xi32, #tpu.memory_space<vmem>>
      %dma_wait3A_237 = tpu.memref_squeeze %dma_wait3A_236 : memref<1x128xi32, #tpu.memory_space<vmem>> -> memref<128xi32, #tpu.memory_space<vmem>>
      %dma_wait3A_238 = arith.constant 0 : i32
      %dma_wait3A_239 = tpu.memref_slice %arg8[%dma_wait3A_238] : memref<1048576xf32, #tpu.memory_space<vmem_shared>> -> memref<1048576xf32, #tpu.memory_space<vmem_shared>>
      tpu.wait_indirect_dma semaphore(%arg9 : memref<!tpu.dma_semaphore, #tpu.memory_space<semaphore_mem>>) src(%dma_wait3A_234 : memref<128xf32, #tpu.memory_space<vmem>>) dst(%dma_wait3A_239 : memref<1048576xf32, #tpu.memory_space<vmem_shared>>)
      %dma_wait3A_240 = arith.constant 0 : i32
      %dma_wait3A_241 = tpu.memref_slice %arg7[%add3A_64, %dma_wait3A_240] : memref<64x128xf32, #tpu.memory_space<vmem>> -> memref<1x128xf32, #tpu.memory_space<vmem>>
      %dma_wait3A_242 = tpu.memref_squeeze %dma_wait3A_241 : memref<1x128xf32, #tpu.memory_space<vmem>> -> memref<128xf32, #tpu.memory_space<vmem>>
      %dma_wait3A_243 = arith.constant 0 : i32
      %dma_wait3A_244 = tpu.memref_slice %arg6[%add3A_64, %dma_wait3A_243] : memref<64x128xi32, #tpu.memory_space<vmem>> -> memref<1x128xi32, #tpu.memory_space<vmem>>
      %dma_wait3A_245 = tpu.memref_squeeze %dma_wait3A_244 : memref<1x128xi32, #tpu.memory_space<vmem>> -> memref<128xi32, #tpu.memory_space<vmem>>
      %dma_wait3A_246 = arith.constant 0 : i32
      %dma_wait3A_247 = tpu.memref_slice %arg8[%dma_wait3A_246] : memref<1048576xf32, #tpu.memory_space<vmem_shared>> -> memref<1048576xf32, #tpu.memory_space<vmem_shared>>
      tpu.wait_indirect_dma semaphore(%arg9 : memref<!tpu.dma_semaphore, #tpu.memory_space<semaphore_mem>>) src(%dma_wait3A_242 : memref<128xf32, #tpu.memory_space<vmem>>) dst(%dma_wait3A_247 : memref<1048576xf32, #tpu.memory_space<vmem_shared>>)
      %dma_wait3A_248 = arith.constant 0 : i32
      %dma_wait3A_249 = tpu.memref_slice %arg7[%add3A_76, %dma_wait3A_248] : memref<64x128xf32, #tpu.memory_space<vmem>> -> memref<1x128xf32, #tpu.memory_space<vmem>>
      %dma_wait3A_250 = tpu.memref_squeeze %dma_wait3A_249 : memref<1x128xf32, #tpu.memory_space<vmem>> -> memref<128xf32, #tpu.memory_space<vmem>>
      %dma_wait3A_251 = arith.constant 0 : i32
      %dma_wait3A_252 = tpu.memref_slice %arg6[%add3A_76, %dma_wait3A_251] : memref<64x128xi32, #tpu.memory_space<vmem>> -> memref<1x128xi32, #tpu.memory_space<vmem>>
      %dma_wait3A_253 = tpu.memref_squeeze %dma_wait3A_252 : memref<1x128xi32, #tpu.memory_space<vmem>> -> memref<128xi32, #tpu.memory_space<vmem>>
      %dma_wait3A_254 = arith.constant 0 : i32
      %dma_wait3A_255 = tpu.memref_slice %arg8[%dma_wait3A_254] : memref<1048576xf32, #tpu.memory_space<vmem_shared>> -> memref<1048576xf32, #tpu.memory_space<vmem_shared>>
      tpu.wait_indirect_dma semaphore(%arg9 : memref<!tpu.dma_semaphore, #tpu.memory_space<semaphore_mem>>) src(%dma_wait3A_250 : memref<128xf32, #tpu.memory_space<vmem>>) dst(%dma_wait3A_255 : memref<1048576xf32, #tpu.memory_space<vmem_shared>>)
      %dma_wait3A_256 = arith.constant 0 : i32
      %dma_wait3A_257 = tpu.memref_slice %arg7[%add3A_88, %dma_wait3A_256] : memref<64x128xf32, #tpu.memory_space<vmem>> -> memref<1x128xf32, #tpu.memory_space<vmem>>
      %dma_wait3A_258 = tpu.memref_squeeze %dma_wait3A_257 : memref<1x128xf32, #tpu.memory_space<vmem>> -> memref<128xf32, #tpu.memory_space<vmem>>
      %dma_wait3A_259 = arith.constant 0 : i32
      %dma_wait3A_260 = tpu.memref_slice %arg6[%add3A_88, %dma_wait3A_259] : memref<64x128xi32, #tpu.memory_space<vmem>> -> memref<1x128xi32, #tpu.memory_space<vmem>>
      %dma_wait3A_261 = tpu.memref_squeeze %dma_wait3A_260 : memref<1x128xi32, #tpu.memory_space<vmem>> -> memref<128xi32, #tpu.memory_space<vmem>>
      %dma_wait3A_262 = arith.constant 0 : i32
      %dma_wait3A_263 = tpu.memref_slice %arg8[%dma_wait3A_262] : memref<1048576xf32, #tpu.memory_space<vmem_shared>> -> memref<1048576xf32, #tpu.memory_space<vmem_shared>>
      tpu.wait_indirect_dma semaphore(%arg9 : memref<!tpu.dma_semaphore, #tpu.memory_space<semaphore_mem>>) src(%dma_wait3A_258 : memref<128xf32, #tpu.memory_space<vmem>>) dst(%dma_wait3A_263 : memref<1048576xf32, #tpu.memory_space<vmem_shared>>)
      %dma_wait3A_264 = arith.constant 0 : i32
      %dma_wait3A_265 = tpu.memref_slice %arg7[%add3A_100, %dma_wait3A_264] : memref<64x128xf32, #tpu.memory_space<vmem>> -> memref<1x128xf32, #tpu.memory_space<vmem>>
      %dma_wait3A_266 = tpu.memref_squeeze %dma_wait3A_265 : memref<1x128xf32, #tpu.memory_space<vmem>> -> memref<128xf32, #tpu.memory_space<vmem>>
      %dma_wait3A_267 = arith.constant 0 : i32
      %dma_wait3A_268 = tpu.memref_slice %arg6[%add3A_100, %dma_wait3A_267] : memref<64x128xi32, #tpu.memory_space<vmem>> -> memref<1x128xi32, #tpu.memory_space<vmem>>
      %dma_wait3A_269 = tpu.memref_squeeze %dma_wait3A_268 : memref<1x128xi32, #tpu.memory_space<vmem>> -> memref<128xi32, #tpu.memory_space<vmem>>
      %dma_wait3A_270 = arith.constant 0 : i32
      %dma_wait3A_271 = tpu.memref_slice %arg8[%dma_wait3A_270] : memref<1048576xf32, #tpu.memory_space<vmem_shared>> -> memref<1048576xf32, #tpu.memory_space<vmem_shared>>
      tpu.wait_indirect_dma semaphore(%arg9 : memref<!tpu.dma_semaphore, #tpu.memory_space<semaphore_mem>>) src(%dma_wait3A_266 : memref<128xf32, #tpu.memory_space<vmem>>) dst(%dma_wait3A_271 : memref<1048576xf32, #tpu.memory_space<vmem_shared>>)
      %dma_wait3A_272 = arith.constant 0 : i32
      %dma_wait3A_273 = tpu.memref_slice %arg7[%add3A_112, %dma_wait3A_272] : memref<64x128xf32, #tpu.memory_space<vmem>> -> memref<1x128xf32, #tpu.memory_space<vmem>>
      %dma_wait3A_274 = tpu.memref_squeeze %dma_wait3A_273 : memref<1x128xf32, #tpu.memory_space<vmem>> -> memref<128xf32, #tpu.memory_space<vmem>>
      %dma_wait3A_275 = arith.constant 0 : i32
      %dma_wait3A_276 = tpu.memref_slice %arg6[%add3A_112, %dma_wait3A_275] : memref<64x128xi32, #tpu.memory_space<vmem>> -> memref<1x128xi32, #tpu.memory_space<vmem>>
      %dma_wait3A_277 = tpu.memref_squeeze %dma_wait3A_276 : memref<1x128xi32, #tpu.memory_space<vmem>> -> memref<128xi32, #tpu.memory_space<vmem>>
      %dma_wait3A_278 = arith.constant 0 : i32
      %dma_wait3A_279 = tpu.memref_slice %arg8[%dma_wait3A_278] : memref<1048576xf32, #tpu.memory_space<vmem_shared>> -> memref<1048576xf32, #tpu.memory_space<vmem_shared>>
      tpu.wait_indirect_dma semaphore(%arg9 : memref<!tpu.dma_semaphore, #tpu.memory_space<semaphore_mem>>) src(%dma_wait3A_274 : memref<128xf32, #tpu.memory_space<vmem>>) dst(%dma_wait3A_279 : memref<1048576xf32, #tpu.memory_space<vmem_shared>>)
      %dma_wait3A_280 = arith.constant 0 : i32
      %dma_wait3A_281 = tpu.memref_slice %arg7[%add3A_124, %dma_wait3A_280] : memref<64x128xf32, #tpu.memory_space<vmem>> -> memref<1x128xf32, #tpu.memory_space<vmem>>
      %dma_wait3A_282 = tpu.memref_squeeze %dma_wait3A_281 : memref<1x128xf32, #tpu.memory_space<vmem>> -> memref<128xf32, #tpu.memory_space<vmem>>
      %dma_wait3A_283 = arith.constant 0 : i32
      %dma_wait3A_284 = tpu.memref_slice %arg6[%add3A_124, %dma_wait3A_283] : memref<64x128xi32, #tpu.memory_space<vmem>> -> memref<1x128xi32, #tpu.memory_space<vmem>>
      %dma_wait3A_285 = tpu.memref_squeeze %dma_wait3A_284 : memref<1x128xi32, #tpu.memory_space<vmem>> -> memref<128xi32, #tpu.memory_space<vmem>>
      %dma_wait3A_286 = arith.constant 0 : i32
      %dma_wait3A_287 = tpu.memref_slice %arg8[%dma_wait3A_286] : memref<1048576xf32, #tpu.memory_space<vmem_shared>> -> memref<1048576xf32, #tpu.memory_space<vmem_shared>>
      tpu.wait_indirect_dma semaphore(%arg9 : memref<!tpu.dma_semaphore, #tpu.memory_space<semaphore_mem>>) src(%dma_wait3A_282 : memref<128xf32, #tpu.memory_space<vmem>>) dst(%dma_wait3A_287 : memref<1048576xf32, #tpu.memory_space<vmem_shared>>)
      %dma_wait3A_288 = arith.constant 0 : i32
      %dma_wait3A_289 = tpu.memref_slice %arg7[%add3A_136, %dma_wait3A_288] : memref<64x128xf32, #tpu.memory_space<vmem>> -> memref<1x128xf32, #tpu.memory_space<vmem>>
      %dma_wait3A_290 = tpu.memref_squeeze %dma_wait3A_289 : memref<1x128xf32, #tpu.memory_space<vmem>> -> memref<128xf32, #tpu.memory_space<vmem>>
      %dma_wait3A_291 = arith.constant 0 : i32
      %dma_wait3A_292 = tpu.memref_slice %arg6[%add3A_136, %dma_wait3A_291] : memref<64x128xi32, #tpu.memory_space<vmem>> -> memref<1x128xi32, #tpu.memory_space<vmem>>
      %dma_wait3A_293 = tpu.memref_squeeze %dma_wait3A_292 : memref<1x128xi32, #tpu.memory_space<vmem>> -> memref<128xi32, #tpu.memory_space<vmem>>
      %dma_wait3A_294 = arith.constant 0 : i32
      %dma_wait3A_295 = tpu.memref_slice %arg8[%dma_wait3A_294] : memref<1048576xf32, #tpu.memory_space<vmem_shared>> -> memref<1048576xf32, #tpu.memory_space<vmem_shared>>
      tpu.wait_indirect_dma semaphore(%arg9 : memref<!tpu.dma_semaphore, #tpu.memory_space<semaphore_mem>>) src(%dma_wait3A_290 : memref<128xf32, #tpu.memory_space<vmem>>) dst(%dma_wait3A_295 : memref<1048576xf32, #tpu.memory_space<vmem_shared>>)
      %dma_wait3A_296 = arith.constant 0 : i32
      %dma_wait3A_297 = tpu.memref_slice %arg7[%add3A_148, %dma_wait3A_296] : memref<64x128xf32, #tpu.memory_space<vmem>> -> memref<1x128xf32, #tpu.memory_space<vmem>>
      %dma_wait3A_298 = tpu.memref_squeeze %dma_wait3A_297 : memref<1x128xf32, #tpu.memory_space<vmem>> -> memref<128xf32, #tpu.memory_space<vmem>>
      %dma_wait3A_299 = arith.constant 0 : i32
      %dma_wait3A_300 = tpu.memref_slice %arg6[%add3A_148, %dma_wait3A_299] : memref<64x128xi32, #tpu.memory_space<vmem>> -> memref<1x128xi32, #tpu.memory_space<vmem>>
      %dma_wait3A_301 = tpu.memref_squeeze %dma_wait3A_300 : memref<1x128xi32, #tpu.memory_space<vmem>> -> memref<128xi32, #tpu.memory_space<vmem>>
      %dma_wait3A_302 = arith.constant 0 : i32
      %dma_wait3A_303 = tpu.memref_slice %arg8[%dma_wait3A_302] : memref<1048576xf32, #tpu.memory_space<vmem_shared>> -> memref<1048576xf32, #tpu.memory_space<vmem_shared>>
      tpu.wait_indirect_dma semaphore(%arg9 : memref<!tpu.dma_semaphore, #tpu.memory_space<semaphore_mem>>) src(%dma_wait3A_298 : memref<128xf32, #tpu.memory_space<vmem>>) dst(%dma_wait3A_303 : memref<1048576xf32, #tpu.memory_space<vmem_shared>>)
      %dma_wait3A_304 = arith.constant 0 : i32
      %dma_wait3A_305 = tpu.memref_slice %arg7[%add3A_160, %dma_wait3A_304] : memref<64x128xf32, #tpu.memory_space<vmem>> -> memref<1x128xf32, #tpu.memory_space<vmem>>
      %dma_wait3A_306 = tpu.memref_squeeze %dma_wait3A_305 : memref<1x128xf32, #tpu.memory_space<vmem>> -> memref<128xf32, #tpu.memory_space<vmem>>
      %dma_wait3A_307 = arith.constant 0 : i32
      %dma_wait3A_308 = tpu.memref_slice %arg6[%add3A_160, %dma_wait3A_307] : memref<64x128xi32, #tpu.memory_space<vmem>> -> memref<1x128xi32, #tpu.memory_space<vmem>>
      %dma_wait3A_309 = tpu.memref_squeeze %dma_wait3A_308 : memref<1x128xi32, #tpu.memory_space<vmem>> -> memref<128xi32, #tpu.memory_space<vmem>>
      %dma_wait3A_310 = arith.constant 0 : i32
      %dma_wait3A_311 = tpu.memref_slice %arg8[%dma_wait3A_310] : memref<1048576xf32, #tpu.memory_space<vmem_shared>> -> memref<1048576xf32, #tpu.memory_space<vmem_shared>>
      tpu.wait_indirect_dma semaphore(%arg9 : memref<!tpu.dma_semaphore, #tpu.memory_space<semaphore_mem>>) src(%dma_wait3A_306 : memref<128xf32, #tpu.memory_space<vmem>>) dst(%dma_wait3A_311 : memref<1048576xf32, #tpu.memory_space<vmem_shared>>)
      %dma_wait3A_312 = arith.constant 0 : i32
      %dma_wait3A_313 = tpu.memref_slice %arg7[%add3A_172, %dma_wait3A_312] : memref<64x128xf32, #tpu.memory_space<vmem>> -> memref<1x128xf32, #tpu.memory_space<vmem>>
      %dma_wait3A_314 = tpu.memref_squeeze %dma_wait3A_313 : memref<1x128xf32, #tpu.memory_space<vmem>> -> memref<128xf32, #tpu.memory_space<vmem>>
      %dma_wait3A_315 = arith.constant 0 : i32
      %dma_wait3A_316 = tpu.memref_slice %arg6[%add3A_172, %dma_wait3A_315] : memref<64x128xi32, #tpu.memory_space<vmem>> -> memref<1x128xi32, #tpu.memory_space<vmem>>
      %dma_wait3A_317 = tpu.memref_squeeze %dma_wait3A_316 : memref<1x128xi32, #tpu.memory_space<vmem>> -> memref<128xi32, #tpu.memory_space<vmem>>
      %dma_wait3A_318 = arith.constant 0 : i32
      %dma_wait3A_319 = tpu.memref_slice %arg8[%dma_wait3A_318] : memref<1048576xf32, #tpu.memory_space<vmem_shared>> -> memref<1048576xf32, #tpu.memory_space<vmem_shared>>
      tpu.wait_indirect_dma semaphore(%arg9 : memref<!tpu.dma_semaphore, #tpu.memory_space<semaphore_mem>>) src(%dma_wait3A_314 : memref<128xf32, #tpu.memory_space<vmem>>) dst(%dma_wait3A_319 : memref<1048576xf32, #tpu.memory_space<vmem_shared>>)
      %dma_wait3A_320 = arith.constant 0 : i32
      %dma_wait3A_321 = tpu.memref_slice %arg7[%add3A_184, %dma_wait3A_320] : memref<64x128xf32, #tpu.memory_space<vmem>> -> memref<1x128xf32, #tpu.memory_space<vmem>>
      %dma_wait3A_322 = tpu.memref_squeeze %dma_wait3A_321 : memref<1x128xf32, #tpu.memory_space<vmem>> -> memref<128xf32, #tpu.memory_space<vmem>>
      %dma_wait3A_323 = arith.constant 0 : i32
      %dma_wait3A_324 = tpu.memref_slice %arg6[%add3A_184, %dma_wait3A_323] : memref<64x128xi32, #tpu.memory_space<vmem>> -> memref<1x128xi32, #tpu.memory_space<vmem>>
      %dma_wait3A_325 = tpu.memref_squeeze %dma_wait3A_324 : memref<1x128xi32, #tpu.memory_space<vmem>> -> memref<128xi32, #tpu.memory_space<vmem>>
      %dma_wait3A_326 = arith.constant 0 : i32
      %dma_wait3A_327 = tpu.memref_slice %arg8[%dma_wait3A_326] : memref<1048576xf32, #tpu.memory_space<vmem_shared>> -> memref<1048576xf32, #tpu.memory_space<vmem_shared>>
      tpu.wait_indirect_dma semaphore(%arg9 : memref<!tpu.dma_semaphore, #tpu.memory_space<semaphore_mem>>) src(%dma_wait3A_322 : memref<128xf32, #tpu.memory_space<vmem>>) dst(%dma_wait3A_327 : memref<1048576xf32, #tpu.memory_space<vmem_shared>>)
      %dma_wait3A_328 = arith.constant 0 : i32
      %dma_wait3A_329 = tpu.memref_slice %arg7[%add3A_196, %dma_wait3A_328] : memref<64x128xf32, #tpu.memory_space<vmem>> -> memref<1x128xf32, #tpu.memory_space<vmem>>
      %dma_wait3A_330 = tpu.memref_squeeze %dma_wait3A_329 : memref<1x128xf32, #tpu.memory_space<vmem>> -> memref<128xf32, #tpu.memory_space<vmem>>
      %dma_wait3A_331 = arith.constant 0 : i32
      %dma_wait3A_332 = tpu.memref_slice %arg6[%add3A_196, %dma_wait3A_331] : memref<64x128xi32, #tpu.memory_space<vmem>> -> memref<1x128xi32, #tpu.memory_space<vmem>>
      %dma_wait3A_333 = tpu.memref_squeeze %dma_wait3A_332 : memref<1x128xi32, #tpu.memory_space<vmem>> -> memref<128xi32, #tpu.memory_space<vmem>>
      %dma_wait3A_334 = arith.constant 0 : i32
      %dma_wait3A_335 = tpu.memref_slice %arg8[%dma_wait3A_334] : memref<1048576xf32, #tpu.memory_space<vmem_shared>> -> memref<1048576xf32, #tpu.memory_space<vmem_shared>>
      tpu.wait_indirect_dma semaphore(%arg9 : memref<!tpu.dma_semaphore, #tpu.memory_space<semaphore_mem>>) src(%dma_wait3A_330 : memref<128xf32, #tpu.memory_space<vmem>>) dst(%dma_wait3A_335 : memref<1048576xf32, #tpu.memory_space<vmem_shared>>)
      %dma_wait3A_336 = arith.constant 0 : i32
      %dma_wait3A_337 = tpu.memref_slice %arg7[%add3A_208, %dma_wait3A_336] : memref<64x128xf32, #tpu.memory_space<vmem>> -> memref<1x128xf32, #tpu.memory_space<vmem>>
      %dma_wait3A_338 = tpu.memref_squeeze %dma_wait3A_337 : memref<1x128xf32, #tpu.memory_space<vmem>> -> memref<128xf32, #tpu.memory_space<vmem>>
      %dma_wait3A_339 = arith.constant 0 : i32
      %dma_wait3A_340 = tpu.memref_slice %arg6[%add3A_208, %dma_wait3A_339] : memref<64x128xi32, #tpu.memory_space<vmem>> -> memref<1x128xi32, #tpu.memory_space<vmem>>
      %dma_wait3A_341 = tpu.memref_squeeze %dma_wait3A_340 : memref<1x128xi32, #tpu.memory_space<vmem>> -> memref<128xi32, #tpu.memory_space<vmem>>
      %dma_wait3A_342 = arith.constant 0 : i32
      %dma_wait3A_343 = tpu.memref_slice %arg8[%dma_wait3A_342] : memref<1048576xf32, #tpu.memory_space<vmem_shared>> -> memref<1048576xf32, #tpu.memory_space<vmem_shared>>
      tpu.wait_indirect_dma semaphore(%arg9 : memref<!tpu.dma_semaphore, #tpu.memory_space<semaphore_mem>>) src(%dma_wait3A_338 : memref<128xf32, #tpu.memory_space<vmem>>) dst(%dma_wait3A_343 : memref<1048576xf32, #tpu.memory_space<vmem_shared>>)
    }
    %scan3A_6 = arith.constant 4 : i32
    %mul3A_7 = arith.constant 65536 : i32
    %mul3A_8 = arith.muli %arg1, %mul3A_7 : i32
    %mul3A_9 = arith.constant 65536 : i32
    %mul3A_10 = arith.muli %arg1, %mul3A_9 : i32
    "tpu.region"() ({
      %run_scoped3A = tpu.sem_alloc : memref<!tpu.dma_semaphore, #tpu.memory_space<semaphore_mem>>
      %dma_start3A = tpu.memref_slice %arg5[%add3A_0, %mul3A_10] : memref<4x1048576xf32, #tpu.memory_space<hbm>> -> memref<1x65536xf32, #tpu.memory_space<hbm>>
      %dma_start3A_25 = tpu.memref_squeeze %dma_start3A : memref<1x65536xf32, #tpu.memory_space<hbm>> -> memref<65536xf32, #tpu.memory_space<hbm>>
      %dma_start3A_26 = tpu.memref_slice %arg8[%mul3A_8] : memref<1048576xf32, #tpu.memory_space<vmem_shared>> -> memref<65536xf32, #tpu.memory_space<vmem_shared>>
      tpu.enqueue_dma source(%dma_start3A_26 : memref<65536xf32, #tpu.memory_space<vmem_shared>>) target(%dma_start3A_25 : memref<65536xf32, #tpu.memory_space<hbm>>) target_semaphore(%run_scoped3A : memref<!tpu.dma_semaphore, #tpu.memory_space<semaphore_mem>>)
      %dma_wait3A = tpu.memref_slice %arg5[%add3A_0, %mul3A_10] : memref<4x1048576xf32, #tpu.memory_space<hbm>> -> memref<1x65536xf32, #tpu.memory_space<hbm>>
      %dma_wait3A_27 = tpu.memref_squeeze %dma_wait3A : memref<1x65536xf32, #tpu.memory_space<hbm>> -> memref<65536xf32, #tpu.memory_space<hbm>>
      %dma_wait3A_28 = tpu.memref_slice %arg8[%mul3A_8] : memref<1048576xf32, #tpu.memory_space<vmem_shared>> -> memref<65536xf32, #tpu.memory_space<vmem_shared>>
      tpu.wait_dma2 semaphore(%run_scoped3A : memref<!tpu.dma_semaphore, #tpu.memory_space<semaphore_mem>>) src(%dma_wait3A_28 : memref<65536xf32, #tpu.memory_space<vmem_shared>>) dst(%dma_wait3A_27 : memref<65536xf32, #tpu.memory_space<hbm>>)
      tpu.yield
    }) : () -> ()
    %add3A_11 = arith.constant 2 : i32
    %add3A_12 = arith.addi %add3A_11, %arg0 : i32
    %mul3A_13 = arith.constant 65536 : i32
    %mul3A_14 = arith.muli %arg1, %mul3A_13 : i32
    "tpu.region"() ({
      %run_scoped3A = tpu.sem_alloc : memref<!tpu.dma_semaphore, #tpu.memory_space<semaphore_mem>>
      %dma_start3A = tpu.memref_slice %arg8[%mul3A_14] : memref<1048576xf32, #tpu.memory_space<vmem_shared>> -> memref<65536xf32, #tpu.memory_space<vmem_shared>>
      tpu.enqueue_dma source(%arg4 : memref<65536xf32, #tpu.memory_space<hbm>>) target(%dma_start3A : memref<65536xf32, #tpu.memory_space<vmem_shared>>) target_semaphore(%run_scoped3A : memref<!tpu.dma_semaphore, #tpu.memory_space<semaphore_mem>>)
      %dma_wait3A = tpu.memref_slice %arg8[%mul3A_14] : memref<1048576xf32, #tpu.memory_space<vmem_shared>> -> memref<65536xf32, #tpu.memory_space<vmem_shared>>
      tpu.wait_dma2 semaphore(%run_scoped3A : memref<!tpu.dma_semaphore, #tpu.memory_space<semaphore_mem>>) src(%arg4 : memref<65536xf32, #tpu.memory_space<hbm>>) dst(%dma_wait3A : memref<65536xf32, #tpu.memory_space<vmem_shared>>)
      tpu.yield
    }) : () -> ()
    "tpu.region"() ({
      %run_scoped3A = tpu.sem_alloc : memref<!tpu.dma_semaphore, #tpu.memory_space<semaphore_mem>>
      %dma_start3A = arith.constant 0 : i32
      %dma_start3A_25 = arith.constant 0 : i32
      %dma_start3A_26 = tpu.memref_slice %arg2[%add3A_12, %arg1, %dma_start3A, %dma_start3A_25] : memref<4x16x64x128xi32, #tpu.memory_space<hbm>> -> memref<1x1x64x128xi32, #tpu.memory_space<hbm>>
      %dma_start3A_27 = tpu.memref_squeeze %dma_start3A_26 : memref<1x1x64x128xi32, #tpu.memory_space<hbm>> -> memref<64x128xi32, #tpu.memory_space<hbm>>
      %dma_start3A_28 = arith.constant 0 : i32
      %dma_start3A_29 = arith.constant 0 : i32
      %dma_start3A_30 = tpu.memref_slice %arg2[%add3A_12, %arg1, %dma_start3A_28, %dma_start3A_29] : memref<4x16x64x128xi32, #tpu.memory_space<hbm>> -> memref<1x1x64x128xi32, #tpu.memory_space<hbm>>
      %dma_start3A_31 = tpu.memref_squeeze %dma_start3A_30 : memref<1x1x64x128xi32, #tpu.memory_space<hbm>> -> memref<64x128xi32, #tpu.memory_space<hbm>>
      tpu.enqueue_dma source(%dma_start3A_31 : memref<64x128xi32, #tpu.memory_space<hbm>>) target(%arg6 : memref<64x128xi32, #tpu.memory_space<vmem>>) target_semaphore(%run_scoped3A : memref<!tpu.dma_semaphore, #tpu.memory_space<semaphore_mem>>)
      %dma_wait3A = arith.constant 0 : i32
      %dma_wait3A_32 = arith.constant 0 : i32
      %dma_wait3A_33 = tpu.memref_slice %arg2[%add3A_12, %arg1, %dma_wait3A, %dma_wait3A_32] : memref<4x16x64x128xi32, #tpu.memory_space<hbm>> -> memref<1x1x64x128xi32, #tpu.memory_space<hbm>>
      %dma_wait3A_34 = tpu.memref_squeeze %dma_wait3A_33 : memref<1x1x64x128xi32, #tpu.memory_space<hbm>> -> memref<64x128xi32, #tpu.memory_space<hbm>>
      %dma_wait3A_35 = arith.constant 0 : i32
      %dma_wait3A_36 = arith.constant 0 : i32
      %dma_wait3A_37 = tpu.memref_slice %arg2[%add3A_12, %arg1, %dma_wait3A_35, %dma_wait3A_36] : memref<4x16x64x128xi32, #tpu.memory_space<hbm>> -> memref<1x1x64x128xi32, #tpu.memory_space<hbm>>
      %dma_wait3A_38 = tpu.memref_squeeze %dma_wait3A_37 : memref<1x1x64x128xi32, #tpu.memory_space<hbm>> -> memref<64x128xi32, #tpu.memory_space<hbm>>
      tpu.wait_dma2 semaphore(%run_scoped3A : memref<!tpu.dma_semaphore, #tpu.memory_space<semaphore_mem>>) src(%dma_wait3A_38 : memref<64x128xi32, #tpu.memory_space<hbm>>) dst(%arg6 : memref<64x128xi32, #tpu.memory_space<vmem>>)
      tpu.yield
    }) : () -> ()
    "tpu.region"() ({
      %run_scoped3A = tpu.sem_alloc : memref<!tpu.dma_semaphore, #tpu.memory_space<semaphore_mem>>
      %dma_start3A = arith.constant 0 : i32
      %dma_start3A_25 = arith.constant 0 : i32
      %dma_start3A_26 = tpu.memref_slice %arg3[%add3A_12, %arg1, %dma_start3A, %dma_start3A_25] : memref<4x16x64x128xf32, #tpu.memory_space<hbm>> -> memref<1x1x64x128xf32, #tpu.memory_space<hbm>>
      %dma_start3A_27 = tpu.memref_squeeze %dma_start3A_26 : memref<1x1x64x128xf32, #tpu.memory_space<hbm>> -> memref<64x128xf32, #tpu.memory_space<hbm>>
      %dma_start3A_28 = arith.constant 0 : i32
      %dma_start3A_29 = arith.constant 0 : i32
      %dma_start3A_30 = tpu.memref_slice %arg3[%add3A_12, %arg1, %dma_start3A_28, %dma_start3A_29] : memref<4x16x64x128xf32, #tpu.memory_space<hbm>> -> memref<1x1x64x128xf32, #tpu.memory_space<hbm>>
      %dma_start3A_31 = tpu.memref_squeeze %dma_start3A_30 : memref<1x1x64x128xf32, #tpu.memory_space<hbm>> -> memref<64x128xf32, #tpu.memory_space<hbm>>
      tpu.enqueue_dma source(%dma_start3A_31 : memref<64x128xf32, #tpu.memory_space<hbm>>) target(%arg7 : memref<64x128xf32, #tpu.memory_space<vmem>>) target_semaphore(%run_scoped3A : memref<!tpu.dma_semaphore, #tpu.memory_space<semaphore_mem>>)
      %dma_wait3A = arith.constant 0 : i32
      %dma_wait3A_32 = arith.constant 0 : i32
      %dma_wait3A_33 = tpu.memref_slice %arg3[%add3A_12, %arg1, %dma_wait3A, %dma_wait3A_32] : memref<4x16x64x128xf32, #tpu.memory_space<hbm>> -> memref<1x1x64x128xf32, #tpu.memory_space<hbm>>
      %dma_wait3A_34 = tpu.memref_squeeze %dma_wait3A_33 : memref<1x1x64x128xf32, #tpu.memory_space<hbm>> -> memref<64x128xf32, #tpu.memory_space<hbm>>
      %dma_wait3A_35 = arith.constant 0 : i32
      %dma_wait3A_36 = arith.constant 0 : i32
      %dma_wait3A_37 = tpu.memref_slice %arg3[%add3A_12, %arg1, %dma_wait3A_35, %dma_wait3A_36] : memref<4x16x64x128xf32, #tpu.memory_space<hbm>> -> memref<1x1x64x128xf32, #tpu.memory_space<hbm>>
      %dma_wait3A_38 = tpu.memref_squeeze %dma_wait3A_37 : memref<1x1x64x128xf32, #tpu.memory_space<hbm>> -> memref<64x128xf32, #tpu.memory_space<hbm>>
      tpu.wait_dma2 semaphore(%run_scoped3A : memref<!tpu.dma_semaphore, #tpu.memory_space<semaphore_mem>>) src(%dma_wait3A_38 : memref<64x128xf32, #tpu.memory_space<hbm>>) dst(%arg7 : memref<64x128xf32, #tpu.memory_space<vmem>>)
      tpu.yield
    }) : () -> ()
    %scan3A_15 = arith.constant 0 : i32
    %scan3A_16 = arith.constant 0 : i32
    %scan3A_17 = arith.constant 4 : i32
    %scan3A_18 = arith.addi %scan3A_16, %scan3A_17 : i32
    %scan3A_19 = arith.constant 1 : i32
    scf.for %scan3A_25 = %scan3A_16 to %scan3A_18 step %scan3A_19  : i32 {
      %mul3A_26 = arith.constant 16 : i32
      %mul3A_27 = arith.muli %scan3A_25, %mul3A_26 : i32
      %add3A_28 = arith.constant 0 : i32
      %add3A_29 = arith.addi %mul3A_27, %add3A_28 : i32
      %dma_start3A = arith.constant 0 : i32
      %dma_start3A_30 = tpu.memref_slice %arg7[%add3A_29, %dma_start3A] : memref<64x128xf32, #tpu.memory_space<vmem>> -> memref<1x128xf32, #tpu.memory_space<vmem>>
      %dma_start3A_31 = tpu.memref_squeeze %dma_start3A_30 : memref<1x128xf32, #tpu.memory_space<vmem>> -> memref<128xf32, #tpu.memory_space<vmem>>
      %dma_start3A_32 = arith.constant 0 : i32
      %dma_start3A_33 = tpu.memref_slice %arg6[%add3A_29, %dma_start3A_32] : memref<64x128xi32, #tpu.memory_space<vmem>> -> memref<1x128xi32, #tpu.memory_space<vmem>>
      %dma_start3A_34 = tpu.memref_squeeze %dma_start3A_33 : memref<1x128xi32, #tpu.memory_space<vmem>> -> memref<128xi32, #tpu.memory_space<vmem>>
      %dma_start3A_35 = arith.constant 0 : i32
      %dma_start3A_36 = tpu.memref_slice %arg8[%dma_start3A_35] : memref<1048576xf32, #tpu.memory_space<vmem_shared>> -> memref<1048576xf32, #tpu.memory_space<vmem_shared>>
      tpu.enqueue_indirect_dma source(%dma_start3A_31 : memref<128xf32, #tpu.memory_space<vmem>>) target(%dma_start3A_36 : memref<1048576xf32, #tpu.memory_space<vmem_shared>>) offsets(%dma_start3A_34 : memref<128xi32, #tpu.memory_space<vmem>>) semaphore(%arg9 : memref<!tpu.dma_semaphore, #tpu.memory_space<semaphore_mem>>) {add = true}
      %mul3A_37 = arith.constant 16 : i32
      %mul3A_38 = arith.muli %scan3A_25, %mul3A_37 : i32
      %add3A_39 = arith.constant 1 : i32
      %add3A_40 = arith.addi %mul3A_38, %add3A_39 : i32
      %dma_start3A_41 = arith.constant 0 : i32
      %dma_start3A_42 = tpu.memref_slice %arg7[%add3A_40, %dma_start3A_41] : memref<64x128xf32, #tpu.memory_space<vmem>> -> memref<1x128xf32, #tpu.memory_space<vmem>>
      %dma_start3A_43 = tpu.memref_squeeze %dma_start3A_42 : memref<1x128xf32, #tpu.memory_space<vmem>> -> memref<128xf32, #tpu.memory_space<vmem>>
      %dma_start3A_44 = arith.constant 0 : i32
      %dma_start3A_45 = tpu.memref_slice %arg6[%add3A_40, %dma_start3A_44] : memref<64x128xi32, #tpu.memory_space<vmem>> -> memref<1x128xi32, #tpu.memory_space<vmem>>
      %dma_start3A_46 = tpu.memref_squeeze %dma_start3A_45 : memref<1x128xi32, #tpu.memory_space<vmem>> -> memref<128xi32, #tpu.memory_space<vmem>>
      %dma_start3A_47 = arith.constant 0 : i32
      %dma_start3A_48 = tpu.memref_slice %arg8[%dma_start3A_47] : memref<1048576xf32, #tpu.memory_space<vmem_shared>> -> memref<1048576xf32, #tpu.memory_space<vmem_shared>>
      tpu.enqueue_indirect_dma source(%dma_start3A_43 : memref<128xf32, #tpu.memory_space<vmem>>) target(%dma_start3A_48 : memref<1048576xf32, #tpu.memory_space<vmem_shared>>) offsets(%dma_start3A_46 : memref<128xi32, #tpu.memory_space<vmem>>) semaphore(%arg9 : memref<!tpu.dma_semaphore, #tpu.memory_space<semaphore_mem>>) {add = true}
      %mul3A_49 = arith.constant 16 : i32
      %mul3A_50 = arith.muli %scan3A_25, %mul3A_49 : i32
      %add3A_51 = arith.constant 2 : i32
      %add3A_52 = arith.addi %mul3A_50, %add3A_51 : i32
      %dma_start3A_53 = arith.constant 0 : i32
      %dma_start3A_54 = tpu.memref_slice %arg7[%add3A_52, %dma_start3A_53] : memref<64x128xf32, #tpu.memory_space<vmem>> -> memref<1x128xf32, #tpu.memory_space<vmem>>
      %dma_start3A_55 = tpu.memref_squeeze %dma_start3A_54 : memref<1x128xf32, #tpu.memory_space<vmem>> -> memref<128xf32, #tpu.memory_space<vmem>>
      %dma_start3A_56 = arith.constant 0 : i32
      %dma_start3A_57 = tpu.memref_slice %arg6[%add3A_52, %dma_start3A_56] : memref<64x128xi32, #tpu.memory_space<vmem>> -> memref<1x128xi32, #tpu.memory_space<vmem>>
      %dma_start3A_58 = tpu.memref_squeeze %dma_start3A_57 : memref<1x128xi32, #tpu.memory_space<vmem>> -> memref<128xi32, #tpu.memory_space<vmem>>
      %dma_start3A_59 = arith.constant 0 : i32
      %dma_start3A_60 = tpu.memref_slice %arg8[%dma_start3A_59] : memref<1048576xf32, #tpu.memory_space<vmem_shared>> -> memref<1048576xf32, #tpu.memory_space<vmem_shared>>
      tpu.enqueue_indirect_dma source(%dma_start3A_55 : memref<128xf32, #tpu.memory_space<vmem>>) target(%dma_start3A_60 : memref<1048576xf32, #tpu.memory_space<vmem_shared>>) offsets(%dma_start3A_58 : memref<128xi32, #tpu.memory_space<vmem>>) semaphore(%arg9 : memref<!tpu.dma_semaphore, #tpu.memory_space<semaphore_mem>>) {add = true}
      %mul3A_61 = arith.constant 16 : i32
      %mul3A_62 = arith.muli %scan3A_25, %mul3A_61 : i32
      %add3A_63 = arith.constant 3 : i32
      %add3A_64 = arith.addi %mul3A_62, %add3A_63 : i32
      %dma_start3A_65 = arith.constant 0 : i32
      %dma_start3A_66 = tpu.memref_slice %arg7[%add3A_64, %dma_start3A_65] : memref<64x128xf32, #tpu.memory_space<vmem>> -> memref<1x128xf32, #tpu.memory_space<vmem>>
      %dma_start3A_67 = tpu.memref_squeeze %dma_start3A_66 : memref<1x128xf32, #tpu.memory_space<vmem>> -> memref<128xf32, #tpu.memory_space<vmem>>
      %dma_start3A_68 = arith.constant 0 : i32
      %dma_start3A_69 = tpu.memref_slice %arg6[%add3A_64, %dma_start3A_68] : memref<64x128xi32, #tpu.memory_space<vmem>> -> memref<1x128xi32, #tpu.memory_space<vmem>>
      %dma_start3A_70 = tpu.memref_squeeze %dma_start3A_69 : memref<1x128xi32, #tpu.memory_space<vmem>> -> memref<128xi32, #tpu.memory_space<vmem>>
      %dma_start3A_71 = arith.constant 0 : i32
      %dma_start3A_72 = tpu.memref_slice %arg8[%dma_start3A_71] : memref<1048576xf32, #tpu.memory_space<vmem_shared>> -> memref<1048576xf32, #tpu.memory_space<vmem_shared>>
      tpu.enqueue_indirect_dma source(%dma_start3A_67 : memref<128xf32, #tpu.memory_space<vmem>>) target(%dma_start3A_72 : memref<1048576xf32, #tpu.memory_space<vmem_shared>>) offsets(%dma_start3A_70 : memref<128xi32, #tpu.memory_space<vmem>>) semaphore(%arg9 : memref<!tpu.dma_semaphore, #tpu.memory_space<semaphore_mem>>) {add = true}
      %mul3A_73 = arith.constant 16 : i32
      %mul3A_74 = arith.muli %scan3A_25, %mul3A_73 : i32
      %add3A_75 = arith.constant 4 : i32
      %add3A_76 = arith.addi %mul3A_74, %add3A_75 : i32
      %dma_start3A_77 = arith.constant 0 : i32
      %dma_start3A_78 = tpu.memref_slice %arg7[%add3A_76, %dma_start3A_77] : memref<64x128xf32, #tpu.memory_space<vmem>> -> memref<1x128xf32, #tpu.memory_space<vmem>>
      %dma_start3A_79 = tpu.memref_squeeze %dma_start3A_78 : memref<1x128xf32, #tpu.memory_space<vmem>> -> memref<128xf32, #tpu.memory_space<vmem>>
      %dma_start3A_80 = arith.constant 0 : i32
      %dma_start3A_81 = tpu.memref_slice %arg6[%add3A_76, %dma_start3A_80] : memref<64x128xi32, #tpu.memory_space<vmem>> -> memref<1x128xi32, #tpu.memory_space<vmem>>
      %dma_start3A_82 = tpu.memref_squeeze %dma_start3A_81 : memref<1x128xi32, #tpu.memory_space<vmem>> -> memref<128xi32, #tpu.memory_space<vmem>>
      %dma_start3A_83 = arith.constant 0 : i32
      %dma_start3A_84 = tpu.memref_slice %arg8[%dma_start3A_83] : memref<1048576xf32, #tpu.memory_space<vmem_shared>> -> memref<1048576xf32, #tpu.memory_space<vmem_shared>>
      tpu.enqueue_indirect_dma source(%dma_start3A_79 : memref<128xf32, #tpu.memory_space<vmem>>) target(%dma_start3A_84 : memref<1048576xf32, #tpu.memory_space<vmem_shared>>) offsets(%dma_start3A_82 : memref<128xi32, #tpu.memory_space<vmem>>) semaphore(%arg9 : memref<!tpu.dma_semaphore, #tpu.memory_space<semaphore_mem>>) {add = true}
      %mul3A_85 = arith.constant 16 : i32
      %mul3A_86 = arith.muli %scan3A_25, %mul3A_85 : i32
      %add3A_87 = arith.constant 5 : i32
      %add3A_88 = arith.addi %mul3A_86, %add3A_87 : i32
      %dma_start3A_89 = arith.constant 0 : i32
      %dma_start3A_90 = tpu.memref_slice %arg7[%add3A_88, %dma_start3A_89] : memref<64x128xf32, #tpu.memory_space<vmem>> -> memref<1x128xf32, #tpu.memory_space<vmem>>
      %dma_start3A_91 = tpu.memref_squeeze %dma_start3A_90 : memref<1x128xf32, #tpu.memory_space<vmem>> -> memref<128xf32, #tpu.memory_space<vmem>>
      %dma_start3A_92 = arith.constant 0 : i32
      %dma_start3A_93 = tpu.memref_slice %arg6[%add3A_88, %dma_start3A_92] : memref<64x128xi32, #tpu.memory_space<vmem>> -> memref<1x128xi32, #tpu.memory_space<vmem>>
      %dma_start3A_94 = tpu.memref_squeeze %dma_start3A_93 : memref<1x128xi32, #tpu.memory_space<vmem>> -> memref<128xi32, #tpu.memory_space<vmem>>
      %dma_start3A_95 = arith.constant 0 : i32
      %dma_start3A_96 = tpu.memref_slice %arg8[%dma_start3A_95] : memref<1048576xf32, #tpu.memory_space<vmem_shared>> -> memref<1048576xf32, #tpu.memory_space<vmem_shared>>
      tpu.enqueue_indirect_dma source(%dma_start3A_91 : memref<128xf32, #tpu.memory_space<vmem>>) target(%dma_start3A_96 : memref<1048576xf32, #tpu.memory_space<vmem_shared>>) offsets(%dma_start3A_94 : memref<128xi32, #tpu.memory_space<vmem>>) semaphore(%arg9 : memref<!tpu.dma_semaphore, #tpu.memory_space<semaphore_mem>>) {add = true}
      %mul3A_97 = arith.constant 16 : i32
      %mul3A_98 = arith.muli %scan3A_25, %mul3A_97 : i32
      %add3A_99 = arith.constant 6 : i32
      %add3A_100 = arith.addi %mul3A_98, %add3A_99 : i32
      %dma_start3A_101 = arith.constant 0 : i32
      %dma_start3A_102 = tpu.memref_slice %arg7[%add3A_100, %dma_start3A_101] : memref<64x128xf32, #tpu.memory_space<vmem>> -> memref<1x128xf32, #tpu.memory_space<vmem>>
      %dma_start3A_103 = tpu.memref_squeeze %dma_start3A_102 : memref<1x128xf32, #tpu.memory_space<vmem>> -> memref<128xf32, #tpu.memory_space<vmem>>
      %dma_start3A_104 = arith.constant 0 : i32
      %dma_start3A_105 = tpu.memref_slice %arg6[%add3A_100, %dma_start3A_104] : memref<64x128xi32, #tpu.memory_space<vmem>> -> memref<1x128xi32, #tpu.memory_space<vmem>>
      %dma_start3A_106 = tpu.memref_squeeze %dma_start3A_105 : memref<1x128xi32, #tpu.memory_space<vmem>> -> memref<128xi32, #tpu.memory_space<vmem>>
      %dma_start3A_107 = arith.constant 0 : i32
      %dma_start3A_108 = tpu.memref_slice %arg8[%dma_start3A_107] : memref<1048576xf32, #tpu.memory_space<vmem_shared>> -> memref<1048576xf32, #tpu.memory_space<vmem_shared>>
      tpu.enqueue_indirect_dma source(%dma_start3A_103 : memref<128xf32, #tpu.memory_space<vmem>>) target(%dma_start3A_108 : memref<1048576xf32, #tpu.memory_space<vmem_shared>>) offsets(%dma_start3A_106 : memref<128xi32, #tpu.memory_space<vmem>>) semaphore(%arg9 : memref<!tpu.dma_semaphore, #tpu.memory_space<semaphore_mem>>) {add = true}
      %mul3A_109 = arith.constant 16 : i32
      %mul3A_110 = arith.muli %scan3A_25, %mul3A_109 : i32
      %add3A_111 = arith.constant 7 : i32
      %add3A_112 = arith.addi %mul3A_110, %add3A_111 : i32
      %dma_start3A_113 = arith.constant 0 : i32
      %dma_start3A_114 = tpu.memref_slice %arg7[%add3A_112, %dma_start3A_113] : memref<64x128xf32, #tpu.memory_space<vmem>> -> memref<1x128xf32, #tpu.memory_space<vmem>>
      %dma_start3A_115 = tpu.memref_squeeze %dma_start3A_114 : memref<1x128xf32, #tpu.memory_space<vmem>> -> memref<128xf32, #tpu.memory_space<vmem>>
      %dma_start3A_116 = arith.constant 0 : i32
      %dma_start3A_117 = tpu.memref_slice %arg6[%add3A_112, %dma_start3A_116] : memref<64x128xi32, #tpu.memory_space<vmem>> -> memref<1x128xi32, #tpu.memory_space<vmem>>
      %dma_start3A_118 = tpu.memref_squeeze %dma_start3A_117 : memref<1x128xi32, #tpu.memory_space<vmem>> -> memref<128xi32, #tpu.memory_space<vmem>>
      %dma_start3A_119 = arith.constant 0 : i32
      %dma_start3A_120 = tpu.memref_slice %arg8[%dma_start3A_119] : memref<1048576xf32, #tpu.memory_space<vmem_shared>> -> memref<1048576xf32, #tpu.memory_space<vmem_shared>>
      tpu.enqueue_indirect_dma source(%dma_start3A_115 : memref<128xf32, #tpu.memory_space<vmem>>) target(%dma_start3A_120 : memref<1048576xf32, #tpu.memory_space<vmem_shared>>) offsets(%dma_start3A_118 : memref<128xi32, #tpu.memory_space<vmem>>) semaphore(%arg9 : memref<!tpu.dma_semaphore, #tpu.memory_space<semaphore_mem>>) {add = true}
      %mul3A_121 = arith.constant 16 : i32
      %mul3A_122 = arith.muli %scan3A_25, %mul3A_121 : i32
      %add3A_123 = arith.constant 8 : i32
      %add3A_124 = arith.addi %mul3A_122, %add3A_123 : i32
      %dma_start3A_125 = arith.constant 0 : i32
      %dma_start3A_126 = tpu.memref_slice %arg7[%add3A_124, %dma_start3A_125] : memref<64x128xf32, #tpu.memory_space<vmem>> -> memref<1x128xf32, #tpu.memory_space<vmem>>
      %dma_start3A_127 = tpu.memref_squeeze %dma_start3A_126 : memref<1x128xf32, #tpu.memory_space<vmem>> -> memref<128xf32, #tpu.memory_space<vmem>>
      %dma_start3A_128 = arith.constant 0 : i32
      %dma_start3A_129 = tpu.memref_slice %arg6[%add3A_124, %dma_start3A_128] : memref<64x128xi32, #tpu.memory_space<vmem>> -> memref<1x128xi32, #tpu.memory_space<vmem>>
      %dma_start3A_130 = tpu.memref_squeeze %dma_start3A_129 : memref<1x128xi32, #tpu.memory_space<vmem>> -> memref<128xi32, #tpu.memory_space<vmem>>
      %dma_start3A_131 = arith.constant 0 : i32
      %dma_start3A_132 = tpu.memref_slice %arg8[%dma_start3A_131] : memref<1048576xf32, #tpu.memory_space<vmem_shared>> -> memref<1048576xf32, #tpu.memory_space<vmem_shared>>
      tpu.enqueue_indirect_dma source(%dma_start3A_127 : memref<128xf32, #tpu.memory_space<vmem>>) target(%dma_start3A_132 : memref<1048576xf32, #tpu.memory_space<vmem_shared>>) offsets(%dma_start3A_130 : memref<128xi32, #tpu.memory_space<vmem>>) semaphore(%arg9 : memref<!tpu.dma_semaphore, #tpu.memory_space<semaphore_mem>>) {add = true}
      %mul3A_133 = arith.constant 16 : i32
      %mul3A_134 = arith.muli %scan3A_25, %mul3A_133 : i32
      %add3A_135 = arith.constant 9 : i32
      %add3A_136 = arith.addi %mul3A_134, %add3A_135 : i32
      %dma_start3A_137 = arith.constant 0 : i32
      %dma_start3A_138 = tpu.memref_slice %arg7[%add3A_136, %dma_start3A_137] : memref<64x128xf32, #tpu.memory_space<vmem>> -> memref<1x128xf32, #tpu.memory_space<vmem>>
      %dma_start3A_139 = tpu.memref_squeeze %dma_start3A_138 : memref<1x128xf32, #tpu.memory_space<vmem>> -> memref<128xf32, #tpu.memory_space<vmem>>
      %dma_start3A_140 = arith.constant 0 : i32
      %dma_start3A_141 = tpu.memref_slice %arg6[%add3A_136, %dma_start3A_140] : memref<64x128xi32, #tpu.memory_space<vmem>> -> memref<1x128xi32, #tpu.memory_space<vmem>>
      %dma_start3A_142 = tpu.memref_squeeze %dma_start3A_141 : memref<1x128xi32, #tpu.memory_space<vmem>> -> memref<128xi32, #tpu.memory_space<vmem>>
      %dma_start3A_143 = arith.constant 0 : i32
      %dma_start3A_144 = tpu.memref_slice %arg8[%dma_start3A_143] : memref<1048576xf32, #tpu.memory_space<vmem_shared>> -> memref<1048576xf32, #tpu.memory_space<vmem_shared>>
      tpu.enqueue_indirect_dma source(%dma_start3A_139 : memref<128xf32, #tpu.memory_space<vmem>>) target(%dma_start3A_144 : memref<1048576xf32, #tpu.memory_space<vmem_shared>>) offsets(%dma_start3A_142 : memref<128xi32, #tpu.memory_space<vmem>>) semaphore(%arg9 : memref<!tpu.dma_semaphore, #tpu.memory_space<semaphore_mem>>) {add = true}
      %mul3A_145 = arith.constant 16 : i32
      %mul3A_146 = arith.muli %scan3A_25, %mul3A_145 : i32
      %add3A_147 = arith.constant 10 : i32
      %add3A_148 = arith.addi %mul3A_146, %add3A_147 : i32
      %dma_start3A_149 = arith.constant 0 : i32
      %dma_start3A_150 = tpu.memref_slice %arg7[%add3A_148, %dma_start3A_149] : memref<64x128xf32, #tpu.memory_space<vmem>> -> memref<1x128xf32, #tpu.memory_space<vmem>>
      %dma_start3A_151 = tpu.memref_squeeze %dma_start3A_150 : memref<1x128xf32, #tpu.memory_space<vmem>> -> memref<128xf32, #tpu.memory_space<vmem>>
      %dma_start3A_152 = arith.constant 0 : i32
      %dma_start3A_153 = tpu.memref_slice %arg6[%add3A_148, %dma_start3A_152] : memref<64x128xi32, #tpu.memory_space<vmem>> -> memref<1x128xi32, #tpu.memory_space<vmem>>
      %dma_start3A_154 = tpu.memref_squeeze %dma_start3A_153 : memref<1x128xi32, #tpu.memory_space<vmem>> -> memref<128xi32, #tpu.memory_space<vmem>>
      %dma_start3A_155 = arith.constant 0 : i32
      %dma_start3A_156 = tpu.memref_slice %arg8[%dma_start3A_155] : memref<1048576xf32, #tpu.memory_space<vmem_shared>> -> memref<1048576xf32, #tpu.memory_space<vmem_shared>>
      tpu.enqueue_indirect_dma source(%dma_start3A_151 : memref<128xf32, #tpu.memory_space<vmem>>) target(%dma_start3A_156 : memref<1048576xf32, #tpu.memory_space<vmem_shared>>) offsets(%dma_start3A_154 : memref<128xi32, #tpu.memory_space<vmem>>) semaphore(%arg9 : memref<!tpu.dma_semaphore, #tpu.memory_space<semaphore_mem>>) {add = true}
      %mul3A_157 = arith.constant 16 : i32
      %mul3A_158 = arith.muli %scan3A_25, %mul3A_157 : i32
      %add3A_159 = arith.constant 11 : i32
      %add3A_160 = arith.addi %mul3A_158, %add3A_159 : i32
      %dma_start3A_161 = arith.constant 0 : i32
      %dma_start3A_162 = tpu.memref_slice %arg7[%add3A_160, %dma_start3A_161] : memref<64x128xf32, #tpu.memory_space<vmem>> -> memref<1x128xf32, #tpu.memory_space<vmem>>
      %dma_start3A_163 = tpu.memref_squeeze %dma_start3A_162 : memref<1x128xf32, #tpu.memory_space<vmem>> -> memref<128xf32, #tpu.memory_space<vmem>>
      %dma_start3A_164 = arith.constant 0 : i32
      %dma_start3A_165 = tpu.memref_slice %arg6[%add3A_160, %dma_start3A_164] : memref<64x128xi32, #tpu.memory_space<vmem>> -> memref<1x128xi32, #tpu.memory_space<vmem>>
      %dma_start3A_166 = tpu.memref_squeeze %dma_start3A_165 : memref<1x128xi32, #tpu.memory_space<vmem>> -> memref<128xi32, #tpu.memory_space<vmem>>
      %dma_start3A_167 = arith.constant 0 : i32
      %dma_start3A_168 = tpu.memref_slice %arg8[%dma_start3A_167] : memref<1048576xf32, #tpu.memory_space<vmem_shared>> -> memref<1048576xf32, #tpu.memory_space<vmem_shared>>
      tpu.enqueue_indirect_dma source(%dma_start3A_163 : memref<128xf32, #tpu.memory_space<vmem>>) target(%dma_start3A_168 : memref<1048576xf32, #tpu.memory_space<vmem_shared>>) offsets(%dma_start3A_166 : memref<128xi32, #tpu.memory_space<vmem>>) semaphore(%arg9 : memref<!tpu.dma_semaphore, #tpu.memory_space<semaphore_mem>>) {add = true}
      %mul3A_169 = arith.constant 16 : i32
      %mul3A_170 = arith.muli %scan3A_25, %mul3A_169 : i32
      %add3A_171 = arith.constant 12 : i32
      %add3A_172 = arith.addi %mul3A_170, %add3A_171 : i32
      %dma_start3A_173 = arith.constant 0 : i32
      %dma_start3A_174 = tpu.memref_slice %arg7[%add3A_172, %dma_start3A_173] : memref<64x128xf32, #tpu.memory_space<vmem>> -> memref<1x128xf32, #tpu.memory_space<vmem>>
      %dma_start3A_175 = tpu.memref_squeeze %dma_start3A_174 : memref<1x128xf32, #tpu.memory_space<vmem>> -> memref<128xf32, #tpu.memory_space<vmem>>
      %dma_start3A_176 = arith.constant 0 : i32
      %dma_start3A_177 = tpu.memref_slice %arg6[%add3A_172, %dma_start3A_176] : memref<64x128xi32, #tpu.memory_space<vmem>> -> memref<1x128xi32, #tpu.memory_space<vmem>>
      %dma_start3A_178 = tpu.memref_squeeze %dma_start3A_177 : memref<1x128xi32, #tpu.memory_space<vmem>> -> memref<128xi32, #tpu.memory_space<vmem>>
      %dma_start3A_179 = arith.constant 0 : i32
      %dma_start3A_180 = tpu.memref_slice %arg8[%dma_start3A_179] : memref<1048576xf32, #tpu.memory_space<vmem_shared>> -> memref<1048576xf32, #tpu.memory_space<vmem_shared>>
      tpu.enqueue_indirect_dma source(%dma_start3A_175 : memref<128xf32, #tpu.memory_space<vmem>>) target(%dma_start3A_180 : memref<1048576xf32, #tpu.memory_space<vmem_shared>>) offsets(%dma_start3A_178 : memref<128xi32, #tpu.memory_space<vmem>>) semaphore(%arg9 : memref<!tpu.dma_semaphore, #tpu.memory_space<semaphore_mem>>) {add = true}
      %mul3A_181 = arith.constant 16 : i32
      %mul3A_182 = arith.muli %scan3A_25, %mul3A_181 : i32
      %add3A_183 = arith.constant 13 : i32
      %add3A_184 = arith.addi %mul3A_182, %add3A_183 : i32
      %dma_start3A_185 = arith.constant 0 : i32
      %dma_start3A_186 = tpu.memref_slice %arg7[%add3A_184, %dma_start3A_185] : memref<64x128xf32, #tpu.memory_space<vmem>> -> memref<1x128xf32, #tpu.memory_space<vmem>>
      %dma_start3A_187 = tpu.memref_squeeze %dma_start3A_186 : memref<1x128xf32, #tpu.memory_space<vmem>> -> memref<128xf32, #tpu.memory_space<vmem>>
      %dma_start3A_188 = arith.constant 0 : i32
      %dma_start3A_189 = tpu.memref_slice %arg6[%add3A_184, %dma_start3A_188] : memref<64x128xi32, #tpu.memory_space<vmem>> -> memref<1x128xi32, #tpu.memory_space<vmem>>
      %dma_start3A_190 = tpu.memref_squeeze %dma_start3A_189 : memref<1x128xi32, #tpu.memory_space<vmem>> -> memref<128xi32, #tpu.memory_space<vmem>>
      %dma_start3A_191 = arith.constant 0 : i32
      %dma_start3A_192 = tpu.memref_slice %arg8[%dma_start3A_191] : memref<1048576xf32, #tpu.memory_space<vmem_shared>> -> memref<1048576xf32, #tpu.memory_space<vmem_shared>>
      tpu.enqueue_indirect_dma source(%dma_start3A_187 : memref<128xf32, #tpu.memory_space<vmem>>) target(%dma_start3A_192 : memref<1048576xf32, #tpu.memory_space<vmem_shared>>) offsets(%dma_start3A_190 : memref<128xi32, #tpu.memory_space<vmem>>) semaphore(%arg9 : memref<!tpu.dma_semaphore, #tpu.memory_space<semaphore_mem>>) {add = true}
      %mul3A_193 = arith.constant 16 : i32
      %mul3A_194 = arith.muli %scan3A_25, %mul3A_193 : i32
      %add3A_195 = arith.constant 14 : i32
      %add3A_196 = arith.addi %mul3A_194, %add3A_195 : i32
      %dma_start3A_197 = arith.constant 0 : i32
      %dma_start3A_198 = tpu.memref_slice %arg7[%add3A_196, %dma_start3A_197] : memref<64x128xf32, #tpu.memory_space<vmem>> -> memref<1x128xf32, #tpu.memory_space<vmem>>
      %dma_start3A_199 = tpu.memref_squeeze %dma_start3A_198 : memref<1x128xf32, #tpu.memory_space<vmem>> -> memref<128xf32, #tpu.memory_space<vmem>>
      %dma_start3A_200 = arith.constant 0 : i32
      %dma_start3A_201 = tpu.memref_slice %arg6[%add3A_196, %dma_start3A_200] : memref<64x128xi32, #tpu.memory_space<vmem>> -> memref<1x128xi32, #tpu.memory_space<vmem>>
      %dma_start3A_202 = tpu.memref_squeeze %dma_start3A_201 : memref<1x128xi32, #tpu.memory_space<vmem>> -> memref<128xi32, #tpu.memory_space<vmem>>
      %dma_start3A_203 = arith.constant 0 : i32
      %dma_start3A_204 = tpu.memref_slice %arg8[%dma_start3A_203] : memref<1048576xf32, #tpu.memory_space<vmem_shared>> -> memref<1048576xf32, #tpu.memory_space<vmem_shared>>
      tpu.enqueue_indirect_dma source(%dma_start3A_199 : memref<128xf32, #tpu.memory_space<vmem>>) target(%dma_start3A_204 : memref<1048576xf32, #tpu.memory_space<vmem_shared>>) offsets(%dma_start3A_202 : memref<128xi32, #tpu.memory_space<vmem>>) semaphore(%arg9 : memref<!tpu.dma_semaphore, #tpu.memory_space<semaphore_mem>>) {add = true}
      %mul3A_205 = arith.constant 16 : i32
      %mul3A_206 = arith.muli %scan3A_25, %mul3A_205 : i32
      %add3A_207 = arith.constant 15 : i32
      %add3A_208 = arith.addi %mul3A_206, %add3A_207 : i32
      %dma_start3A_209 = arith.constant 0 : i32
      %dma_start3A_210 = tpu.memref_slice %arg7[%add3A_208, %dma_start3A_209] : memref<64x128xf32, #tpu.memory_space<vmem>> -> memref<1x128xf32, #tpu.memory_space<vmem>>
      %dma_start3A_211 = tpu.memref_squeeze %dma_start3A_210 : memref<1x128xf32, #tpu.memory_space<vmem>> -> memref<128xf32, #tpu.memory_space<vmem>>
      %dma_start3A_212 = arith.constant 0 : i32
      %dma_start3A_213 = tpu.memref_slice %arg6[%add3A_208, %dma_start3A_212] : memref<64x128xi32, #tpu.memory_space<vmem>> -> memref<1x128xi32, #tpu.memory_space<vmem>>
      %dma_start3A_214 = tpu.memref_squeeze %dma_start3A_213 : memref<1x128xi32, #tpu.memory_space<vmem>> -> memref<128xi32, #tpu.memory_space<vmem>>
      %dma_start3A_215 = arith.constant 0 : i32
      %dma_start3A_216 = tpu.memref_slice %arg8[%dma_start3A_215] : memref<1048576xf32, #tpu.memory_space<vmem_shared>> -> memref<1048576xf32, #tpu.memory_space<vmem_shared>>
      tpu.enqueue_indirect_dma source(%dma_start3A_211 : memref<128xf32, #tpu.memory_space<vmem>>) target(%dma_start3A_216 : memref<1048576xf32, #tpu.memory_space<vmem_shared>>) offsets(%dma_start3A_214 : memref<128xi32, #tpu.memory_space<vmem>>) semaphore(%arg9 : memref<!tpu.dma_semaphore, #tpu.memory_space<semaphore_mem>>) {add = true}
      %dma_wait3A = arith.constant 0 : i32
      %dma_wait3A_217 = tpu.memref_slice %arg7[%add3A_29, %dma_wait3A] : memref<64x128xf32, #tpu.memory_space<vmem>> -> memref<1x128xf32, #tpu.memory_space<vmem>>
      %dma_wait3A_218 = tpu.memref_squeeze %dma_wait3A_217 : memref<1x128xf32, #tpu.memory_space<vmem>> -> memref<128xf32, #tpu.memory_space<vmem>>
      %dma_wait3A_219 = arith.constant 0 : i32
      %dma_wait3A_220 = tpu.memref_slice %arg6[%add3A_29, %dma_wait3A_219] : memref<64x128xi32, #tpu.memory_space<vmem>> -> memref<1x128xi32, #tpu.memory_space<vmem>>
      %dma_wait3A_221 = tpu.memref_squeeze %dma_wait3A_220 : memref<1x128xi32, #tpu.memory_space<vmem>> -> memref<128xi32, #tpu.memory_space<vmem>>
      %dma_wait3A_222 = arith.constant 0 : i32
      %dma_wait3A_223 = tpu.memref_slice %arg8[%dma_wait3A_222] : memref<1048576xf32, #tpu.memory_space<vmem_shared>> -> memref<1048576xf32, #tpu.memory_space<vmem_shared>>
      tpu.wait_indirect_dma semaphore(%arg9 : memref<!tpu.dma_semaphore, #tpu.memory_space<semaphore_mem>>) src(%dma_wait3A_218 : memref<128xf32, #tpu.memory_space<vmem>>) dst(%dma_wait3A_223 : memref<1048576xf32, #tpu.memory_space<vmem_shared>>)
      %dma_wait3A_224 = arith.constant 0 : i32
      %dma_wait3A_225 = tpu.memref_slice %arg7[%add3A_40, %dma_wait3A_224] : memref<64x128xf32, #tpu.memory_space<vmem>> -> memref<1x128xf32, #tpu.memory_space<vmem>>
      %dma_wait3A_226 = tpu.memref_squeeze %dma_wait3A_225 : memref<1x128xf32, #tpu.memory_space<vmem>> -> memref<128xf32, #tpu.memory_space<vmem>>
      %dma_wait3A_227 = arith.constant 0 : i32
      %dma_wait3A_228 = tpu.memref_slice %arg6[%add3A_40, %dma_wait3A_227] : memref<64x128xi32, #tpu.memory_space<vmem>> -> memref<1x128xi32, #tpu.memory_space<vmem>>
      %dma_wait3A_229 = tpu.memref_squeeze %dma_wait3A_228 : memref<1x128xi32, #tpu.memory_space<vmem>> -> memref<128xi32, #tpu.memory_space<vmem>>
      %dma_wait3A_230 = arith.constant 0 : i32
      %dma_wait3A_231 = tpu.memref_slice %arg8[%dma_wait3A_230] : memref<1048576xf32, #tpu.memory_space<vmem_shared>> -> memref<1048576xf32, #tpu.memory_space<vmem_shared>>
      tpu.wait_indirect_dma semaphore(%arg9 : memref<!tpu.dma_semaphore, #tpu.memory_space<semaphore_mem>>) src(%dma_wait3A_226 : memref<128xf32, #tpu.memory_space<vmem>>) dst(%dma_wait3A_231 : memref<1048576xf32, #tpu.memory_space<vmem_shared>>)
      %dma_wait3A_232 = arith.constant 0 : i32
      %dma_wait3A_233 = tpu.memref_slice %arg7[%add3A_52, %dma_wait3A_232] : memref<64x128xf32, #tpu.memory_space<vmem>> -> memref<1x128xf32, #tpu.memory_space<vmem>>
      %dma_wait3A_234 = tpu.memref_squeeze %dma_wait3A_233 : memref<1x128xf32, #tpu.memory_space<vmem>> -> memref<128xf32, #tpu.memory_space<vmem>>
      %dma_wait3A_235 = arith.constant 0 : i32
      %dma_wait3A_236 = tpu.memref_slice %arg6[%add3A_52, %dma_wait3A_235] : memref<64x128xi32, #tpu.memory_space<vmem>> -> memref<1x128xi32, #tpu.memory_space<vmem>>
      %dma_wait3A_237 = tpu.memref_squeeze %dma_wait3A_236 : memref<1x128xi32, #tpu.memory_space<vmem>> -> memref<128xi32, #tpu.memory_space<vmem>>
      %dma_wait3A_238 = arith.constant 0 : i32
      %dma_wait3A_239 = tpu.memref_slice %arg8[%dma_wait3A_238] : memref<1048576xf32, #tpu.memory_space<vmem_shared>> -> memref<1048576xf32, #tpu.memory_space<vmem_shared>>
      tpu.wait_indirect_dma semaphore(%arg9 : memref<!tpu.dma_semaphore, #tpu.memory_space<semaphore_mem>>) src(%dma_wait3A_234 : memref<128xf32, #tpu.memory_space<vmem>>) dst(%dma_wait3A_239 : memref<1048576xf32, #tpu.memory_space<vmem_shared>>)
      %dma_wait3A_240 = arith.constant 0 : i32
      %dma_wait3A_241 = tpu.memref_slice %arg7[%add3A_64, %dma_wait3A_240] : memref<64x128xf32, #tpu.memory_space<vmem>> -> memref<1x128xf32, #tpu.memory_space<vmem>>
      %dma_wait3A_242 = tpu.memref_squeeze %dma_wait3A_241 : memref<1x128xf32, #tpu.memory_space<vmem>> -> memref<128xf32, #tpu.memory_space<vmem>>
      %dma_wait3A_243 = arith.constant 0 : i32
      %dma_wait3A_244 = tpu.memref_slice %arg6[%add3A_64, %dma_wait3A_243] : memref<64x128xi32, #tpu.memory_space<vmem>> -> memref<1x128xi32, #tpu.memory_space<vmem>>
      %dma_wait3A_245 = tpu.memref_squeeze %dma_wait3A_244 : memref<1x128xi32, #tpu.memory_space<vmem>> -> memref<128xi32, #tpu.memory_space<vmem>>
      %dma_wait3A_246 = arith.constant 0 : i32
      %dma_wait3A_247 = tpu.memref_slice %arg8[%dma_wait3A_246] : memref<1048576xf32, #tpu.memory_space<vmem_shared>> -> memref<1048576xf32, #tpu.memory_space<vmem_shared>>
      tpu.wait_indirect_dma semaphore(%arg9 : memref<!tpu.dma_semaphore, #tpu.memory_space<semaphore_mem>>) src(%dma_wait3A_242 : memref<128xf32, #tpu.memory_space<vmem>>) dst(%dma_wait3A_247 : memref<1048576xf32, #tpu.memory_space<vmem_shared>>)
      %dma_wait3A_248 = arith.constant 0 : i32
      %dma_wait3A_249 = tpu.memref_slice %arg7[%add3A_76, %dma_wait3A_248] : memref<64x128xf32, #tpu.memory_space<vmem>> -> memref<1x128xf32, #tpu.memory_space<vmem>>
      %dma_wait3A_250 = tpu.memref_squeeze %dma_wait3A_249 : memref<1x128xf32, #tpu.memory_space<vmem>> -> memref<128xf32, #tpu.memory_space<vmem>>
      %dma_wait3A_251 = arith.constant 0 : i32
      %dma_wait3A_252 = tpu.memref_slice %arg6[%add3A_76, %dma_wait3A_251] : memref<64x128xi32, #tpu.memory_space<vmem>> -> memref<1x128xi32, #tpu.memory_space<vmem>>
      %dma_wait3A_253 = tpu.memref_squeeze %dma_wait3A_252 : memref<1x128xi32, #tpu.memory_space<vmem>> -> memref<128xi32, #tpu.memory_space<vmem>>
      %dma_wait3A_254 = arith.constant 0 : i32
      %dma_wait3A_255 = tpu.memref_slice %arg8[%dma_wait3A_254] : memref<1048576xf32, #tpu.memory_space<vmem_shared>> -> memref<1048576xf32, #tpu.memory_space<vmem_shared>>
      tpu.wait_indirect_dma semaphore(%arg9 : memref<!tpu.dma_semaphore, #tpu.memory_space<semaphore_mem>>) src(%dma_wait3A_250 : memref<128xf32, #tpu.memory_space<vmem>>) dst(%dma_wait3A_255 : memref<1048576xf32, #tpu.memory_space<vmem_shared>>)
      %dma_wait3A_256 = arith.constant 0 : i32
      %dma_wait3A_257 = tpu.memref_slice %arg7[%add3A_88, %dma_wait3A_256] : memref<64x128xf32, #tpu.memory_space<vmem>> -> memref<1x128xf32, #tpu.memory_space<vmem>>
      %dma_wait3A_258 = tpu.memref_squeeze %dma_wait3A_257 : memref<1x128xf32, #tpu.memory_space<vmem>> -> memref<128xf32, #tpu.memory_space<vmem>>
      %dma_wait3A_259 = arith.constant 0 : i32
      %dma_wait3A_260 = tpu.memref_slice %arg6[%add3A_88, %dma_wait3A_259] : memref<64x128xi32, #tpu.memory_space<vmem>> -> memref<1x128xi32, #tpu.memory_space<vmem>>
      %dma_wait3A_261 = tpu.memref_squeeze %dma_wait3A_260 : memref<1x128xi32, #tpu.memory_space<vmem>> -> memref<128xi32, #tpu.memory_space<vmem>>
      %dma_wait3A_262 = arith.constant 0 : i32
      %dma_wait3A_263 = tpu.memref_slice %arg8[%dma_wait3A_262] : memref<1048576xf32, #tpu.memory_space<vmem_shared>> -> memref<1048576xf32, #tpu.memory_space<vmem_shared>>
      tpu.wait_indirect_dma semaphore(%arg9 : memref<!tpu.dma_semaphore, #tpu.memory_space<semaphore_mem>>) src(%dma_wait3A_258 : memref<128xf32, #tpu.memory_space<vmem>>) dst(%dma_wait3A_263 : memref<1048576xf32, #tpu.memory_space<vmem_shared>>)
      %dma_wait3A_264 = arith.constant 0 : i32
      %dma_wait3A_265 = tpu.memref_slice %arg7[%add3A_100, %dma_wait3A_264] : memref<64x128xf32, #tpu.memory_space<vmem>> -> memref<1x128xf32, #tpu.memory_space<vmem>>
      %dma_wait3A_266 = tpu.memref_squeeze %dma_wait3A_265 : memref<1x128xf32, #tpu.memory_space<vmem>> -> memref<128xf32, #tpu.memory_space<vmem>>
      %dma_wait3A_267 = arith.constant 0 : i32
      %dma_wait3A_268 = tpu.memref_slice %arg6[%add3A_100, %dma_wait3A_267] : memref<64x128xi32, #tpu.memory_space<vmem>> -> memref<1x128xi32, #tpu.memory_space<vmem>>
      %dma_wait3A_269 = tpu.memref_squeeze %dma_wait3A_268 : memref<1x128xi32, #tpu.memory_space<vmem>> -> memref<128xi32, #tpu.memory_space<vmem>>
      %dma_wait3A_270 = arith.constant 0 : i32
      %dma_wait3A_271 = tpu.memref_slice %arg8[%dma_wait3A_270] : memref<1048576xf32, #tpu.memory_space<vmem_shared>> -> memref<1048576xf32, #tpu.memory_space<vmem_shared>>
      tpu.wait_indirect_dma semaphore(%arg9 : memref<!tpu.dma_semaphore, #tpu.memory_space<semaphore_mem>>) src(%dma_wait3A_266 : memref<128xf32, #tpu.memory_space<vmem>>) dst(%dma_wait3A_271 : memref<1048576xf32, #tpu.memory_space<vmem_shared>>)
      %dma_wait3A_272 = arith.constant 0 : i32
      %dma_wait3A_273 = tpu.memref_slice %arg7[%add3A_112, %dma_wait3A_272] : memref<64x128xf32, #tpu.memory_space<vmem>> -> memref<1x128xf32, #tpu.memory_space<vmem>>
      %dma_wait3A_274 = tpu.memref_squeeze %dma_wait3A_273 : memref<1x128xf32, #tpu.memory_space<vmem>> -> memref<128xf32, #tpu.memory_space<vmem>>
      %dma_wait3A_275 = arith.constant 0 : i32
      %dma_wait3A_276 = tpu.memref_slice %arg6[%add3A_112, %dma_wait3A_275] : memref<64x128xi32, #tpu.memory_space<vmem>> -> memref<1x128xi32, #tpu.memory_space<vmem>>
      %dma_wait3A_277 = tpu.memref_squeeze %dma_wait3A_276 : memref<1x128xi32, #tpu.memory_space<vmem>> -> memref<128xi32, #tpu.memory_space<vmem>>
      %dma_wait3A_278 = arith.constant 0 : i32
      %dma_wait3A_279 = tpu.memref_slice %arg8[%dma_wait3A_278] : memref<1048576xf32, #tpu.memory_space<vmem_shared>> -> memref<1048576xf32, #tpu.memory_space<vmem_shared>>
      tpu.wait_indirect_dma semaphore(%arg9 : memref<!tpu.dma_semaphore, #tpu.memory_space<semaphore_mem>>) src(%dma_wait3A_274 : memref<128xf32, #tpu.memory_space<vmem>>) dst(%dma_wait3A_279 : memref<1048576xf32, #tpu.memory_space<vmem_shared>>)
      %dma_wait3A_280 = arith.constant 0 : i32
      %dma_wait3A_281 = tpu.memref_slice %arg7[%add3A_124, %dma_wait3A_280] : memref<64x128xf32, #tpu.memory_space<vmem>> -> memref<1x128xf32, #tpu.memory_space<vmem>>
      %dma_wait3A_282 = tpu.memref_squeeze %dma_wait3A_281 : memref<1x128xf32, #tpu.memory_space<vmem>> -> memref<128xf32, #tpu.memory_space<vmem>>
      %dma_wait3A_283 = arith.constant 0 : i32
      %dma_wait3A_284 = tpu.memref_slice %arg6[%add3A_124, %dma_wait3A_283] : memref<64x128xi32, #tpu.memory_space<vmem>> -> memref<1x128xi32, #tpu.memory_space<vmem>>
      %dma_wait3A_285 = tpu.memref_squeeze %dma_wait3A_284 : memref<1x128xi32, #tpu.memory_space<vmem>> -> memref<128xi32, #tpu.memory_space<vmem>>
      %dma_wait3A_286 = arith.constant 0 : i32
      %dma_wait3A_287 = tpu.memref_slice %arg8[%dma_wait3A_286] : memref<1048576xf32, #tpu.memory_space<vmem_shared>> -> memref<1048576xf32, #tpu.memory_space<vmem_shared>>
      tpu.wait_indirect_dma semaphore(%arg9 : memref<!tpu.dma_semaphore, #tpu.memory_space<semaphore_mem>>) src(%dma_wait3A_282 : memref<128xf32, #tpu.memory_space<vmem>>) dst(%dma_wait3A_287 : memref<1048576xf32, #tpu.memory_space<vmem_shared>>)
      %dma_wait3A_288 = arith.constant 0 : i32
      %dma_wait3A_289 = tpu.memref_slice %arg7[%add3A_136, %dma_wait3A_288] : memref<64x128xf32, #tpu.memory_space<vmem>> -> memref<1x128xf32, #tpu.memory_space<vmem>>
      %dma_wait3A_290 = tpu.memref_squeeze %dma_wait3A_289 : memref<1x128xf32, #tpu.memory_space<vmem>> -> memref<128xf32, #tpu.memory_space<vmem>>
      %dma_wait3A_291 = arith.constant 0 : i32
      %dma_wait3A_292 = tpu.memref_slice %arg6[%add3A_136, %dma_wait3A_291] : memref<64x128xi32, #tpu.memory_space<vmem>> -> memref<1x128xi32, #tpu.memory_space<vmem>>
      %dma_wait3A_293 = tpu.memref_squeeze %dma_wait3A_292 : memref<1x128xi32, #tpu.memory_space<vmem>> -> memref<128xi32, #tpu.memory_space<vmem>>
      %dma_wait3A_294 = arith.constant 0 : i32
      %dma_wait3A_295 = tpu.memref_slice %arg8[%dma_wait3A_294] : memref<1048576xf32, #tpu.memory_space<vmem_shared>> -> memref<1048576xf32, #tpu.memory_space<vmem_shared>>
      tpu.wait_indirect_dma semaphore(%arg9 : memref<!tpu.dma_semaphore, #tpu.memory_space<semaphore_mem>>) src(%dma_wait3A_290 : memref<128xf32, #tpu.memory_space<vmem>>) dst(%dma_wait3A_295 : memref<1048576xf32, #tpu.memory_space<vmem_shared>>)
      %dma_wait3A_296 = arith.constant 0 : i32
      %dma_wait3A_297 = tpu.memref_slice %arg7[%add3A_148, %dma_wait3A_296] : memref<64x128xf32, #tpu.memory_space<vmem>> -> memref<1x128xf32, #tpu.memory_space<vmem>>
      %dma_wait3A_298 = tpu.memref_squeeze %dma_wait3A_297 : memref<1x128xf32, #tpu.memory_space<vmem>> -> memref<128xf32, #tpu.memory_space<vmem>>
      %dma_wait3A_299 = arith.constant 0 : i32
      %dma_wait3A_300 = tpu.memref_slice %arg6[%add3A_148, %dma_wait3A_299] : memref<64x128xi32, #tpu.memory_space<vmem>> -> memref<1x128xi32, #tpu.memory_space<vmem>>
      %dma_wait3A_301 = tpu.memref_squeeze %dma_wait3A_300 : memref<1x128xi32, #tpu.memory_space<vmem>> -> memref<128xi32, #tpu.memory_space<vmem>>
      %dma_wait3A_302 = arith.constant 0 : i32
      %dma_wait3A_303 = tpu.memref_slice %arg8[%dma_wait3A_302] : memref<1048576xf32, #tpu.memory_space<vmem_shared>> -> memref<1048576xf32, #tpu.memory_space<vmem_shared>>
      tpu.wait_indirect_dma semaphore(%arg9 : memref<!tpu.dma_semaphore, #tpu.memory_space<semaphore_mem>>) src(%dma_wait3A_298 : memref<128xf32, #tpu.memory_space<vmem>>) dst(%dma_wait3A_303 : memref<1048576xf32, #tpu.memory_space<vmem_shared>>)
      %dma_wait3A_304 = arith.constant 0 : i32
      %dma_wait3A_305 = tpu.memref_slice %arg7[%add3A_160, %dma_wait3A_304] : memref<64x128xf32, #tpu.memory_space<vmem>> -> memref<1x128xf32, #tpu.memory_space<vmem>>
      %dma_wait3A_306 = tpu.memref_squeeze %dma_wait3A_305 : memref<1x128xf32, #tpu.memory_space<vmem>> -> memref<128xf32, #tpu.memory_space<vmem>>
      %dma_wait3A_307 = arith.constant 0 : i32
      %dma_wait3A_308 = tpu.memref_slice %arg6[%add3A_160, %dma_wait3A_307] : memref<64x128xi32, #tpu.memory_space<vmem>> -> memref<1x128xi32, #tpu.memory_space<vmem>>
      %dma_wait3A_309 = tpu.memref_squeeze %dma_wait3A_308 : memref<1x128xi32, #tpu.memory_space<vmem>> -> memref<128xi32, #tpu.memory_space<vmem>>
      %dma_wait3A_310 = arith.constant 0 : i32
      %dma_wait3A_311 = tpu.memref_slice %arg8[%dma_wait3A_310] : memref<1048576xf32, #tpu.memory_space<vmem_shared>> -> memref<1048576xf32, #tpu.memory_space<vmem_shared>>
      tpu.wait_indirect_dma semaphore(%arg9 : memref<!tpu.dma_semaphore, #tpu.memory_space<semaphore_mem>>) src(%dma_wait3A_306 : memref<128xf32, #tpu.memory_space<vmem>>) dst(%dma_wait3A_311 : memref<1048576xf32, #tpu.memory_space<vmem_shared>>)
      %dma_wait3A_312 = arith.constant 0 : i32
      %dma_wait3A_313 = tpu.memref_slice %arg7[%add3A_172, %dma_wait3A_312] : memref<64x128xf32, #tpu.memory_space<vmem>> -> memref<1x128xf32, #tpu.memory_space<vmem>>
      %dma_wait3A_314 = tpu.memref_squeeze %dma_wait3A_313 : memref<1x128xf32, #tpu.memory_space<vmem>> -> memref<128xf32, #tpu.memory_space<vmem>>
      %dma_wait3A_315 = arith.constant 0 : i32
      %dma_wait3A_316 = tpu.memref_slice %arg6[%add3A_172, %dma_wait3A_315] : memref<64x128xi32, #tpu.memory_space<vmem>> -> memref<1x128xi32, #tpu.memory_space<vmem>>
      %dma_wait3A_317 = tpu.memref_squeeze %dma_wait3A_316 : memref<1x128xi32, #tpu.memory_space<vmem>> -> memref<128xi32, #tpu.memory_space<vmem>>
      %dma_wait3A_318 = arith.constant 0 : i32
      %dma_wait3A_319 = tpu.memref_slice %arg8[%dma_wait3A_318] : memref<1048576xf32, #tpu.memory_space<vmem_shared>> -> memref<1048576xf32, #tpu.memory_space<vmem_shared>>
      tpu.wait_indirect_dma semaphore(%arg9 : memref<!tpu.dma_semaphore, #tpu.memory_space<semaphore_mem>>) src(%dma_wait3A_314 : memref<128xf32, #tpu.memory_space<vmem>>) dst(%dma_wait3A_319 : memref<1048576xf32, #tpu.memory_space<vmem_shared>>)
      %dma_wait3A_320 = arith.constant 0 : i32
      %dma_wait3A_321 = tpu.memref_slice %arg7[%add3A_184, %dma_wait3A_320] : memref<64x128xf32, #tpu.memory_space<vmem>> -> memref<1x128xf32, #tpu.memory_space<vmem>>
      %dma_wait3A_322 = tpu.memref_squeeze %dma_wait3A_321 : memref<1x128xf32, #tpu.memory_space<vmem>> -> memref<128xf32, #tpu.memory_space<vmem>>
      %dma_wait3A_323 = arith.constant 0 : i32
      %dma_wait3A_324 = tpu.memref_slice %arg6[%add3A_184, %dma_wait3A_323] : memref<64x128xi32, #tpu.memory_space<vmem>> -> memref<1x128xi32, #tpu.memory_space<vmem>>
      %dma_wait3A_325 = tpu.memref_squeeze %dma_wait3A_324 : memref<1x128xi32, #tpu.memory_space<vmem>> -> memref<128xi32, #tpu.memory_space<vmem>>
      %dma_wait3A_326 = arith.constant 0 : i32
      %dma_wait3A_327 = tpu.memref_slice %arg8[%dma_wait3A_326] : memref<1048576xf32, #tpu.memory_space<vmem_shared>> -> memref<1048576xf32, #tpu.memory_space<vmem_shared>>
      tpu.wait_indirect_dma semaphore(%arg9 : memref<!tpu.dma_semaphore, #tpu.memory_space<semaphore_mem>>) src(%dma_wait3A_322 : memref<128xf32, #tpu.memory_space<vmem>>) dst(%dma_wait3A_327 : memref<1048576xf32, #tpu.memory_space<vmem_shared>>)
      %dma_wait3A_328 = arith.constant 0 : i32
      %dma_wait3A_329 = tpu.memref_slice %arg7[%add3A_196, %dma_wait3A_328] : memref<64x128xf32, #tpu.memory_space<vmem>> -> memref<1x128xf32, #tpu.memory_space<vmem>>
      %dma_wait3A_330 = tpu.memref_squeeze %dma_wait3A_329 : memref<1x128xf32, #tpu.memory_space<vmem>> -> memref<128xf32, #tpu.memory_space<vmem>>
      %dma_wait3A_331 = arith.constant 0 : i32
      %dma_wait3A_332 = tpu.memref_slice %arg6[%add3A_196, %dma_wait3A_331] : memref<64x128xi32, #tpu.memory_space<vmem>> -> memref<1x128xi32, #tpu.memory_space<vmem>>
      %dma_wait3A_333 = tpu.memref_squeeze %dma_wait3A_332 : memref<1x128xi32, #tpu.memory_space<vmem>> -> memref<128xi32, #tpu.memory_space<vmem>>
      %dma_wait3A_334 = arith.constant 0 : i32
      %dma_wait3A_335 = tpu.memref_slice %arg8[%dma_wait3A_334] : memref<1048576xf32, #tpu.memory_space<vmem_shared>> -> memref<1048576xf32, #tpu.memory_space<vmem_shared>>
      tpu.wait_indirect_dma semaphore(%arg9 : memref<!tpu.dma_semaphore, #tpu.memory_space<semaphore_mem>>) src(%dma_wait3A_330 : memref<128xf32, #tpu.memory_space<vmem>>) dst(%dma_wait3A_335 : memref<1048576xf32, #tpu.memory_space<vmem_shared>>)
      %dma_wait3A_336 = arith.constant 0 : i32
      %dma_wait3A_337 = tpu.memref_slice %arg7[%add3A_208, %dma_wait3A_336] : memref<64x128xf32, #tpu.memory_space<vmem>> -> memref<1x128xf32, #tpu.memory_space<vmem>>
      %dma_wait3A_338 = tpu.memref_squeeze %dma_wait3A_337 : memref<1x128xf32, #tpu.memory_space<vmem>> -> memref<128xf32, #tpu.memory_space<vmem>>
      %dma_wait3A_339 = arith.constant 0 : i32
      %dma_wait3A_340 = tpu.memref_slice %arg6[%add3A_208, %dma_wait3A_339] : memref<64x128xi32, #tpu.memory_space<vmem>> -> memref<1x128xi32, #tpu.memory_space<vmem>>
      %dma_wait3A_341 = tpu.memref_squeeze %dma_wait3A_340 : memref<1x128xi32, #tpu.memory_space<vmem>> -> memref<128xi32, #tpu.memory_space<vmem>>
      %dma_wait3A_342 = arith.constant 0 : i32
      %dma_wait3A_343 = tpu.memref_slice %arg8[%dma_wait3A_342] : memref<1048576xf32, #tpu.memory_space<vmem_shared>> -> memref<1048576xf32, #tpu.memory_space<vmem_shared>>
      tpu.wait_indirect_dma semaphore(%arg9 : memref<!tpu.dma_semaphore, #tpu.memory_space<semaphore_mem>>) src(%dma_wait3A_338 : memref<128xf32, #tpu.memory_space<vmem>>) dst(%dma_wait3A_343 : memref<1048576xf32, #tpu.memory_space<vmem_shared>>)
    }
    %scan3A_20 = arith.constant 4 : i32
    %mul3A_21 = arith.constant 65536 : i32
    %mul3A_22 = arith.muli %arg1, %mul3A_21 : i32
    %mul3A_23 = arith.constant 65536 : i32
    %mul3A_24 = arith.muli %arg1, %mul3A_23 : i32
    "tpu.region"() ({
      %run_scoped3A = tpu.sem_alloc : memref<!tpu.dma_semaphore, #tpu.memory_space<semaphore_mem>>
      %dma_start3A = tpu.memref_slice %arg5[%add3A_12, %mul3A_24] : memref<4x1048576xf32, #tpu.memory_space<hbm>> -> memref<1x65536xf32, #tpu.memory_space<hbm>>
      %dma_start3A_25 = tpu.memref_squeeze %dma_start3A : memref<1x65536xf32, #tpu.memory_space<hbm>> -> memref<65536xf32, #tpu.memory_space<hbm>>
      %dma_start3A_26 = tpu.memref_slice %arg8[%mul3A_22] : memref<1048576xf32, #tpu.memory_space<vmem_shared>> -> memref<65536xf32, #tpu.memory_space<vmem_shared>>
      tpu.enqueue_dma source(%dma_start3A_26 : memref<65536xf32, #tpu.memory_space<vmem_shared>>) target(%dma_start3A_25 : memref<65536xf32, #tpu.memory_space<hbm>>) target_semaphore(%run_scoped3A : memref<!tpu.dma_semaphore, #tpu.memory_space<semaphore_mem>>)
      %dma_wait3A = tpu.memref_slice %arg5[%add3A_12, %mul3A_24] : memref<4x1048576xf32, #tpu.memory_space<hbm>> -> memref<1x65536xf32, #tpu.memory_space<hbm>>
      %dma_wait3A_27 = tpu.memref_squeeze %dma_wait3A : memref<1x65536xf32, #tpu.memory_space<hbm>> -> memref<65536xf32, #tpu.memory_space<hbm>>
      %dma_wait3A_28 = tpu.memref_slice %arg8[%mul3A_22] : memref<1048576xf32, #tpu.memory_space<vmem_shared>> -> memref<65536xf32, #tpu.memory_space<vmem_shared>>
      tpu.wait_dma2 semaphore(%run_scoped3A : memref<!tpu.dma_semaphore, #tpu.memory_space<semaphore_mem>>) src(%dma_wait3A_28 : memref<65536xf32, #tpu.memory_space<vmem_shared>>) dst(%dma_wait3A_27 : memref<65536xf32, #tpu.memory_space<hbm>>)
      tpu.yield
    }) : () -> ()
    return
  }
}

module attributes {stable_mosaic.version = 14 : i64} {
  func.func @_corners_body(%arg0: i32, %arg1: memref<1x1024x192xf32, #tpu.memory_space<vmem>>, %arg2: memref<1x1024x2xf32, #tpu.memory_space<vmem>>, %arg3: memref<32x192xf32, #tpu.memory_space<vmem>>, %arg4: memref<32x192xf32, #tpu.memory_space<vmem>>, %arg5: memref<1x32xf32, #tpu.memory_space<vmem>>, %arg6: memref<1x32xf32, #tpu.memory_space<vmem>>, %arg7: memref<32x192xf32, #tpu.memory_space<vmem>>, %arg8: memref<1x32xf32, #tpu.memory_space<vmem>>, %arg9: memref<1x1024x128xi32, #tpu.memory_space<vmem>>, %arg10: memref<1x1024x128xf32, #tpu.memory_space<vmem>>) attributes {dimension_semantics = [#tpu.dimension_semantics<arbitrary>], iteration_bounds = array<i64: 4>, scalar_prefetch = 0 : i64, scratch_operands = 0 : i64, tpu.core_type = #tpu.core_type<tc>, window_params = [{transform_indices = @transform_0, window_bounds = array<i64: 1, 1024, 192>}, {transform_indices = @transform_1, window_bounds = array<i64: 1, 1024, 2>}, {pipeline_mode = #tpu.pipeline_mode<synchronous>, transform_indices = @transform_2, window_bounds = array<i64: 32, 192>}, {pipeline_mode = #tpu.pipeline_mode<synchronous>, transform_indices = @transform_3, window_bounds = array<i64: 32, 192>}, {pipeline_mode = #tpu.pipeline_mode<synchronous>, transform_indices = @transform_4, window_bounds = array<i64: 1, 32>}, {pipeline_mode = #tpu.pipeline_mode<synchronous>, transform_indices = @transform_5, window_bounds = array<i64: 1, 32>}, {pipeline_mode = #tpu.pipeline_mode<synchronous>, transform_indices = @transform_6, window_bounds = array<i64: 32, 192>}, {pipeline_mode = #tpu.pipeline_mode<synchronous>, transform_indices = @transform_7, window_bounds = array<i64: 1, 32>}, {transform_indices = @transform_8, window_bounds = array<i64: 1, 1024, 128>}, {transform_indices = @transform_9, window_bounds = array<i64: 1, 1024, 128>}]} {
    %get3A = arith.constant 0 : index
    %get3A_0 = arith.constant 0 : index
    %get3A_1 = arith.constant 0 : index
    %get3A_2 = vector.load %arg1[%get3A, %get3A_0, %get3A_1] : memref<1x1024x192xf32, #tpu.memory_space<vmem>>, vector<1x1024x192xf32>
    %get3A_3 = vector.shape_cast %get3A_2 : vector<1x1024x192xf32> to vector<1024x192xf32>
    %get3A_4 = arith.constant 0 : index
    %get3A_5 = arith.constant 0 : index
    %get3A_6 = arith.constant 0 : index
    %get3A_7 = vector.load %arg2[%get3A_4, %get3A_5, %get3A_6] : memref<1x1024x2xf32, #tpu.memory_space<vmem>>, vector<1x1024x2xf32>
    %get3A_8 = vector.shape_cast %get3A_7 : vector<1x1024x2xf32> to vector<1024x2xf32>
    %get3A_9 = arith.constant 0 : index
    %get3A_10 = arith.constant 0 : index
    %get3A_11 = vector.load %arg3[%get3A_9, %get3A_10] : memref<32x192xf32, #tpu.memory_space<vmem>>, vector<32x192xf32>
    %dot_general3A = arith.constant dense<0.000000e+00> : vector<1024x32xf32>
    %dot_general3A_12 = tpu.matmul %get3A_3, %get3A_11, %dot_general3A {dimension_numbers = #tpu.dot_dimension_numbers<[1], [1], [0], [0], [0, 0, 1, 0], [], []>, transpose_lhs_hint = false} : vector<1024x192xf32>, vector<32x192xf32>, vector<1024x32xf32> -> vector<1024x32xf32>
    %get3A_13 = arith.constant 0 : index
    %get3A_14 = arith.constant 0 : index
    %get3A_15 = vector.load %arg5[%get3A_13, %get3A_14] : memref<1x32xf32, #tpu.memory_space<vmem>>, vector<1x32xf32>
    %add3A = vector.broadcast %get3A_15 : vector<1x32xf32> to vector<1024x32xf32>
    %add3A_16 = arith.addf %dot_general3A_12, %add3A : vector<1024x32xf32>
    %get3A_17 = arith.constant 0 : index
    %get3A_18 = arith.constant 0 : index
    %get3A_19 = vector.load %arg4[%get3A_17, %get3A_18] : memref<32x192xf32, #tpu.memory_space<vmem>>, vector<32x192xf32>
    %dot_general3A_20 = arith.constant dense<0.000000e+00> : vector<1024x32xf32>
    %dot_general3A_21 = tpu.matmul %get3A_3, %get3A_19, %dot_general3A_20 {dimension_numbers = #tpu.dot_dimension_numbers<[1], [1], [0], [0], [0, 0, 1, 0], [], []>, transpose_lhs_hint = false} : vector<1024x192xf32>, vector<32x192xf32>, vector<1024x32xf32> -> vector<1024x32xf32>
    %get3A_22 = arith.constant 0 : index
    %get3A_23 = arith.constant 0 : index
    %get3A_24 = vector.load %arg6[%get3A_22, %get3A_23] : memref<1x32xf32, #tpu.memory_space<vmem>>, vector<1x32xf32>
    %add3A_25 = vector.broadcast %get3A_24 : vector<1x32xf32> to vector<1024x32xf32>
    %add3A_26 = arith.addf %dot_general3A_21, %add3A_25 : vector<1024x32xf32>
    %get3A_27 = arith.constant 0 : index
    %get3A_28 = arith.constant 0 : index
    %get3A_29 = vector.load %arg7[%get3A_27, %get3A_28] : memref<32x192xf32, #tpu.memory_space<vmem>>, vector<32x192xf32>
    %dot_general3A_30 = arith.constant dense<0.000000e+00> : vector<1024x32xf32>
    %dot_general3A_31 = tpu.matmul %get3A_3, %get3A_29, %dot_general3A_30 {dimension_numbers = #tpu.dot_dimension_numbers<[1], [1], [0], [0], [0, 0, 1, 0], [], []>, transpose_lhs_hint = false} : vector<1024x192xf32>, vector<32x192xf32>, vector<1024x32xf32> -> vector<1024x32xf32>
    %get3A_32 = arith.constant 0 : index
    %get3A_33 = arith.constant 0 : index
    %get3A_34 = vector.load %arg8[%get3A_32, %get3A_33] : memref<1x32xf32, #tpu.memory_space<vmem>>, vector<1x32xf32>
    %add3A_35 = vector.broadcast %get3A_34 : vector<1x32xf32> to vector<1024x32xf32>
    %add3A_36 = arith.addf %dot_general3A_31, %add3A_35 : vector<1024x32xf32>
    %reduce_max3A = arith.constant dense<0xFF800000> : vector<1024xf32>
    %reduce_max3A_37 = vector.multi_reduction <maximumf>, %add3A_36, %reduce_max3A [1] : vector<1024x32xf32> to vector<1024xf32>
    %broadcast_in_dim3A = vector.shape_cast %reduce_max3A_37 : vector<1024xf32> to vector<1024x1xf32>
    %sub3A = vector.broadcast %broadcast_in_dim3A : vector<1024x1xf32> to vector<1024x32xf32>
    %sub3A_38 = arith.subf %add3A_36, %sub3A : vector<1024x32xf32>
    %exp3A = math.exp %sub3A_38 : vector<1024x32xf32>
    %iota3A = tpu.iota {dimensions = array<i32: 0>} : vector<32x32xi32>
    %jit3A = arith.constant 4 : i32
    %div3A = vector.broadcast %jit3A : i32 to vector<32x32xi32>
    %div3A_39 = arith.divsi %iota3A, %div3A : vector<32x32xi32>
    %sign3A = arith.constant 0 : i32
    %sign3A_40 = vector.broadcast %sign3A : i32 to vector<32x32xi32>
    %sign3A_41 = arith.cmpi sgt, %iota3A, %sign3A_40 : vector<32x32xi32>
    %sign3A_42 = arith.extui %sign3A_41 : vector<32x32xi1> to vector<32x32xi32>
    %sign3A_43 = arith.constant 0 : i32
    %sign3A_44 = vector.broadcast %sign3A_43 : i32 to vector<32x32xi32>
    %sign3A_45 = arith.cmpi slt, %iota3A, %sign3A_44 : vector<32x32xi32>
    %sign3A_46 = arith.extui %sign3A_45 : vector<32x32xi1> to vector<32x32xi32>
    %sign3A_47 = arith.subi %sign3A_42, %sign3A_46 : vector<32x32xi32>
    %sign3A_48 = arith.constant 0 : i32
    %sign3A_49 = arith.cmpi sgt, %jit3A, %sign3A_48 : i32
    %sign3A_50 = arith.extui %sign3A_49 : i1 to i32
    %sign3A_51 = arith.constant 0 : i32
    %sign3A_52 = arith.cmpi slt, %jit3A, %sign3A_51 : i32
    %sign3A_53 = arith.extui %sign3A_52 : i1 to i32
    %sign3A_54 = arith.subi %sign3A_50, %sign3A_53 : i32
    %ne3A = vector.broadcast %sign3A_54 : i32 to vector<32x32xi32>
    %ne3A_55 = arith.cmpi ne, %sign3A_47, %ne3A : vector<32x32xi32>
    %rem3A = vector.broadcast %jit3A : i32 to vector<32x32xi32>
    %rem3A_56 = arith.remsi %iota3A, %rem3A : vector<32x32xi32>
    %ne3A_57 = arith.constant 0 : i32
    %ne3A_58 = vector.broadcast %ne3A_57 : i32 to vector<32x32xi32>
    %ne3A_59 = arith.cmpi ne, %rem3A_56, %ne3A_58 : vector<32x32xi32>
    %and3A = arith.andi %ne3A_55, %ne3A_59 : vector<32x32xi1>
    %sub3A_60 = arith.constant 1 : i32
    %sub3A_61 = vector.broadcast %sub3A_60 : i32 to vector<32x32xi32>
    %sub3A_62 = arith.subi %div3A_39, %sub3A_61 : vector<32x32xi32>
    %select_n3A = arith.select %and3A, %sub3A_62, %div3A_39 : vector<32x32xi1>, vector<32x32xi32>
    %iota3A_63 = tpu.iota {dimensions = array<i32: 1>} : vector<32x32xi32>
    %jit3A_64 = arith.constant 4 : i32
    %div3A_65 = vector.broadcast %jit3A_64 : i32 to vector<32x32xi32>
    %div3A_66 = arith.divsi %iota3A_63, %div3A_65 : vector<32x32xi32>
    %sign3A_67 = arith.constant 0 : i32
    %sign3A_68 = vector.broadcast %sign3A_67 : i32 to vector<32x32xi32>
    %sign3A_69 = arith.cmpi sgt, %iota3A_63, %sign3A_68 : vector<32x32xi32>
    %sign3A_70 = arith.extui %sign3A_69 : vector<32x32xi1> to vector<32x32xi32>
    %sign3A_71 = arith.constant 0 : i32
    %sign3A_72 = vector.broadcast %sign3A_71 : i32 to vector<32x32xi32>
    %sign3A_73 = arith.cmpi slt, %iota3A_63, %sign3A_72 : vector<32x32xi32>
    %sign3A_74 = arith.extui %sign3A_73 : vector<32x32xi1> to vector<32x32xi32>
    %sign3A_75 = arith.subi %sign3A_70, %sign3A_74 : vector<32x32xi32>
    %sign3A_76 = arith.constant 0 : i32
    %sign3A_77 = arith.cmpi sgt, %jit3A_64, %sign3A_76 : i32
    %sign3A_78 = arith.extui %sign3A_77 : i1 to i32
    %sign3A_79 = arith.constant 0 : i32
    %sign3A_80 = arith.cmpi slt, %jit3A_64, %sign3A_79 : i32
    %sign3A_81 = arith.extui %sign3A_80 : i1 to i32
    %sign3A_82 = arith.subi %sign3A_78, %sign3A_81 : i32
    %ne3A_83 = vector.broadcast %sign3A_82 : i32 to vector<32x32xi32>
    %ne3A_84 = arith.cmpi ne, %sign3A_75, %ne3A_83 : vector<32x32xi32>
    %rem3A_85 = vector.broadcast %jit3A_64 : i32 to vector<32x32xi32>
    %rem3A_86 = arith.remsi %iota3A_63, %rem3A_85 : vector<32x32xi32>
    %ne3A_87 = arith.constant 0 : i32
    %ne3A_88 = vector.broadcast %ne3A_87 : i32 to vector<32x32xi32>
    %ne3A_89 = arith.cmpi ne, %rem3A_86, %ne3A_88 : vector<32x32xi32>
    %and3A_90 = arith.andi %ne3A_84, %ne3A_89 : vector<32x32xi1>
    %sub3A_91 = arith.constant 1 : i32
    %sub3A_92 = vector.broadcast %sub3A_91 : i32 to vector<32x32xi32>
    %sub3A_93 = arith.subi %div3A_66, %sub3A_92 : vector<32x32xi32>
    %select_n3A_94 = arith.select %and3A_90, %sub3A_93, %div3A_66 : vector<32x32xi1>, vector<32x32xi32>
    %eq3A = arith.cmpi eq, %select_n3A, %select_n3A_94 : vector<32x32xi32>
    %convert_element_type3A = arith.extui %eq3A : vector<32x32xi1> to vector<32x32xi32>
    %convert_element_type3A_95 = arith.sitofp %convert_element_type3A : vector<32x32xi32> to vector<32x32xf32>
    %dot_general3A_96 = arith.constant dense<0.000000e+00> : vector<1024x32xf32>
    %dot_general3A_97 = tpu.matmul %exp3A, %convert_element_type3A_95, %dot_general3A_96 {dimension_numbers = #tpu.dot_dimension_numbers<[1], [0], [0], [1], [0, 0, 1, 1], [], []>, transpose_lhs_hint = false} : vector<1024x32xf32>, vector<32x32xf32>, vector<1024x32xf32> -> vector<1024x32xf32>
    %div3A_98 = arith.divf %exp3A, %dot_general3A_97 : vector<1024x32xf32>
    %mul3A = arith.constant 1.250000e-01 : f32
    %mul3A_99 = vector.broadcast %mul3A : f32 to vector<1024x32xf32>
    %mul3A_100 = arith.mulf %div3A_98, %mul3A_99 : vector<1024x32xf32>
    %slice3A = vector.extract_strided_slice %get3A_8 {offsets = [0, 0], sizes = [1024, 1], strides = [1, 1]} : vector<1024x2xf32> to vector<1024x1xf32>
    %add3A_101 = vector.broadcast %slice3A : vector<1024x1xf32> to vector<1024x32xf32>
    %add3A_102 = arith.addf %add3A_101, %add3A_16 : vector<1024x32xf32>
    %slice3A_103 = vector.extract_strided_slice %get3A_8 {offsets = [0, 1], sizes = [1024, 1], strides = [1, 1]} : vector<1024x2xf32> to vector<1024x1xf32>
    %add3A_104 = vector.broadcast %slice3A_103 : vector<1024x1xf32> to vector<1024x32xf32>
    %add3A_105 = arith.addf %add3A_104, %add3A_26 : vector<1024x32xf32>
    %mul3A_106 = arith.constant 3.200000e+01 : f32
    %mul3A_107 = vector.broadcast %mul3A_106 : f32 to vector<1024x32xf32>
    %mul3A_108 = arith.mulf %add3A_102, %mul3A_107 : vector<1024x32xf32>
    %sub3A_109 = arith.constant 5.000000e-01 : f32
    %sub3A_110 = vector.broadcast %sub3A_109 : f32 to vector<1024x32xf32>
    %sub3A_111 = arith.subf %mul3A_108, %sub3A_110 : vector<1024x32xf32>
    %mul3A_112 = arith.constant 3.200000e+01 : f32
    %mul3A_113 = vector.broadcast %mul3A_112 : f32 to vector<1024x32xf32>
    %mul3A_114 = arith.mulf %add3A_105, %mul3A_113 : vector<1024x32xf32>
    %sub3A_115 = arith.constant 5.000000e-01 : f32
    %sub3A_116 = vector.broadcast %sub3A_115 : f32 to vector<1024x32xf32>
    %sub3A_117 = arith.subf %mul3A_114, %sub3A_116 : vector<1024x32xf32>
    %floor3A = math.floor %sub3A_111 : vector<1024x32xf32>
    %floor3A_118 = math.floor %sub3A_117 : vector<1024x32xf32>
    %sub3A_119 = arith.subf %sub3A_111, %floor3A : vector<1024x32xf32>
    %sub3A_120 = arith.subf %sub3A_117, %floor3A_118 : vector<1024x32xf32>
    %add3A_121 = arith.constant 1.000000e+00 : f32
    %add3A_122 = vector.broadcast %add3A_121 : f32 to vector<1024x32xf32>
    %add3A_123 = arith.addf %floor3A, %add3A_122 : vector<1024x32xf32>
    %add3A_124 = arith.constant 1.000000e+00 : f32
    %add3A_125 = vector.broadcast %add3A_124 : f32 to vector<1024x32xf32>
    %add3A_126 = arith.addf %floor3A_118, %add3A_125 : vector<1024x32xf32>
    %ge3A = arith.constant 0.000000e+00 : f32
    %ge3A_127 = vector.broadcast %ge3A : f32 to vector<1024x32xf32>
    %ge3A_128 = arith.cmpf oge, %floor3A, %ge3A_127 : vector<1024x32xf32>
    %le3A = arith.constant 3.100000e+01 : f32
    %le3A_129 = vector.broadcast %le3A : f32 to vector<1024x32xf32>
    %le3A_130 = arith.cmpf ole, %floor3A, %le3A_129 : vector<1024x32xf32>
    %and3A_131 = arith.andi %ge3A_128, %le3A_130 : vector<1024x32xi1>
    %convert_element_type3A_132 = arith.extui %and3A_131 : vector<1024x32xi1> to vector<1024x32xi32>
    %convert_element_type3A_133 = arith.sitofp %convert_element_type3A_132 : vector<1024x32xi32> to vector<1024x32xf32>
    %ge3A_134 = arith.constant 0.000000e+00 : f32
    %ge3A_135 = vector.broadcast %ge3A_134 : f32 to vector<1024x32xf32>
    %ge3A_136 = arith.cmpf oge, %add3A_123, %ge3A_135 : vector<1024x32xf32>
    %le3A_137 = arith.constant 3.100000e+01 : f32
    %le3A_138 = vector.broadcast %le3A_137 : f32 to vector<1024x32xf32>
    %le3A_139 = arith.cmpf ole, %add3A_123, %le3A_138 : vector<1024x32xf32>
    %and3A_140 = arith.andi %ge3A_136, %le3A_139 : vector<1024x32xi1>
    %convert_element_type3A_141 = arith.extui %and3A_140 : vector<1024x32xi1> to vector<1024x32xi32>
    %convert_element_type3A_142 = arith.sitofp %convert_element_type3A_141 : vector<1024x32xi32> to vector<1024x32xf32>
    %ge3A_143 = arith.constant 0.000000e+00 : f32
    %ge3A_144 = vector.broadcast %ge3A_143 : f32 to vector<1024x32xf32>
    %ge3A_145 = arith.cmpf oge, %floor3A_118, %ge3A_144 : vector<1024x32xf32>
    %le3A_146 = arith.constant 3.100000e+01 : f32
    %le3A_147 = vector.broadcast %le3A_146 : f32 to vector<1024x32xf32>
    %le3A_148 = arith.cmpf ole, %floor3A_118, %le3A_147 : vector<1024x32xf32>
    %and3A_149 = arith.andi %ge3A_145, %le3A_148 : vector<1024x32xi1>
    %convert_element_type3A_150 = arith.extui %and3A_149 : vector<1024x32xi1> to vector<1024x32xi32>
    %convert_element_type3A_151 = arith.sitofp %convert_element_type3A_150 : vector<1024x32xi32> to vector<1024x32xf32>
    %ge3A_152 = arith.constant 0.000000e+00 : f32
    %ge3A_153 = vector.broadcast %ge3A_152 : f32 to vector<1024x32xf32>
    %ge3A_154 = arith.cmpf oge, %add3A_126, %ge3A_153 : vector<1024x32xf32>
    %le3A_155 = arith.constant 3.100000e+01 : f32
    %le3A_156 = vector.broadcast %le3A_155 : f32 to vector<1024x32xf32>
    %le3A_157 = arith.cmpf ole, %add3A_126, %le3A_156 : vector<1024x32xf32>
    %and3A_158 = arith.andi %ge3A_154, %le3A_157 : vector<1024x32xi1>
    %convert_element_type3A_159 = arith.extui %and3A_158 : vector<1024x32xi1> to vector<1024x32xi32>
    %convert_element_type3A_160 = arith.sitofp %convert_element_type3A_159 : vector<1024x32xi32> to vector<1024x32xf32>
    %jit3A_161 = arith.constant 0.000000e+00 : f32
    %jit3A_162 = arith.constant 3.100000e+01 : f32
    %max3A = vector.broadcast %jit3A_161 : f32 to vector<1024x32xf32>
    %max3A_163 = arith.maximumf %max3A, %floor3A : vector<1024x32xf32>
    %min3A = vector.broadcast %jit3A_162 : f32 to vector<1024x32xf32>
    %min3A_164 = arith.minimumf %min3A, %max3A_163 : vector<1024x32xf32>
    %convert_element_type3A_165 = arith.fptosi %min3A_164 : vector<1024x32xf32> to vector<1024x32xi32>
    %jit3A_166 = arith.constant 0.000000e+00 : f32
    %jit3A_167 = arith.constant 3.100000e+01 : f32
    %max3A_168 = vector.broadcast %jit3A_166 : f32 to vector<1024x32xf32>
    %max3A_169 = arith.maximumf %max3A_168, %add3A_123 : vector<1024x32xf32>
    %min3A_170 = vector.broadcast %jit3A_167 : f32 to vector<1024x32xf32>
    %min3A_171 = arith.minimumf %min3A_170, %max3A_169 : vector<1024x32xf32>
    %convert_element_type3A_172 = arith.fptosi %min3A_171 : vector<1024x32xf32> to vector<1024x32xi32>
    %jit3A_173 = arith.constant 0.000000e+00 : f32
    %jit3A_174 = arith.constant 3.100000e+01 : f32
    %max3A_175 = vector.broadcast %jit3A_173 : f32 to vector<1024x32xf32>
    %max3A_176 = arith.maximumf %max3A_175, %floor3A_118 : vector<1024x32xf32>
    %min3A_177 = vector.broadcast %jit3A_174 : f32 to vector<1024x32xf32>
    %min3A_178 = arith.minimumf %min3A_177, %max3A_176 : vector<1024x32xf32>
    %convert_element_type3A_179 = arith.fptosi %min3A_178 : vector<1024x32xf32> to vector<1024x32xi32>
    %jit3A_180 = arith.constant 0.000000e+00 : f32
    %jit3A_181 = arith.constant 3.100000e+01 : f32
    %max3A_182 = vector.broadcast %jit3A_180 : f32 to vector<1024x32xf32>
    %max3A_183 = arith.maximumf %max3A_182, %add3A_126 : vector<1024x32xf32>
    %min3A_184 = vector.broadcast %jit3A_181 : f32 to vector<1024x32xf32>
    %min3A_185 = arith.minimumf %min3A_184, %max3A_183 : vector<1024x32xf32>
    %convert_element_type3A_186 = arith.fptosi %min3A_185 : vector<1024x32xf32> to vector<1024x32xi32>
    %iota3A_187 = tpu.iota {dimensions = array<i32: 0>} : vector<1024x1xi32>
    %mul3A_188 = arith.constant 1024 : i32
    %mul3A_189 = vector.broadcast %mul3A_188 : i32 to vector<1024x1xi32>
    %mul3A_190 = arith.muli %iota3A_187, %mul3A_189 : vector<1024x1xi32>
    %mul3A_191 = arith.constant 32 : i32
    %mul3A_192 = vector.broadcast %mul3A_191 : i32 to vector<1024x32xi32>
    %mul3A_193 = arith.muli %convert_element_type3A_179, %mul3A_192 : vector<1024x32xi32>
    %add3A_194 = vector.broadcast %mul3A_190 : vector<1024x1xi32> to vector<1024x32xi32>
    %add3A_195 = arith.addi %add3A_194, %mul3A_193 : vector<1024x32xi32>
    %add3A_196 = arith.addi %add3A_195, %convert_element_type3A_165 : vector<1024x32xi32>
    %mul3A_197 = arith.constant 32 : i32
    %mul3A_198 = vector.broadcast %mul3A_197 : i32 to vector<1024x32xi32>
    %mul3A_199 = arith.muli %convert_element_type3A_179, %mul3A_198 : vector<1024x32xi32>
    %add3A_200 = vector.broadcast %mul3A_190 : vector<1024x1xi32> to vector<1024x32xi32>
    %add3A_201 = arith.addi %add3A_200, %mul3A_199 : vector<1024x32xi32>
    %add3A_202 = arith.addi %add3A_201, %convert_element_type3A_172 : vector<1024x32xi32>
    %mul3A_203 = arith.constant 32 : i32
    %mul3A_204 = vector.broadcast %mul3A_203 : i32 to vector<1024x32xi32>
    %mul3A_205 = arith.muli %convert_element_type3A_186, %mul3A_204 : vector<1024x32xi32>
    %add3A_206 = vector.broadcast %mul3A_190 : vector<1024x1xi32> to vector<1024x32xi32>
    %add3A_207 = arith.addi %add3A_206, %mul3A_205 : vector<1024x32xi32>
    %add3A_208 = arith.addi %add3A_207, %convert_element_type3A_165 : vector<1024x32xi32>
    %mul3A_209 = arith.constant 32 : i32
    %mul3A_210 = vector.broadcast %mul3A_209 : i32 to vector<1024x32xi32>
    %mul3A_211 = arith.muli %convert_element_type3A_186, %mul3A_210 : vector<1024x32xi32>
    %add3A_212 = vector.broadcast %mul3A_190 : vector<1024x1xi32> to vector<1024x32xi32>
    %add3A_213 = arith.addi %add3A_212, %mul3A_211 : vector<1024x32xi32>
    %add3A_214 = arith.addi %add3A_213, %convert_element_type3A_172 : vector<1024x32xi32>
    %sub3A_215 = arith.constant 1.000000e+00 : f32
    %sub3A_216 = vector.broadcast %sub3A_215 : f32 to vector<1024x32xf32>
    %sub3A_217 = arith.subf %sub3A_216, %sub3A_120 : vector<1024x32xf32>
    %mul3A_218 = arith.mulf %mul3A_100, %sub3A_217 : vector<1024x32xf32>
    %sub3A_219 = arith.constant 1.000000e+00 : f32
    %sub3A_220 = vector.broadcast %sub3A_219 : f32 to vector<1024x32xf32>
    %sub3A_221 = arith.subf %sub3A_220, %sub3A_119 : vector<1024x32xf32>
    %mul3A_222 = arith.mulf %mul3A_218, %sub3A_221 : vector<1024x32xf32>
    %mul3A_223 = arith.mulf %convert_element_type3A_151, %convert_element_type3A_133 : vector<1024x32xf32>
    %mul3A_224 = arith.mulf %mul3A_222, %mul3A_223 : vector<1024x32xf32>
    %sub3A_225 = arith.constant 1.000000e+00 : f32
    %sub3A_226 = vector.broadcast %sub3A_225 : f32 to vector<1024x32xf32>
    %sub3A_227 = arith.subf %sub3A_226, %sub3A_120 : vector<1024x32xf32>
    %mul3A_228 = arith.mulf %mul3A_100, %sub3A_227 : vector<1024x32xf32>
    %mul3A_229 = arith.mulf %mul3A_228, %sub3A_119 : vector<1024x32xf32>
    %mul3A_230 = arith.mulf %convert_element_type3A_151, %convert_element_type3A_142 : vector<1024x32xf32>
    %mul3A_231 = arith.mulf %mul3A_229, %mul3A_230 : vector<1024x32xf32>
    %mul3A_232 = arith.mulf %mul3A_100, %sub3A_120 : vector<1024x32xf32>
    %sub3A_233 = arith.constant 1.000000e+00 : f32
    %sub3A_234 = vector.broadcast %sub3A_233 : f32 to vector<1024x32xf32>
    %sub3A_235 = arith.subf %sub3A_234, %sub3A_119 : vector<1024x32xf32>
    %mul3A_236 = arith.mulf %mul3A_232, %sub3A_235 : vector<1024x32xf32>
    %mul3A_237 = arith.mulf %convert_element_type3A_160, %convert_element_type3A_133 : vector<1024x32xf32>
    %mul3A_238 = arith.mulf %mul3A_236, %mul3A_237 : vector<1024x32xf32>
    %mul3A_239 = arith.mulf %mul3A_100, %sub3A_120 : vector<1024x32xf32>
    %mul3A_240 = arith.mulf %mul3A_239, %sub3A_119 : vector<1024x32xf32>
    %mul3A_241 = arith.mulf %convert_element_type3A_160, %convert_element_type3A_142 : vector<1024x32xf32>
    %mul3A_242 = arith.mulf %mul3A_240, %mul3A_241 : vector<1024x32xf32>
    %concatenate3A = tpu.concatenate %add3A_196, %add3A_202, %add3A_208, %add3A_214 in 1 : vector<1024x32xi32>, vector<1024x32xi32>, vector<1024x32xi32>, vector<1024x32xi32> -> vector<1024x128xi32>
    %swap3A = arith.constant 0 : index
    %swap3A_243 = arith.constant 0 : index
    %swap3A_244 = arith.constant 0 : index
    %swap3A_245 = vector.load %arg9[%swap3A, %swap3A_243, %swap3A_244] : memref<1x1024x128xi32, #tpu.memory_space<vmem>>, vector<1x1024x128xi32>
    %swap3A_246 = vector.shape_cast %swap3A_245 : vector<1x1024x128xi32> to vector<1024x128xi32>
    %swap3A_247 = vector.shape_cast %concatenate3A : vector<1024x128xi32> to vector<1x1024x128xi32>
    tpu.vector_store %arg9[%swap3A, %swap3A_243, %swap3A_244], %swap3A_247 {strides = array<i32>} : memref<1x1024x128xi32, #tpu.memory_space<vmem>>, vector<1x1024x128xi32>,
    %concatenate3A_248 = tpu.concatenate %mul3A_224, %mul3A_231, %mul3A_238, %mul3A_242 in 1 : vector<1024x32xf32>, vector<1024x32xf32>, vector<1024x32xf32>, vector<1024x32xf32> -> vector<1024x128xf32>
    %swap3A_249 = arith.constant 0 : index
    %swap3A_250 = arith.constant 0 : index
    %swap3A_251 = arith.constant 0 : index
    %swap3A_252 = vector.load %arg10[%swap3A_249, %swap3A_250, %swap3A_251] : memref<1x1024x128xf32, #tpu.memory_space<vmem>>, vector<1x1024x128xf32>
    %swap3A_253 = vector.shape_cast %swap3A_252 : vector<1x1024x128xf32> to vector<1024x128xf32>
    %swap3A_254 = vector.shape_cast %concatenate3A_248 : vector<1024x128xf32> to vector<1x1024x128xf32>
    tpu.vector_store %arg10[%swap3A_249, %swap3A_250, %swap3A_251], %swap3A_254 {strides = array<i32>} : memref<1x1024x128xf32, #tpu.memory_space<vmem>>, vector<1x1024x128xf32>,
    return
  }
  func.func @transform_0(%arg0: i32) -> (i32, i32, i32) {
    %c0_i32 = arith.constant 0 : i32
    %c0_i32_0 = arith.constant 0 : i32
    %c0_i32_1 = arith.constant 0 : i32
    return %arg0, %c0_i32, %c0_i32_0 : i32, i32, i32
  }
  func.func @transform_1(%arg0: i32) -> (i32, i32, i32) {
    %c0_i32 = arith.constant 0 : i32
    %c0_i32_0 = arith.constant 0 : i32
    %c0_i32_1 = arith.constant 0 : i32
    return %arg0, %c0_i32, %c0_i32_0 : i32, i32, i32
  }
  func.func @transform_2(%arg0: i32) -> (i32, i32) {
    %c0_i32 = arith.constant 0 : i32
    %c0_i32_0 = arith.constant 0 : i32
    %c0_i32_1 = arith.constant 0 : i32
    return %c0_i32, %c0_i32_0 : i32, i32
  }
  func.func @transform_3(%arg0: i32) -> (i32, i32) {
    %c0_i32 = arith.constant 0 : i32
    %c0_i32_0 = arith.constant 0 : i32
    %c0_i32_1 = arith.constant 0 : i32
    return %c0_i32, %c0_i32_0 : i32, i32
  }
  func.func @transform_4(%arg0: i32) -> (i32, i32) {
    %c0_i32 = arith.constant 0 : i32
    %c0_i32_0 = arith.constant 0 : i32
    %c0_i32_1 = arith.constant 0 : i32
    return %c0_i32, %c0_i32_0 : i32, i32
  }
  func.func @transform_5(%arg0: i32) -> (i32, i32) {
    %c0_i32 = arith.constant 0 : i32
    %c0_i32_0 = arith.constant 0 : i32
    %c0_i32_1 = arith.constant 0 : i32
    return %c0_i32, %c0_i32_0 : i32, i32
  }
  func.func @transform_6(%arg0: i32) -> (i32, i32) {
    %c0_i32 = arith.constant 0 : i32
    %c0_i32_0 = arith.constant 0 : i32
    %c0_i32_1 = arith.constant 0 : i32
    return %c0_i32, %c0_i32_0 : i32, i32
  }
  func.func @transform_7(%arg0: i32) -> (i32, i32) {
    %c0_i32 = arith.constant 0 : i32
    %c0_i32_0 = arith.constant 0 : i32
    %c0_i32_1 = arith.constant 0 : i32
    return %c0_i32, %c0_i32_0 : i32, i32
  }
  func.func @transform_8(%arg0: i32) -> (i32, i32, i32) {
    %c0_i32 = arith.constant 0 : i32
    %c0_i32_0 = arith.constant 0 : i32
    %c0_i32_1 = arith.constant 0 : i32
    return %arg0, %c0_i32, %c0_i32_0 : i32, i32, i32
  }
  func.func @transform_9(%arg0: i32) -> (i32, i32, i32) {
    %c0_i32 = arith.constant 0 : i32
    %c0_i32_0 = arith.constant 0 : i32
    %c0_i32_1 = arith.constant 0 : i32
    return %arg0, %c0_i32, %c0_i32_0 : i32, i32, i32
  }
}

module attributes {stable_mosaic.version = 14 : i64} {
  func.func @_matmul_body(%arg0: i32, %arg1: i32, %arg2: memref<1x1024x1024xf32, #tpu.memory_space<vmem>>, %arg3: memref<1x1024x192xf32, #tpu.memory_space<vmem>>, %arg4: memref<192x192xf32, #tpu.memory_space<vmem>>, %arg5: memref<1x192xf32, #tpu.memory_space<vmem>>, %arg6: memref<1x1024x192xf32, #tpu.memory_space<vmem>>) attributes {dimension_semantics = [#tpu.dimension_semantics<arbitrary>, #tpu.dimension_semantics<arbitrary>], iteration_bounds = array<i64: 4, 1>, scalar_prefetch = 0 : i64, scratch_operands = 0 : i64, tpu.core_type = #tpu.core_type<tc>, window_params = [{transform_indices = @transform_0, window_bounds = array<i64: 1, 1024, 1024>}, {transform_indices = @transform_1, window_bounds = array<i64: 1, 1024, 192>}, {pipeline_mode = #tpu.pipeline_mode<synchronous>, transform_indices = @transform_2, window_bounds = array<i64: 192, 192>}, {pipeline_mode = #tpu.pipeline_mode<synchronous>, transform_indices = @transform_3, window_bounds = array<i64: 1, 192>}, {transform_indices = @transform_4, window_bounds = array<i64: 1, 1024, 192>}]} {
    %get3A = arith.constant 0 : index
    %get3A_0 = arith.constant 0 : index
    %get3A_1 = arith.constant 0 : index
    %get3A_2 = vector.load %arg2[%get3A, %get3A_0, %get3A_1] : memref<1x1024x1024xf32, #tpu.memory_space<vmem>>, vector<1x1024x1024xf32>
    %get3A_3 = vector.shape_cast %get3A_2 : vector<1x1024x1024xf32> to vector<1024x1024xf32>
    %get3A_4 = arith.constant 0 : index
    %get3A_5 = arith.constant 0 : index
    %get3A_6 = arith.constant 0 : index
    %get3A_7 = vector.load %arg3[%get3A_4, %get3A_5, %get3A_6] : memref<1x1024x192xf32, #tpu.memory_space<vmem>>, vector<1x1024x192xf32>
    %get3A_8 = vector.shape_cast %get3A_7 : vector<1x1024x192xf32> to vector<1024x192xf32>
    %dot_general3A = arith.constant dense<0.000000e+00> : vector<1024x192xf32>
    %dot_general3A_9 = tpu.matmul %get3A_3, %get3A_8, %dot_general3A {dimension_numbers = #tpu.dot_dimension_numbers<[1], [0], [0], [1], [0, 0, 1, 1], [], []>, transpose_lhs_hint = false} : vector<1024x1024xf32>, vector<1024x192xf32>, vector<1024x192xf32> -> vector<1024x192xf32>
    %get3A_10 = arith.constant 0 : index
    %get3A_11 = arith.constant 0 : index
    %get3A_12 = vector.load %arg4[%get3A_10, %get3A_11] : memref<192x192xf32, #tpu.memory_space<vmem>>, vector<192x192xf32>
    %dot_general3A_13 = arith.constant dense<0.000000e+00> : vector<1024x192xf32>
    %dot_general3A_14 = tpu.matmul %dot_general3A_9, %get3A_12, %dot_general3A_13 {dimension_numbers = #tpu.dot_dimension_numbers<[1], [1], [0], [0], [0, 0, 1, 0], [], []>, transpose_lhs_hint = false} : vector<1024x192xf32>, vector<192x192xf32>, vector<1024x192xf32> -> vector<1024x192xf32>
    %get3A_15 = arith.constant 0 : index
    %get3A_16 = arith.constant 0 : index
    %get3A_17 = vector.load %arg5[%get3A_15, %get3A_16] : memref<1x192xf32, #tpu.memory_space<vmem>>, vector<1x192xf32>
    %add3A = vector.broadcast %get3A_17 : vector<1x192xf32> to vector<1024x192xf32>
    %add3A_18 = arith.addf %dot_general3A_14, %add3A : vector<1024x192xf32>
    %swap3A = arith.constant 0 : index
    %swap3A_19 = arith.constant 0 : index
    %swap3A_20 = arith.constant 0 : index
    %swap3A_21 = vector.load %arg6[%swap3A, %swap3A_19, %swap3A_20] : memref<1x1024x192xf32, #tpu.memory_space<vmem>>, vector<1x1024x192xf32>
    %swap3A_22 = vector.shape_cast %swap3A_21 : vector<1x1024x192xf32> to vector<1024x192xf32>
    %swap3A_23 = vector.shape_cast %add3A_18 : vector<1024x192xf32> to vector<1x1024x192xf32>
    tpu.vector_store %arg6[%swap3A, %swap3A_19, %swap3A_20], %swap3A_23 {strides = array<i32>} : memref<1x1024x192xf32, #tpu.memory_space<vmem>>, vector<1x1024x192xf32>,
    return
  }
  func.func @transform_0(%arg0: i32, %arg1: i32) -> (i32, i32, i32) {
    %c0_i32 = arith.constant 0 : i32
    %c0_i32_0 = arith.constant 0 : i32
    return %arg0, %arg1, %c0_i32 : i32, i32, i32
  }
  func.func @transform_1(%arg0: i32, %arg1: i32) -> (i32, i32, i32) {
    %c0_i32 = arith.constant 0 : i32
    %c0_i32_0 = arith.constant 0 : i32
    %c0_i32_1 = arith.constant 0 : i32
    return %arg0, %c0_i32, %c0_i32_0 : i32, i32, i32
  }
  func.func @transform_2(%arg0: i32, %arg1: i32) -> (i32, i32) {
    %c0_i32 = arith.constant 0 : i32
    %c0_i32_0 = arith.constant 0 : i32
    %c0_i32_1 = arith.constant 0 : i32
    return %c0_i32, %c0_i32_0 : i32, i32
  }
  func.func @transform_3(%arg0: i32, %arg1: i32) -> (i32, i32) {
    %c0_i32 = arith.constant 0 : i32
    %c0_i32_0 = arith.constant 0 : i32
    %c0_i32_1 = arith.constant 0 : i32
    return %c0_i32, %c0_i32_0 : i32, i32
  }
  func.func @transform_4(%arg0: i32, %arg1: i32) -> (i32, i32, i32) {
    %c0_i32 = arith.constant 0 : i32
    %c0_i32_0 = arith.constant 0 : i32
    return %arg0, %arg1, %c0_i32 : i32, i32, i32
  }
}

</mosaic_0001>

<sc_bundles>
// kernel: kernel.5.cloned.1.call-start
scs
__scs_entry_jumppad:
0x0: {  	(pc) =	sbr.rel $0x88, $3  }
0x1: {  	(tag) =	ssettag $0x0;
	lr =	simm.s32 $0x1  }
0x2: {  	[smem:$0x3F99] =	sst lr;
	_ =	strace $0xD0000000  }
0x3: {  	_ = 	snop  }
0x4: {  	_ = 	snop  }
0x5: {  	_ = 	snop  }
0x6: {  	_ = 	snop  }
0x7: {  	_ = 	snop  }
__scs_overlays_trampoline_lowered:
0x8: {  	[smem:$0x3FA8] =	sst s0  }
0x9: {  	[smem:$0x3FA9] =	sst s1  }
0xa: {  	[smem:$0x3FAA] =	sst s2  }
0xb: {  	[smem:$0x3FAB] =	sst s3  }
0xc: {  	[smem:$0x3FAC] =	sst s4  }
0xd: {  	[smem:$0x3FAD] =	sst s5  }
0xe: {  	[smem:$0x3FAE] =	sst s6  }
0xf: {  	[smem:$0x3FAF] =	sst s7  }
0x10: {  	[smem:$0x3FB0] =	sst s8  }
0x11: {  	[smem:$0x3FB1] =	sst s9;
	s0 =	simm.s32 @!p0 $0x0  }
0x12: {  	s1 =	sld [smem:$0x3F97];
	s0 =	simm.s32 @p0 $0x1  }
0x13: {  	[smem:$0x3FB2] =	sst s0;
	s0 =	simm.s32 @!p1 $0x0  }
0x14: {  	s2 =	sld [smem:$0x3F96];
	s0 =	simm.s32 @p1 $0x1  }
0x15: {  	[smem:$0x3FB3] =	sst s0;
	s0 =	simm.s32 @!p2 $0x0  }
0x16: {  	s3 =	sld [smem:$0x3FDB];
	s0 =	simm.s32 @p2 $0x1  }
0x17: {  	s4 =	simm.s32 $0x1BF5;
	[smem:$0x3FB5] =	sst s0  }
0x18: {  	s0 =	sld [smem:$0x3F98];
	_ =	swait.ge [sflag:s4], $0x0  }
0x19: {  	s7 =	sld [smem:$0x3F99]  }
0x1a: {  	s8 =	sadd.s32 $0xFFFFE003, lr  }
0x1b: {  	s9 =	sadd.s32 $0xFFFFFEF7, lr;
	s5 =	simm.s32 $0xFFFFFFFF;
	p2 =	slt.u32 s8, $0xFFFFF086  }
0x1c: {  	p1 =	slt.u32 s9, $0xF7A;
	s5 =	simm.s32 @!p2 $0x0  }
0x1d: {  	s5 =	simm.s32 @p1 $0x1;
	p0 =	seq.s32 s7, s2  }
0x1e: {  	s7 =	smul.u32 @!p0 $0xF7A, s2;
	p2 =	seq.s32 @!p0 s5, $0x0  }
0x1f: {  	s9 =	smul.u32 $0xF7A, s1;
	s8 =	simm.s32 @!p0 $0x1BF5;
	p2 =	por !p2, p0  }
0x20: {  	[sflag:s8] =	ssyncset.s32 @!p0 $0xFFFFF086;
	s6 =	sadd.s32 @!p0 s3, s7;
	s7 =	simm.s32 @!p0 $0x108  }
0x21: {  	s3 =	sadd.s32 s3, s9;
	s6 =	sadd.s32 @!p0 $0x88, s6;
	s7 =	simm.s32 @p2 $0x1082  }
0x22: {  	[simem:s7], [sflag:s8] =	dma.local @!p0 [hbm:s6], $0xF7A  }
0x23: {  	s9 =	sor.u32 $0xD0000000, s2;
	s6 =	simm.s32 $0x108;
	_ =	swait.ge @!p0 [sflag:s8], $0x0  }
0x24: {  	s3 =	sadd.s32 $0x88, s3;
	s6 =	simm.s32 @!p1 $0x1082;
	[sflag:s4] =	ssyncset.s32 $0xFFFFF086  }
0x25: {  	[simem:s6], [sflag:s4] =	dma.local [hbm:s3], $0xF7A  }
0x26: {  	[smem:$0x3F99] =	sst s1;
	(tag) =	ssettag s2;
	_ =	strace s9  }
0x27: {  	s1 =	sld [smem:$0x3FA9]  }
0x28: {  	s2 =	sld [smem:$0x3FAA]  }
0x29: {  	s4 =	sld [smem:$0x3FAC]  }
0x2a: {  	p0 =	seq.s32 s5, $0x0;
	s5 =	sld [smem:$0x3FAD]  }
0x2b: {  	s6 =	sld [smem:$0x3FAE]  }
0x2c: {  	s7 =	sld [smem:$0x3FAF]  }
0x2d: {  	s3 =	simm.s32 $0x108;
	s8 =	sld [smem:$0x3FB0]  }
0x2e: {  	s3 =	simm.s32 @!p0 $0x1082;
	s9 =	sld [smem:$0x3FB1]  }
0x2f: {  	lr =	sadd.s32 s0, s3;
	s0 =	sld [smem:$0x3FA8]  }
0x30: {  	s3 =	sld [smem:$0x3FAB]  }
0x31: {  	[smem:$0x3FB4] =	sst s10  }
0x32: {  	s10 =	sld [smem:$0x3FB2];
	_ =	sdelay $0x3  }
0x33: {  	p0 =	seq.s32 s10, $0x1;
	s10 =	sld [smem:$0x3FB4];
	_ =	sdelay $0x3  }
0x34: {  	[smem:$0x3FB4] =	sst s10  }
0x35: {  	s10 =	sld [smem:$0x3FB3];
	_ =	sdelay $0x3  }
0x36: {  	p1 =	seq.s32 s10, $0x1;
	s10 =	sld [smem:$0x3FB4];
	_ =	sdelay $0x3  }
0x37: {  	[smem:$0x3FB4] =	sst s10  }
0x38: {  	s10 =	sld [smem:$0x3FB5]  }
0x39: {  	_ = 	snop;
	(pc) =	sbr.ind lr, $3  }
0x3a: {  	_ = 	snop  }
0x3b: {  	_ = 	snop  }
0x3c: {  	p2 =	seq.s32 s10, $0x1;
	s10 =	sld [smem:$0x3FB4]  }
0x3d: {  	_ =	shalt  }
0x3e: {  	_ =	shalt  }
0x3f: {  	_ =	shalt  }
0x40: {  	_ =	shalt  }
0x41: {  	_ =	shalt  }
0x42: {  	_ =	shalt  }
0x43: {  	_ =	shalt  }
0x44: {  	_ =	shalt  }
0x45: {  	_ =	shalt  }
0x46: {  	_ =	shalt  }
0x47: {  	_ =	shalt  }
0x48: {  	_ =	shalt  }
0x49: {  	_ =	shalt  }
0x4a: {  	_ =	shalt  }
0x4b: {  	_ =	shalt  }
0x4c: {  	_ =	shalt  }
0x4d: {  	_ =	shalt  }
0x4e: {  	_ =	shalt  }
0x4f: {  	_ =	shalt  }
0x50: {  	_ =	shalt  }
0x51: {  	_ =	shalt  }
0x52: {  	_ =	shalt  }
0x53: {  	_ =	shalt  }
0x54: {  	_ =	shalt  }
0x55: {  	_ =	shalt  }
0x56: {  	_ =	shalt  }
0x57: {  	_ =	shalt  }
0x58: {  	_ =	shalt  }
0x59: {  	_ =	shalt  }
0x5a: {  	_ =	shalt  }
0x5b: {  	_ =	shalt  }
0x5c: {  	_ =	shalt  }
0x5d: {  	_ =	shalt  }
0x5e: {  	_ =	shalt  }
0x5f: {  	_ =	shalt  }
0x60: {  	_ =	shalt  }
0x61: {  	_ =	shalt  }
0x62: {  	_ =	shalt  }
0x63: {  	_ =	shalt  }
0x64: {  	_ =	shalt  }
0x65: {  	_ =	shalt  }
0x66: {  	_ =	shalt  }
0x67: {  	_ =	shalt  }
0x68: {  	_ =	shalt  }
0x69: {  	_ =	shalt  }
0x6a: {  	_ =	shalt  }
0x6b: {  	_ =	shalt  }
0x6c: {  	_ =	shalt  }
0x6d: {  	_ =	shalt  }
0x6e: {  	_ =	shalt  }
0x6f: {  	_ =	shalt  }
0x70: {  	_ =	shalt  }
0x71: {  	_ =	shalt  }
0x72: {  	_ =	shalt  }
0x73: {  	_ =	shalt  }
0x74: {  	_ =	shalt  }
0x75: {  	_ =	shalt  }
0x76: {  	_ =	shalt  }
0x77: {  	_ =	shalt  }
0x78: {  	_ =	shalt  }
0x79: {  	_ =	shalt  }
0x7a: {  	_ =	shalt  }
0x7b: {  	_ =	shalt  }
0x7c: {  	_ =	shalt  }
0x7d: {  	_ =	shalt  }
0x7e: {  	_ =	shalt  }
0x7f: {  	_ =	shalt  }
0x80: {  	_ =	shalt  }
0x81: {  	_ =	shalt  }
0x82: {  	_ =	shalt  }
0x83: {  	_ =	shalt  }
0x84: {  	_ =	shalt  }
0x85: {  	_ =	shalt  }
0x86: {  	_ =	shalt  }
0x87: {  	_ =	shalt  }
.Lfunc_end0:
.L_simem_size_0:
called_computation_lowered:
.L_overlay_start_0:
0x88: {  	s2 =	sld [smem:$0x3FD9]  }
0x89: {  	s3 =	sld [smem:$0x3FFE];
	_ =	sdelay $0x1  }
0x8a: {  	s1 =	srdreg.scid  }
0x8b: {  	s0 =	sand.u32 $0x1, s1  }
0x8c: {  	s17 =	sshll.u32 s0, $0xA;
	s2 =	sadd.s32 s3, s2  }
0x8d: {  	s2 =	sadd.s32 s2, s17  }
0x8e: {  	[smem:$0x3FC0] =	sst s2  }
0x8f: {  	_ = 	snop  }
0x90: {  	s2 =	sld [smem:$0x3FD0];
	(tm) =	ssettm $0x1  }
0x91: {  	s18 =	sld [smem:$0x3FFB];
	_ =	sdelay $0x3  }
0x92: {  	_ =	strace s18  }
0x93: {  	s3 =	sld [smem:$0x3FFC];
	_ =	sdelay $0x3  }
0x94: {  	_ =	strace s3  }
0x95: {  	s3 =	sld [smem:$0x3FFD];
	_ =	sdelay $0x3  }
0x96: {  	_ =	strace s3  }
0x97: {  	_ =	strace $0x8FFFFFFF  }
0x98: {  	s19 =	sld [smem:$0x3FDB];
	_ =	sdelay $0x1  }
0x99: {  	s4 =	simm.s32 $_scs_section_size  }
0x9a: {  	s5 =	simm.s32 $_size__tile_overlayer_lowered;
	s6 =	simm.s32 $_tile_overlayer_lowered  }
0x9b: {  	s22 =	simm.s32 $0x1BFF;
	s21 =	sshll.u32 s6, $0x1;
	s3 =	sadd.s32 s4, s19  }
0x9c: {  	s7 =	simm.s32 $0x0;
	s20 =	sshll.u32 s5, $0x1;
	s5 =	sadd.s32 s21, s3  }
0x9d: {  	[timem:s7], [sflag:s22] =	dma.local [hbm:s5], s20  }
0x9e: {  	_ =	swait.ge [sflag:s22], s20  }
0x9f: {  	s4 =	ssub.s32 $0x0, s20;
	[sflag:s22] =	ssyncset.done $0x0  }
0xa0: {  	[sflag:s22] =	ssyncadd.s32 s4;
	_ =	sdelay $0x1  }
0xa1: {  	s23 =	simm.s32 $0x1B8B  }
0xa2: {  	_ =	swait.ge [sflag:s23], $0x1  }
0xa3: {  	[sflag:s23] =	ssyncset.done $0x0  }
0xa4: {  	s25 =	simm.s32 $0x1B8E;
	s24 =	sld [smem:$0x3FFE];
	[sflag:s23] =	ssyncadd.s32 $0xFFFFFFFF  }
0xa5: {  	s26 =	simm.s32 $execute0_lowered;
	[smem:$0x3FD2] =	sst s25  }
0xa6: {  	s5 =	sshll.u32 s26, $0x1;
	_ =	strace $0x80000046;
	[dreg:$0x1] =	wrdreg $0xFFFFFFFF  }
0xa7: {  	s28 =	simm.s32 $_size_execute0_lowered;
	s3 =	sadd.s32 s3, s5;
	[dreg:$0x0] =	wrdreg $0x0  }
0xa8: {  	s5 =	sshll.u32 s28, $0x1;
	[dreg:$0x2] =	wrdreg s3  }
0xa9: {  	[dreg:$0x3] =	wrdreg s5  }
0xaa: {  	[dreg:$0x4] =	wrdreg $0xC0  }
0xab: {  	_ =	task [dreg:s7], $0x5FFFF  }
0xac: {  	[dreg:$0x1] =	wrdreg $0xFFFFFFFF  }
0xad: {  	[dreg:$0x0] =	wrdreg $0x60  }
0xae: {  	[dreg:$0x2] =	wrdreg s2  }
0xaf: {  	[dreg:$0x3] =	wrdreg s24  }
0xb0: {  	[dreg:$0x4] =	wrdreg $0x40000  }
0xb1: {  	[dreg:$0x5] =	wrdreg $0x9  }
0xb2: {  	_ =	task.clear_ibuf [dreg:s7], $0x6FFFF;
	_ =	strace $0x90000046  }
0xb3: {  	s29 =	simm.s32 $0x9;
	_ =	strace $0x80000048  }
0xb4: {  	_ =	swait.ge [sflag:s29], $0x1  }
0xb5: {  	[sflag:s29] =	ssyncadd.s32 $0xFFFFFFFF  }
0xb6: {  	_ =	strace $0x90000048  }
0xb7: {  	_ =	sfence  }
0xb8: {  	s30 =	sld [smem:$0x0];
	_ =	sdelay $0x2  }
0xb9: {  	s31 =	sshll.u32 s1, $0xD;
	s1 =	sshrl.u32 s1, $0x2  }
0xba: {  	s3 =	sand.u32 $0x4000, s31;
	s1 =	sadd.s32 s1, s30  }
0xbb: {  	s0 =	sor.u32 s3, s0;
	s1 =	sshll.u32 s1, $0x11  }
0xbc: {  	s0 =	sor.u32 s1, s0  }
0xbd: {  	s0 =	sadd.s32 $0x8F2B, s0  }
0xbe: {  	[sflag:s0] =	ssyncadd.remote.s32 $0x1  }
0xbf: {  	_ =	sfence.sel $0xFFFF  }
0xc0: {  	[dreg:$0x0] =	wrdreg $0xFFFFFFFF;
	(pc) =	sbr.abs _section_cstart, $3  }
0xc1: {  	[dreg:$0x1] =	wrdreg $0xFFFFFFFF  }
0xc2: {  	_ =	task.clear_ibuf [dreg:s7], $0x2FFFF;
	_ =	strace $0x9FFFFFFF  }
0xc3: {  	(tm) =	ssettm $0x7FFFFFFF  }
tec
execute0_lowered:
.L_overlay_start_1:
0x0: {  	(tag) =	ssettag $0x1  }
0x1: {  	s0 =	rddreg [dreg:$0x0]  }
0x2: {  	s2 =	rddreg [dreg:$0x1]  }
0x3: {  	s1 =	rddreg [dreg:$0x2];
	s29 =	simm.s32 $0x0;
	s4 =	srdreg.scid  }
0x4: {  	s10 =	stileid.u32;
	[smem:$0x7FF] =	sst s29  }
0x5: {  	s3 =	sand.u32 $0x1, s4;
	s5 =	sadd.s32 $0x1600, s2;
	s6 =	sshll.u32 s10, $0xD  }
0x6: {  	s31 =	sadd.s32 $0x11600, s2;
	s8 =	sshll.u32 s10, $0x12;
	s2 =	sadd.s32 $0x13600, s2  }
0x7: {  	s10 =	sshll.u32 s10, $0x6;
	_ =	strace $0x80000047;
	[dreg:$0xd] =	wrdreg s3  }
0x8: {  	s7 =	sshll.u32 s3, $0x11;
	s9 =	sshrl.u32 s8, $0x2;
	s4 =	sshll.u32 s3, $0x7  }
0x9: {  	s12 =	sor.u32 $0x2, s3;
	s7 =	sor.u32 s6, s7;
	s9 =	sadd.s32 s9, s1  }
0xa: {  	s13 =	sshll.u32 s12, $0x11;
	s14 =	sshll.u32 s12, $0x7;
	s7 =	sshrl.u32 s7, $0x3  }
0xb: {  	s6 =	sor.u32 s6, s13;
	s15 =	sor.u32 s8, s14;
	s11 =	sadd.s32 s0, s7  }
0xc: {  	s7 =	sadd.s32 s5, s7;
	s6 =	sshrl.u32 s6, $0x3;
	[dreg:$0x4] =	wrdreg s11  }
0xd: {  	s17 =	sshrl.u32 s15, $0x3;
	[dreg:$0x5] =	wrdreg s7;
	s0 =	sadd.s32 s0, s6  }
0xe: {  	s11 =	sor.u32 s4, s8;
	s16 =	sadd.s32 s5, s6;
	[dreg:$0x7] =	wrdreg s0  }
0xf: {  	s18 =	sadd.s32 s2, s17;
	s11 =	sshrl.u32 s11, $0x3;
	[dreg:$0x8] =	wrdreg s16  }
0x10: {  	s8 =	sshrl.u32 s9, $0x3;
	[dreg:$0x9] =	wrdreg s18;
	s7 =	sadd.s32 s2, s11  }
0x11: {  	s6 =	simm.s32 $0x2;
	[dreg:$0x6] =	wrdreg s7;
	s7 =	sor.u32 $0x1C02, s10  }
0x12: {  	[spmem:s8], [sflag:s7] =	dma.local [hbm:s31], $0x2000  }
0x13: {  	_ =	swait.ge [sflag:s6], $0x2000  }
0x14: {  	[sflag:s6] =	ssyncset.done $0x0  }
0x15: {  	s19 =	rddreg [dreg:$0x4];
	[sflag:s6] =	ssyncadd.s32 $0xFFFFE000  }
0x16: {  	[tilespmem:s29], [sflag:$0x2] =	stream.linear.gather [hbm4b:s19+s29], $0x2000, $0x38;
	[tilespmem:$0x14000] =	vst v63  }
0x17: {  	_ =	swait.ge [sflag:s6], $0x2000  }
0x18: {  	[sflag:s6] =	ssyncset.done $0x0  }
0x19: {  	s3 =	simm.s32 $0x2000;
	s20 =	rddreg [dreg:$0x5];
	[sflag:s6] =	ssyncadd.s32 $0xFFFFE000  }
0x1a: {  	[tilespmem:s3], [sflag:$0x2] =	stream.linear.gather [hbm4b:s20+s29], $0x2000, $0x38;
	[tilespmem:$0x14000] =	vst v63  }
0x1b: {  	_ =	swait.ge [sflag:s6], $0x2000  }
0x1c: {  	[sflag:s6] =	ssyncset.done $0x0  }
0x1d: {  	s9 =	simm.s32 $0x80;
	[sflag:s6] =	ssyncadd.s32 $0xFFFFE000  }
0x1e: {  	[spmem:s1] =	stream.indirect.scatter.add.f32 [tilespmem:s3], [sflag:$0x1], $0x1, s29, s9, $0xb8;
	[tilespmem:$0x14000] =	vst v63  }
0x1f: {  	s21 =	simm.s32 $0x2080  }
0x20: {  	[spmem:s1] =	stream.indirect.scatter.add.f32 [tilespmem:s21], [sflag:$0x1], $0x1, s9, s9, $0xb8;
	[tilespmem:$0x14000] =	vst v63  }
0x21: {  	s22 =	simm.s32 $0x100;
	s23 =	simm.s32 $0x2100  }
0x22: {  	[spmem:s1] =	stream.indirect.scatter.add.f32 [tilespmem:s23], [sflag:$0x1], $0x1, s22, s9, $0xb8;
	[tilespmem:$0x14000] =	vst v63  }
0x23: {  	s24 =	simm.s32 $0x180;
	s25 =	simm.s32 $0x2180  }
0x24: {  	[spmem:s1] =	stream.indirect.scatter.add.f32 [tilespmem:s25], [sflag:$0x1], $0x1, s24, s9, $0xb8;
	[tilespmem:$0x14000] =	vst v63  }
0x25: {  	s26 =	simm.s32 $0x200;
	s30 =	simm.s32 $0x2200  }
0x26: {  	[spmem:s1] =	stream.indirect.scatter.add.f32 [tilespmem:s30], [sflag:$0x1], $0x1, s26, s9, $0xb8;
	[tilespmem:$0x14000] =	vst v63  }
0x27: {  	s4 =	simm.s32 $0x280;
	s5 =	simm.s32 $0x2280  }
0x28: {  	[spmem:s1] =	stream.indirect.scatter.add.f32 [tilespmem:s5], [sflag:$0x1], $0x1, s4, s9, $0xb8;
	[tilespmem:$0x14000] =	vst v63  }
0x29: {  	s11 =	simm.s32 $0x2300;
	s10 =	simm.s32 $0x300  }
0x2a: {  	[spmem:s1] =	stream.indirect.scatter.add.f32 [tilespmem:s11], [sflag:$0x1], $0x1, s10, s9, $0xb8;
	[tilespmem:$0x14000] =	vst v63  }
0x2b: {  	s12 =	simm.s32 $0x380;
	s13 =	simm.s32 $0x2380  }
0x2c: {  	[spmem:s1] =	stream.indirect.scatter.add.f32 [tilespmem:s13], [sflag:$0x1], $0x1, s12, s9, $0xb8;
	[tilespmem:$0x14000] =	vst v63  }
0x2d: {  	s14 =	simm.s32 $0x400;
	s15 =	simm.s32 $0x2400  }
0x2e: {  	[spmem:s1] =	stream.indirect.scatter.add.f32 [tilespmem:s15], [sflag:$0x1], $0x1, s14, s9, $0xb8;
	[tilespmem:$0x14000] =	vst v63  }
0x2f: {  	s17 =	simm.s32 $0x2480;
	s16 =	simm.s32 $0x480  }
0x30: {  	[spmem:s1] =	stream.indirect.scatter.add.f32 [tilespmem:s17], [sflag:$0x1], $0x1, s16, s9, $0xb8;
	[tilespmem:$0x14000] =	vst v63  }
0x31: {  	s18 =	simm.s32 $0x500;
	s19 =	simm.s32 $0x2500  }
0x32: {  	[spmem:s1] =	stream.indirect.scatter.add.f32 [tilespmem:s19], [sflag:$0x1], $0x1, s18, s9, $0xb8;
	[tilespmem:$0x14000] =	vst v63  }
0x33: {  	s20 =	simm.s32 $0x580;
	s21 =	simm.s32 $0x2580  }
0x34: {  	[spmem:s1] =	stream.indirect.scatter.add.f32 [tilespmem:s21], [sflag:$0x1], $0x1, s20, s9, $0xb8;
	[tilespmem:$0x14000] =	vst v63  }
0x35: {  	s22 =	simm.s32 $0x600;
	s23 =	simm.s32 $0x2600  }
0x36: {  	[spmem:s1] =	stream.indirect.scatter.add.f32 [tilespmem:s23], [sflag:$0x1], $0x1, s22, s9, $0xb8;
	[tilespmem:$0x14000] =	vst v63  }
0x37: {  	s24 =	simm.s32 $0x680;
	s25 =	simm.s32 $0x2680  }
0x38: {  	[spmem:s1] =	stream.indirect.scatter.add.f32 [tilespmem:s25], [sflag:$0x1], $0x1, s24, s9, $0xb8;
	[tilespmem:$0x14000] =	vst v63  }
0x39: {  	s26 =	simm.s32 $0x700;
	s30 =	simm.s32 $0x2700  }
0x3a: {  	[spmem:s1] =	stream.indirect.scatter.add.f32 [tilespmem:s30], [sflag:$0x1], $0x1, s26, s9, $0xb8;
	[tilespmem:$0x14000] =	vst v63  }
0x3b: {  	s2 =	simm.s32 $0x780;
	s4 =	simm.s32 $0x2780;
	s16 =	simm.s32 $0x1  }
0x3c: {  	[spmem:s1] =	stream.indirect.scatter.add.f32 [tilespmem:s4], [sflag:$0x1], $0x1, s2, s9, $0xb8;
	[tilespmem:$0x14000] =	vst v63  }
0x3d: {  	_ =	swait.ge [sflag:s16], $0x80  }
0x3e: {  	[sflag:s16] =	ssyncset.done $0x0  }
0x3f: {  	[sflag:s16] =	ssyncadd.s32 $0xFFFFFF80  }
0x40: {  	_ =	swait.ge [sflag:s16], $0x80  }
0x41: {  	[sflag:s16] =	ssyncset.done $0x0  }
0x42: {  	[sflag:s16] =	ssyncadd.s32 $0xFFFFFF80  }
0x43: {  	_ =	swait.ge [sflag:s16], $0x80  }
0x44: {  	[sflag:s16] =	ssyncset.done $0x0  }
0x45: {  	[sflag:s16] =	ssyncadd.s32 $0xFFFFFF80  }
0x46: {  	_ =	swait.ge [sflag:s16], $0x80  }
0x47: {  	[sflag:s16] =	ssyncset.done $0x0  }
0x48: {  	[sflag:s16] =	ssyncadd.s32 $0xFFFFFF80  }
0x49: {  	_ =	swait.ge [sflag:s16], $0x80  }
0x4a: {  	[sflag:s16] =	ssyncset.done $0x0  }
0x4b: {  	[sflag:s16] =	ssyncadd.s32 $0xFFFFFF80  }
0x4c: {  	_ =	swait.ge [sflag:s16], $0x80  }
0x4d: {  	[sflag:s16] =	ssyncset.done $0x0  }
0x4e: {  	[sflag:s16] =	ssyncadd.s32 $0xFFFFFF80  }
0x4f: {  	_ =	swait.ge [sflag:s16], $0x80  }
0x50: {  	[sflag:s16] =	ssyncset.done $0x0  }
0x51: {  	[sflag:s16] =	ssyncadd.s32 $0xFFFFFF80  }
0x52: {  	_ =	swait.ge [sflag:s16], $0x80  }
0x53: {  	[sflag:s16] =	ssyncset.done $0x0  }
0x54: {  	[sflag:s16] =	ssyncadd.s32 $0xFFFFFF80  }
0x55: {  	_ =	swait.ge [sflag:s16], $0x80  }
0x56: {  	[sflag:s16] =	ssyncset.done $0x0  }
0x57: {  	[sflag:s16] =	ssyncadd.s32 $0xFFFFFF80  }
0x58: {  	_ =	swait.ge [sflag:s16], $0x80  }
0x59: {  	[sflag:s16] =	ssyncset.done $0x0  }
0x5a: {  	[sflag:s16] =	ssyncadd.s32 $0xFFFFFF80  }
0x5b: {  	_ =	swait.ge [sflag:s16], $0x80  }
0x5c: {  	[sflag:s16] =	ssyncset.done $0x0  }
0x5d: {  	[sflag:s16] =	ssyncadd.s32 $0xFFFFFF80  }
0x5e: {  	_ =	swait.ge [sflag:s16], $0x80  }
0x5f: {  	[sflag:s16] =	ssyncset.done $0x0  }
0x60: {  	[sflag:s16] =	ssyncadd.s32 $0xFFFFFF80  }
0x61: {  	_ =	swait.ge [sflag:s16], $0x80  }
0x62: {  	[sflag:s16] =	ssyncset.done $0x0  }
0x63: {  	[sflag:s16] =	ssyncadd.s32 $0xFFFFFF80  }
0x64: {  	_ =	swait.ge [sflag:s16], $0x80  }
0x65: {  	[sflag:s16] =	ssyncset.done $0x0  }
0x66: {  	[sflag:s16] =	ssyncadd.s32 $0xFFFFFF80  }
0x67: {  	_ =	swait.ge [sflag:s16], $0x80  }
0x68: {  	[sflag:s16] =	ssyncset.done $0x0  }
0x69: {  	[sflag:s16] =	ssyncadd.s32 $0xFFFFFF80  }
0x6a: {  	_ =	swait.ge [sflag:s16], $0x80  }
0x6b: {  	[sflag:s16] =	ssyncset.done $0x0  }
0x6c: {  	s5 =	simm.s32 $0x800;
	s10 =	simm.s32 $0x2800;
	[sflag:s16] =	ssyncadd.s32 $0xFFFFFF80  }
0x6d: {  	[spmem:s1] =	stream.indirect.scatter.add.f32 [tilespmem:s10], [sflag:$0x1], $0x1, s5, s9, $0xb8;
	[tilespmem:$0x14000] =	vst v63  }
0x6e: {  	s11 =	simm.s32 $0x880;
	s12 =	simm.s32 $0x2880  }
0x6f: {  	[spmem:s1] =	stream.indirect.scatter.add.f32 [tilespmem:s12], [sflag:$0x1], $0x1, s11, s9, $0xb8;
	[tilespmem:$0x14000] =	vst v63  }
0x70: {  	s13 =	simm.s32 $0x900;
	s14 =	simm.s32 $0x2900  }
0x71: {  	[spmem:s1] =	stream.indirect.scatter.add.f32 [tilespmem:s14], [sflag:$0x1], $0x1, s13, s9, $0xb8;
	[tilespmem:$0x14000] =	vst v63  }
0x72: {  	s15 =	simm.s32 $0x980;
	s17 =	simm.s32 $0x2980  }
0x73: {  	[spmem:s1] =	stream.indirect.scatter.add.f32 [tilespmem:s17], [sflag:$0x1], $0x1, s15, s9, $0xb8;
	[tilespmem:$0x14000] =	vst v63  }
0x74: {  	s18 =	simm.s32 $0xA00;
	s19 =	simm.s32 $0x2A00  }
0x75: {  	[spmem:s1] =	stream.indirect.scatter.add.f32 [tilespmem:s19], [sflag:$0x1], $0x1, s18, s9, $0xb8;
	[tilespmem:$0x14000] =	vst v63  }
0x76: {  	s20 =	simm.s32 $0xA80;
	s21 =	simm.s32 $0x2A80  }
0x77: {  	[spmem:s1] =	stream.indirect.scatter.add.f32 [tilespmem:s21], [sflag:$0x1], $0x1, s20, s9, $0xb8;
	[tilespmem:$0x14000] =	vst v63  }
0x78: {  	s22 =	simm.s32 $0xB00;
	s23 =	simm.s32 $0x2B00  }
0x79: {  	[spmem:s1] =	stream.indirect.scatter.add.f32 [tilespmem:s23], [sflag:$0x1], $0x1, s22, s9, $0xb8;
	[tilespmem:$0x14000] =	vst v63  }
0x7a: {  	s24 =	simm.s32 $0xB80;
	s25 =	simm.s32 $0x2B80  }
0x7b: {  	[spmem:s1] =	stream.indirect.scatter.add.f32 [tilespmem:s25], [sflag:$0x1], $0x1, s24, s9, $0xb8;
	[tilespmem:$0x14000] =	vst v63  }
0x7c: {  	s26 =	simm.s32 $0xC00;
	s30 =	simm.s32 $0x2C00  }
0x7d: {  	[spmem:s1] =	stream.indirect.scatter.add.f32 [tilespmem:s30], [sflag:$0x1], $0x1, s26, s9, $0xb8;
	[tilespmem:$0x14000] =	vst v63  }
0x7e: {  	s2 =	simm.s32 $0xC80;
	s4 =	simm.s32 $0x2C80  }
0x7f: {  	[spmem:s1] =	stream.indirect.scatter.add.f32 [tilespmem:s4], [sflag:$0x1], $0x1, s2, s9, $0xb8;
	[tilespmem:$0x14000] =	vst v63  }
0x80: {  	s5 =	simm.s32 $0xD00;
	s10 =	simm.s32 $0x2D00  }
0x81: {  	[spmem:s1] =	stream.indirect.scatter.add.f32 [tilespmem:s10], [sflag:$0x1], $0x1, s5, s9, $0xb8;
	[tilespmem:$0x14000] =	vst v63  }
0x82: {  	s11 =	simm.s32 $0xD80;
	s12 =	simm.s32 $0x2D80  }
0x83: {  	[spmem:s1] =	stream.indirect.scatter.add.f32 [tilespmem:s12], [sflag:$0x1], $0x1, s11, s9, $0xb8;
	[tilespmem:$0x14000] =	vst v63  }
0x84: {  	s13 =	simm.s32 $0xE00;
	s14 =	simm.s32 $0x2E00  }
0x85: {  	[spmem:s1] =	stream.indirect.scatter.add.f32 [tilespmem:s14], [sflag:$0x1], $0x1, s13, s9, $0xb8;
	[tilespmem:$0x14000] =	vst v63  }
0x86: {  	s15 =	simm.s32 $0xE80;
	s17 =	simm.s32 $0x2E80  }
0x87: {  	[spmem:s1] =	stream.indirect.scatter.add.f32 [tilespmem:s17], [sflag:$0x1], $0x1, s15, s9, $0xb8;
	[tilespmem:$0x14000] =	vst v63  }
0x88: {  	s18 =	simm.s32 $0xF00;
	s19 =	simm.s32 $0x2F00  }
0x89: {  	[spmem:s1] =	stream.indirect.scatter.add.f32 [tilespmem:s19], [sflag:$0x1], $0x1, s18, s9, $0xb8;
	[tilespmem:$0x14000] =	vst v63  }
0x8a: {  	s20 =	simm.s32 $0xF80;
	s21 =	simm.s32 $0x2F80  }
0x8b: {  	[spmem:s1] =	stream.indirect.scatter.add.f32 [tilespmem:s21], [sflag:$0x1], $0x1, s20, s9, $0xb8;
	[tilespmem:$0x14000] =	vst v63  }
0x8c: {  	_ =	swait.ge [sflag:s16], $0x80  }
0x8d: {  	[sflag:s16] =	ssyncset.done $0x0  }
0x8e: {  	[sflag:s16] =	ssyncadd.s32 $0xFFFFFF80  }
0x8f: {  	_ =	swait.ge [sflag:s16], $0x80  }
0x90: {  	[sflag:s16] =	ssyncset.done $0x0  }
0x91: {  	[sflag:s16] =	ssyncadd.s32 $0xFFFFFF80  }
0x92: {  	_ =	swait.ge [sflag:s16], $0x80  }
0x93: {  	[sflag:s16] =	ssyncset.done $0x0  }
0x94: {  	[sflag:s16] =	ssyncadd.s32 $0xFFFFFF80  }
0x95: {  	_ =	swait.ge [sflag:s16], $0x80  }
0x96: {  	[sflag:s16] =	ssyncset.done $0x0  }
0x97: {  	[sflag:s16] =	ssyncadd.s32 $0xFFFFFF80  }
0x98: {  	_ =	swait.ge [sflag:s16], $0x80  }
0x99: {  	[sflag:s16] =	ssyncset.done $0x0  }
0x9a: {  	[sflag:s16] =	ssyncadd.s32 $0xFFFFFF80  }
0x9b: {  	_ =	swait.ge [sflag:s16], $0x80  }
0x9c: {  	[sflag:s16] =	ssyncset.done $0x0  }
0x9d: {  	[sflag:s16] =	ssyncadd.s32 $0xFFFFFF80  }
0x9e: {  	_ =	swait.ge [sflag:s16], $0x80  }
0x9f: {  	[sflag:s16] =	ssyncset.done $0x0  }
0xa0: {  	[sflag:s16] =	ssyncadd.s32 $0xFFFFFF80  }
0xa1: {  	_ =	swait.ge [sflag:s16], $0x80  }
0xa2: {  	[sflag:s16] =	ssyncset.done $0x0  }
0xa3: {  	[sflag:s16] =	ssyncadd.s32 $0xFFFFFF80  }
0xa4: {  	_ =	swait.ge [sflag:s16], $0x80  }
0xa5: {  	[sflag:s16] =	ssyncset.done $0x0  }
0xa6: {  	[sflag:s16] =	ssyncadd.s32 $0xFFFFFF80  }
0xa7: {  	_ =	swait.ge [sflag:s16], $0x80  }
0xa8: {  	[sflag:s16] =	ssyncset.done $0x0  }
0xa9: {  	[sflag:s16] =	ssyncadd.s32 $0xFFFFFF80  }
0xaa: {  	_ =	swait.ge [sflag:s16], $0x80  }
0xab: {  	[sflag:s16] =	ssyncset.done $0x0  }
0xac: {  	[sflag:s16] =	ssyncadd.s32 $0xFFFFFF80  }
0xad: {  	_ =	swait.ge [sflag:s16], $0x80  }
0xae: {  	[sflag:s16] =	ssyncset.done $0x0  }
0xaf: {  	[sflag:s16] =	ssyncadd.s32 $0xFFFFFF80  }
0xb0: {  	_ =	swait.ge [sflag:s16], $0x80  }
0xb1: {  	[sflag:s16] =	ssyncset.done $0x0  }
0xb2: {  	[sflag:s16] =	ssyncadd.s32 $0xFFFFFF80  }
0xb3: {  	_ =	swait.ge [sflag:s16], $0x80  }
0xb4: {  	[sflag:s16] =	ssyncset.done $0x0  }
0xb5: {  	[sflag:s16] =	ssyncadd.s32 $0xFFFFFF80  }
0xb6: {  	_ =	swait.ge [sflag:s16], $0x80  }
0xb7: {  	[sflag:s16] =	ssyncset.done $0x0  }
0xb8: {  	[sflag:s16] =	ssyncadd.s32 $0xFFFFFF80  }
0xb9: {  	_ =	swait.ge [sflag:s16], $0x80  }
0xba: {  	[sflag:s16] =	ssyncset.done $0x0  }
0xbb: {  	s22 =	simm.s32 $0x1000;
	s23 =	simm.s32 $0x3000;
	[sflag:s16] =	ssyncadd.s32 $0xFFFFFF80  }
0xbc: {  	[spmem:s1] =	stream.indirect.scatter.add.f32 [tilespmem:s23], [sflag:$0x1], $0x1, s22, s9, $0xb8;
	[tilespmem:$0x14000] =	vst v63  }
0xbd: {  	s24 =	simm.s32 $0x1080;
	s25 =	simm.s32 $0x3080  }
0xbe: {  	[spmem:s1] =	stream.indirect.scatter.add.f32 [tilespmem:s25], [sflag:$0x1], $0x1, s24, s9, $0xb8;
	[tilespmem:$0x14000] =	vst v63  }
0xbf: {  	s26 =	simm.s32 $0x1100;
	s30 =	simm.s32 $0x3100  }
0xc0: {  	[spmem:s1] =	stream.indirect.scatter.add.f32 [tilespmem:s30], [sflag:$0x1], $0x1, s26, s9, $0xb8;
	[tilespmem:$0x14000] =	vst v63  }
0xc1: {  	s2 =	simm.s32 $0x1180;
	s4 =	simm.s32 $0x3180  }
0xc2: {  	[spmem:s1] =	stream.indirect.scatter.add.f32 [tilespmem:s4], [sflag:$0x1], $0x1, s2, s9, $0xb8;
	[tilespmem:$0x14000] =	vst v63  }
0xc3: {  	s5 =	simm.s32 $0x1200;
	s10 =	simm.s32 $0x3200  }
0xc4: {  	[spmem:s1] =	stream.indirect.scatter.add.f32 [tilespmem:s10], [sflag:$0x1], $0x1, s5, s9, $0xb8;
	[tilespmem:$0x14000] =	vst v63  }
0xc5: {  	s11 =	simm.s32 $0x1280;
	s12 =	simm.s32 $0x3280  }
0xc6: {  	[spmem:s1] =	stream.indirect.scatter.add.f32 [tilespmem:s12], [sflag:$0x1], $0x1, s11, s9, $0xb8;
	[tilespmem:$0x14000] =	vst v63  }
0xc7: {  	s13 =	simm.s32 $0x1300;
	s14 =	simm.s32 $0x3300  }
0xc8: {  	[spmem:s1] =	stream.indirect.scatter.add.f32 [tilespmem:s14], [sflag:$0x1], $0x1, s13, s9, $0xb8;
	[tilespmem:$0x14000] =	vst v63  }
0xc9: {  	s15 =	simm.s32 $0x1380;
	s17 =	simm.s32 $0x3380  }
0xca: {  	[spmem:s1] =	stream.indirect.scatter.add.f32 [tilespmem:s17], [sflag:$0x1], $0x1, s15, s9, $0xb8;
	[tilespmem:$0x14000] =	vst v63  }
0xcb: {  	s18 =	simm.s32 $0x1400;
	s19 =	simm.s32 $0x3400  }
0xcc: {  	[spmem:s1] =	stream.indirect.scatter.add.f32 [tilespmem:s19], [sflag:$0x1], $0x1, s18, s9, $0xb8;
	[tilespmem:$0x14000] =	vst v63  }
0xcd: {  	s20 =	simm.s32 $0x1480;
	s21 =	simm.s32 $0x3480  }
0xce: {  	[spmem:s1] =	stream.indirect.scatter.add.f32 [tilespmem:s21], [sflag:$0x1], $0x1, s20, s9, $0xb8;
	[tilespmem:$0x14000] =	vst v63  }
0xcf: {  	s22 =	simm.s32 $0x1500;
	s23 =	simm.s32 $0x3500  }
0xd0: {  	[spmem:s1] =	stream.indirect.scatter.add.f32 [tilespmem:s23], [sflag:$0x1], $0x1, s22, s9, $0xb8;
	[tilespmem:$0x14000] =	vst v63  }
0xd1: {  	s24 =	simm.s32 $0x1580;
	s25 =	simm.s32 $0x3580  }
0xd2: {  	[spmem:s1] =	stream.indirect.scatter.add.f32 [tilespmem:s25], [sflag:$0x1], $0x1, s24, s9, $0xb8;
	[tilespmem:$0x14000] =	vst v63  }
0xd3: {  	s26 =	simm.s32 $0x1600;
	s30 =	simm.s32 $0x3600  }
0xd4: {  	[spmem:s1] =	stream.indirect.scatter.add.f32 [tilespmem:s30], [sflag:$0x1], $0x1, s26, s9, $0xb8;
	[tilespmem:$0x14000] =	vst v63  }
0xd5: {  	s2 =	simm.s32 $0x1680;
	s4 =	simm.s32 $0x3680  }
0xd6: {  	[spmem:s1] =	stream.indirect.scatter.add.f32 [tilespmem:s4], [sflag:$0x1], $0x1, s2, s9, $0xb8;
	[tilespmem:$0x14000] =	vst v63  }
0xd7: {  	s5 =	simm.s32 $0x1700;
	s10 =	simm.s32 $0x3700  }
0xd8: {  	[spmem:s1] =	stream.indirect.scatter.add.f32 [tilespmem:s10], [sflag:$0x1], $0x1, s5, s9, $0xb8;
	[tilespmem:$0x14000] =	vst v63  }
0xd9: {  	s11 =	simm.s32 $0x1780;
	s12 =	simm.s32 $0x3780  }
0xda: {  	[spmem:s1] =	stream.indirect.scatter.add.f32 [tilespmem:s12], [sflag:$0x1], $0x1, s11, s9, $0xb8;
	[tilespmem:$0x14000] =	vst v63  }
0xdb: {  	_ =	swait.ge [sflag:s16], $0x80  }
0xdc: {  	[sflag:s16] =	ssyncset.done $0x0  }
0xdd: {  	[sflag:s16] =	ssyncadd.s32 $0xFFFFFF80  }
0xde: {  	_ =	swait.ge [sflag:s16], $0x80  }
0xdf: {  	[sflag:s16] =	ssyncset.done $0x0  }
0xe0: {  	[sflag:s16] =	ssyncadd.s32 $0xFFFFFF80  }
0xe1: {  	_ =	swait.ge [sflag:s16], $0x80  }
0xe2: {  	[sflag:s16] =	ssyncset.done $0x0  }
0xe3: {  	[sflag:s16] =	ssyncadd.s32 $0xFFFFFF80  }
0xe4: {  	_ =	swait.ge [sflag:s16], $0x80  }
0xe5: {  	[sflag:s16] =	ssyncset.done $0x0  }
0xe6: {  	[sflag:s16] =	ssyncadd.s32 $0xFFFFFF80  }
0xe7: {  	_ =	swait.ge [sflag:s16], $0x80  }
0xe8: {  	[sflag:s16] =	ssyncset.done $0x0  }
0xe9: {  	[sflag:s16] =	ssyncadd.s32 $0xFFFFFF80  }
0xea: {  	_ =	swait.ge [sflag:s16], $0x80  }
0xeb: {  	[sflag:s16] =	ssyncset.done $0x0  }
0xec: {  	[sflag:s16] =	ssyncadd.s32 $0xFFFFFF80  }
0xed: {  	_ =	swait.ge [sflag:s16], $0x80  }
0xee: {  	[sflag:s16] =	ssyncset.done $0x0  }
0xef: {  	[sflag:s16] =	ssyncadd.s32 $0xFFFFFF80  }
0xf0: {  	_ =	swait.ge [sflag:s16], $0x80  }
0xf1: {  	[sflag:s16] =	ssyncset.done $0x0  }
0xf2: {  	[sflag:s16] =	ssyncadd.s32 $0xFFFFFF80  }
0xf3: {  	_ =	swait.ge [sflag:s16], $0x80  }
0xf4: {  	[sflag:s16] =	ssyncset.done $0x0  }
0xf5: {  	[sflag:s16] =	ssyncadd.s32 $0xFFFFFF80  }
0xf6: {  	_ =	swait.ge [sflag:s16], $0x80  }
0xf7: {  	[sflag:s16] =	ssyncset.done $0x0  }
0xf8: {  	[sflag:s16] =	ssyncadd.s32 $0xFFFFFF80  }
0xf9: {  	_ =	swait.ge [sflag:s16], $0x80  }
0xfa: {  	[sflag:s16] =	ssyncset.done $0x0  }
0xfb: {  	[sflag:s16] =	ssyncadd.s32 $0xFFFFFF80  }
0xfc: {  	_ =	swait.ge [sflag:s16], $0x80  }
0xfd: {  	[sflag:s16] =	ssyncset.done $0x0  }
0xfe: {  	[sflag:s16] =	ssyncadd.s32 $0xFFFFFF80  }
0xff: {  	_ =	swait.ge [sflag:s16], $0x80  }
0x100: {  	[sflag:s16] =	ssyncset.done $0x0  }
0x101: {  	[sflag:s16] =	ssyncadd.s32 $0xFFFFFF80  }
0x102: {  	_ =	swait.ge [sflag:s16], $0x80  }
0x103: {  	[sflag:s16] =	ssyncset.done $0x0  }
0x104: {  	[sflag:s16] =	ssyncadd.s32 $0xFFFFFF80  }
0x105: {  	_ =	swait.ge [sflag:s16], $0x80  }
0x106: {  	[sflag:s16] =	ssyncset.done $0x0  }
0x107: {  	[sflag:s16] =	ssyncadd.s32 $0xFFFFFF80  }
0x108: {  	_ =	swait.ge [sflag:s16], $0x80  }
0x109: {  	[sflag:s16] =	ssyncset.done $0x0  }
0x10a: {  	s13 =	simm.s32 $0x1800;
	s14 =	simm.s32 $0x3800;
	[sflag:s16] =	ssyncadd.s32 $0xFFFFFF80  }
0x10b: {  	[spmem:s1] =	stream.indirect.scatter.add.f32 [tilespmem:s14], [sflag:$0x1], $0x1, s13, s9, $0xb8;
	[tilespmem:$0x14000] =	vst v63  }
0x10c: {  	s15 =	simm.s32 $0x1880;
	s17 =	simm.s32 $0x3880  }
0x10d: {  	[spmem:s1] =	stream.indirect.scatter.add.f32 [tilespmem:s17], [sflag:$0x1], $0x1, s15, s9, $0xb8;
	[tilespmem:$0x14000] =	vst v63  }
0x10e: {  	s18 =	simm.s32 $0x1900;
	s19 =	simm.s32 $0x3900  }
0x10f: {  	[spmem:s1] =	stream.indirect.scatter.add.f32 [tilespmem:s19], [sflag:$0x1], $0x1, s18, s9, $0xb8;
	[tilespmem:$0x14000] =	vst v63  }
0x110: {  	s20 =	simm.s32 $0x1980;
	s21 =	simm.s32 $0x3980  }
0x111: {  	[spmem:s1] =	stream.indirect.scatter.add.f32 [tilespmem:s21], [sflag:$0x1], $0x1, s20, s9, $0xb8;
	[tilespmem:$0x14000] =	vst v63  }
0x112: {  	s22 =	simm.s32 $0x1A00;
	s23 =	simm.s32 $0x3A00  }
0x113: {  	[spmem:s1] =	stream.indirect.scatter.add.f32 [tilespmem:s23], [sflag:$0x1], $0x1, s22, s9, $0xb8;
	[tilespmem:$0x14000] =	vst v63  }
0x114: {  	s24 =	simm.s32 $0x1A80;
	s25 =	simm.s32 $0x3A80  }
0x115: {  	[spmem:s1] =	stream.indirect.scatter.add.f32 [tilespmem:s25], [sflag:$0x1], $0x1, s24, s9, $0xb8;
	[tilespmem:$0x14000] =	vst v63  }
0x116: {  	s26 =	simm.s32 $0x1B00;
	s30 =	simm.s32 $0x3B00  }
0x117: {  	[spmem:s1] =	stream.indirect.scatter.add.f32 [tilespmem:s30], [sflag:$0x1], $0x1, s26, s9, $0xb8;
	[tilespmem:$0x14000] =	vst v63  }
0x118: {  	s25 =	simm.s32 $0x3B80;
	s26 =	simm.s32 $0x1B80  }
0x119: {  	[spmem:s1] =	stream.indirect.scatter.add.f32 [tilespmem:s25], [sflag:$0x1], $0x1, s26, s9, $0xb8;
	[tilespmem:$0x14000] =	vst v63  }
0x11a: {  	s23 =	simm.s32 $0x3C00;
	s24 =	simm.s32 $0x1C00  }
0x11b: {  	[spmem:s1] =	stream.indirect.scatter.add.f32 [tilespmem:s23], [sflag:$0x1], $0x1, s24, s9, $0xb8;
	[tilespmem:$0x14000] =	vst v63  }
0x11c: {  	s21 =	simm.s32 $0x3C80;
	s22 =	simm.s32 $0x1C80  }
0x11d: {  	[spmem:s1] =	stream.indirect.scatter.add.f32 [tilespmem:s21], [sflag:$0x1], $0x1, s22, s9, $0xb8;
	[tilespmem:$0x14000] =	vst v63  }
0x11e: {  	s19 =	simm.s32 $0x3D00;
	s20 =	simm.s32 $0x1D00  }
0x11f: {  	[spmem:s1] =	stream.indirect.scatter.add.f32 [tilespmem:s19], [sflag:$0x1], $0x1, s20, s9, $0xb8;
	[tilespmem:$0x14000] =	vst v63  }
0x120: {  	s17 =	simm.s32 $0x3D80;
	s18 =	simm.s32 $0x1D80  }
0x121: {  	[spmem:s1] =	stream.indirect.scatter.add.f32 [tilespmem:s17], [sflag:$0x1], $0x1, s18, s9, $0xb8;
	[tilespmem:$0x14000] =	vst v63  }
0x122: {  	s14 =	simm.s32 $0x3E00;
	s15 =	simm.s32 $0x1E00  }
0x123: {  	[spmem:s1] =	stream.indirect.scatter.add.f32 [tilespmem:s14], [sflag:$0x1], $0x1, s15, s9, $0xb8;
	[tilespmem:$0x14000] =	vst v63  }
0x124: {  	s12 =	simm.s32 $0x3E80;
	s13 =	simm.s32 $0x1E80  }
0x125: {  	[spmem:s1] =	stream.indirect.scatter.add.f32 [tilespmem:s12], [sflag:$0x1], $0x1, s13, s9, $0xb8;
	[tilespmem:$0x14000] =	vst v63  }
0x126: {  	s5 =	simm.s32 $0x3F00;
	s11 =	simm.s32 $0x1F00  }
0x127: {  	[spmem:s1] =	stream.indirect.scatter.add.f32 [tilespmem:s5], [sflag:$0x1], $0x1, s11, s9, $0xb8;
	[tilespmem:$0x14000] =	vst v63  }
0x128: {  	s0 =	simm.s32 $0x3F80;
	s2 =	simm.s32 $0x1F80  }
0x129: {  	[spmem:s1] =	stream.indirect.scatter.add.f32 [tilespmem:s0], [sflag:$0x1], $0x1, s2, s9, $0xb8;
	[tilespmem:$0x14000] =	vst v63  }
0x12a: {  	_ =	swait.ge [sflag:s16], $0x80  }
0x12b: {  	[sflag:s16] =	ssyncset.done $0x0  }
0x12c: {  	[sflag:s16] =	ssyncadd.s32 $0xFFFFFF80  }
0x12d: {  	_ =	swait.ge [sflag:s16], $0x80  }
0x12e: {  	[sflag:s16] =	ssyncset.done $0x0  }
0x12f: {  	[sflag:s16] =	ssyncadd.s32 $0xFFFFFF80  }
0x130: {  	_ =	swait.ge [sflag:s16], $0x80  }
0x131: {  	[sflag:s16] =	ssyncset.done $0x0  }
0x132: {  	[sflag:s16] =	ssyncadd.s32 $0xFFFFFF80  }
0x133: {  	_ =	swait.ge [sflag:s16], $0x80  }
0x134: {  	[sflag:s16] =	ssyncset.done $0x0  }
0x135: {  	[sflag:s16] =	ssyncadd.s32 $0xFFFFFF80  }
0x136: {  	_ =	swait.ge [sflag:s16], $0x80  }
0x137: {  	[sflag:s16] =	ssyncset.done $0x0  }
0x138: {  	[sflag:s16] =	ssyncadd.s32 $0xFFFFFF80  }
0x139: {  	_ =	swait.ge [sflag:s16], $0x80  }
0x13a: {  	[sflag:s16] =	ssyncset.done $0x0  }
0x13b: {  	[sflag:s16] =	ssyncadd.s32 $0xFFFFFF80  }
0x13c: {  	_ =	swait.ge [sflag:s16], $0x80  }
0x13d: {  	[sflag:s16] =	ssyncset.done $0x0  }
0x13e: {  	[sflag:s16] =	ssyncadd.s32 $0xFFFFFF80  }
0x13f: {  	_ =	swait.ge [sflag:s16], $0x80  }
0x140: {  	[sflag:s16] =	ssyncset.done $0x0  }
0x141: {  	[sflag:s16] =	ssyncadd.s32 $0xFFFFFF80  }
0x142: {  	_ =	swait.ge [sflag:s16], $0x80  }
0x143: {  	[sflag:s16] =	ssyncset.done $0x0  }
0x144: {  	[sflag:s16] =	ssyncadd.s32 $0xFFFFFF80  }
0x145: {  	_ =	swait.ge [sflag:s16], $0x80  }
0x146: {  	[sflag:s16] =	ssyncset.done $0x0  }
0x147: {  	[sflag:s16] =	ssyncadd.s32 $0xFFFFFF80  }
0x148: {  	_ =	swait.ge [sflag:s16], $0x80  }
0x149: {  	[sflag:s16] =	ssyncset.done $0x0  }
0x14a: {  	[sflag:s16] =	ssyncadd.s32 $0xFFFFFF80  }
0x14b: {  	_ =	swait.ge [sflag:s16], $0x80  }
0x14c: {  	[sflag:s16] =	ssyncset.done $0x0  }
0x14d: {  	[sflag:s16] =	ssyncadd.s32 $0xFFFFFF80  }
0x14e: {  	_ =	swait.ge [sflag:s16], $0x80  }
0x14f: {  	[sflag:s16] =	ssyncset.done $0x0  }
0x150: {  	[sflag:s16] =	ssyncadd.s32 $0xFFFFFF80  }
0x151: {  	_ =	swait.ge [sflag:s16], $0x80  }
0x152: {  	[sflag:s16] =	ssyncset.done $0x0  }
0x153: {  	[sflag:s16] =	ssyncadd.s32 $0xFFFFFF80  }
0x154: {  	_ =	swait.ge [sflag:s16], $0x80  }
0x155: {  	[sflag:s16] =	ssyncset.done $0x0  }
0x156: {  	[sflag:s16] =	ssyncadd.s32 $0xFFFFFF80  }
0x157: {  	_ =	swait.ge [sflag:s16], $0x80  }
0x158: {  	s4 =	simm.s32 $0x10;
	[sflag:s16] =	ssyncset.done $0x0  }
0x159: {  	s10 =	simm.s32 $0x40;
	s28 =	rddreg [dreg:$0x6];
	[sflag:s16] =	ssyncadd.s32 $0xFFFFFF80  }
0x15a: {  	[hbm:s28@s10], [sflag:s7] =	dma.strided [spmem:s8@s4], $0x2000, s16, $0x10   }
0x15b: {  	_ =	swait.ge [sflag:s6], $0x2000  }
0x15c: {  	[sflag:s6] =	ssyncset.done $0x0  }
0x15d: {  	[dreg:$0xa] =	wrdreg s31;
	[sflag:s6] =	ssyncadd.s32 $0xFFFFE000  }
0x15e: {  	[spmem:s8], [sflag:s7] =	dma.local [hbm:s31], $0x2000  }
0x15f: {  	_ =	swait.ge [sflag:s6], $0x2000  }
0x160: {  	[sflag:s6] =	ssyncset.done $0x0  }
0x161: {  	s28 =	rddreg [dreg:$0x7];
	[sflag:s6] =	ssyncadd.s32 $0xFFFFE000  }
0x162: {  	[tilespmem:s29], [sflag:$0x2] =	stream.linear.gather [hbm4b:s28+s29], $0x2000, $0x38;
	[tilespmem:$0x14000] =	vst v63  }
0x163: {  	_ =	swait.ge [sflag:s6], $0x2000  }
0x164: {  	[sflag:s6] =	ssyncset.done $0x0  }
0x165: {  	s28 =	rddreg [dreg:$0x8];
	[sflag:s6] =	ssyncadd.s32 $0xFFFFE000  }
0x166: {  	[tilespmem:s3], [sflag:$0x2] =	stream.linear.gather [hbm4b:s28+s29], $0x2000, $0x38;
	[tilespmem:$0x14000] =	vst v63  }
0x167: {  	_ =	swait.ge [sflag:s6], $0x2000  }
0x168: {  	[sflag:s6] =	ssyncset.done $0x0  }
0x169: {  	[sflag:s6] =	ssyncadd.s32 $0xFFFFE000  }
0x16a: {  	[spmem:s1] =	stream.indirect.scatter.add.f32 [tilespmem:s3], [sflag:$0x1], $0x1, s29, s9, $0xb8;
	[tilespmem:$0x14000] =	vst v63  }
0x16b: {  	s29 =	simm.s32 $0x2080  }
0x16c: {  	[spmem:s1] =	stream.indirect.scatter.add.f32 [tilespmem:s29], [sflag:$0x1], $0x1, s9, s9, $0xb8;
	[tilespmem:$0x14000] =	vst v63  }
0x16d: {  	s31 =	simm.s32 $0x2100;
	s28 =	simm.s32 $0x100  }
0x16e: {  	[spmem:s1] =	stream.indirect.scatter.add.f32 [tilespmem:s31], [sflag:$0x1], $0x1, s28, s9, $0xb8;
	[tilespmem:$0x14000] =	vst v63  }
0x16f: {  	s29 =	simm.s32 $0x2180;
	s28 =	simm.s32 $0x180  }
0x170: {  	[spmem:s1] =	stream.indirect.scatter.add.f32 [tilespmem:s29], [sflag:$0x1], $0x1, s28, s9, $0xb8;
	[tilespmem:$0x14000] =	vst v63  }
0x171: {  	s31 =	simm.s32 $0x200;
	s28 =	simm.s32 $0x2200  }
0x172: {  	[spmem:s1] =	stream.indirect.scatter.add.f32 [tilespmem:s28], [sflag:$0x1], $0x1, s31, s9, $0xb8;
	[tilespmem:$0x14000] =	vst v63  }
0x173: {  	s29 =	simm.s32 $0x280;
	s28 =	simm.s32 $0x2280  }
0x174: {  	[spmem:s1] =	stream.indirect.scatter.add.f32 [tilespmem:s28], [sflag:$0x1], $0x1, s29, s9, $0xb8;
	[tilespmem:$0x14000] =	vst v63  }
0x175: {  	s31 =	simm.s32 $0x300;
	s28 =	simm.s32 $0x2300  }
0x176: {  	[spmem:s1] =	stream.indirect.scatter.add.f32 [tilespmem:s28], [sflag:$0x1], $0x1, s31, s9, $0xb8;
	[tilespmem:$0x14000] =	vst v63  }
0x177: {  	s29 =	simm.s32 $0x380;
	s28 =	simm.s32 $0x2380  }
0x178: {  	[spmem:s1] =	stream.indirect.scatter.add.f32 [tilespmem:s28], [sflag:$0x1], $0x1, s29, s9, $0xb8;
	[tilespmem:$0x14000] =	vst v63  }
0x179: {  	s31 =	simm.s32 $0x400;
	s28 =	simm.s32 $0x2400  }
0x17a: {  	[spmem:s1] =	stream.indirect.scatter.add.f32 [tilespmem:s28], [sflag:$0x1], $0x1, s31, s9, $0xb8;
	[tilespmem:$0x14000] =	vst v63  }
0x17b: {  	s29 =	simm.s32 $0x480;
	s28 =	simm.s32 $0x2480  }
0x17c: {  	[spmem:s1] =	stream.indirect.scatter.add.f32 [tilespmem:s28], [sflag:$0x1], $0x1, s29, s9, $0xb8;
	[tilespmem:$0x14000] =	vst v63  }
0x17d: {  	s31 =	simm.s32 $0x500;
	s28 =	simm.s32 $0x2500  }
0x17e: {  	[spmem:s1] =	stream.indirect.scatter.add.f32 [tilespmem:s28], [sflag:$0x1], $0x1, s31, s9, $0xb8;
	[tilespmem:$0x14000] =	vst v63  }
0x17f: {  	s29 =	simm.s32 $0x580;
	s28 =	simm.s32 $0x2580  }
0x180: {  	[spmem:s1] =	stream.indirect.scatter.add.f32 [tilespmem:s28], [sflag:$0x1], $0x1, s29, s9, $0xb8;
	[tilespmem:$0x14000] =	vst v63  }
0x181: {  	s31 =	simm.s32 $0x600;
	s28 =	simm.s32 $0x2600  }
0x182: {  	[spmem:s1] =	stream.indirect.scatter.add.f32 [tilespmem:s28], [sflag:$0x1], $0x1, s31, s9, $0xb8;
	[tilespmem:$0x14000] =	vst v63  }
0x183: {  	s29 =	simm.s32 $0x680;
	s28 =	simm.s32 $0x2680  }
0x184: {  	[spmem:s1] =	stream.indirect.scatter.add.f32 [tilespmem:s28], [sflag:$0x1], $0x1, s29, s9, $0xb8;
	[tilespmem:$0x14000] =	vst v63  }
0x185: {  	s31 =	simm.s32 $0x700;
	s28 =	simm.s32 $0x2700  }
0x186: {  	[spmem:s1] =	stream.indirect.scatter.add.f32 [tilespmem:s28], [sflag:$0x1], $0x1, s31, s9, $0xb8;
	[tilespmem:$0x14000] =	vst v63  }
0x187: {  	s29 =	simm.s32 $0x780;
	s28 =	simm.s32 $0x2780  }
0x188: {  	[spmem:s1] =	stream.indirect.scatter.add.f32 [tilespmem:s28], [sflag:$0x1], $0x1, s29, s9, $0xb8;
	[tilespmem:$0x14000] =	vst v63  }
0x189: {  	_ =	swait.ge [sflag:s16], $0x80  }
0x18a: {  	[sflag:s16] =	ssyncset.done $0x0  }
0x18b: {  	[sflag:s16] =	ssyncadd.s32 $0xFFFFFF80  }
0x18c: {  	_ =	swait.ge [sflag:s16], $0x80  }
0x18d: {  	[sflag:s16] =	ssyncset.done $0x0  }
0x18e: {  	[sflag:s16] =	ssyncadd.s32 $0xFFFFFF80  }
0x18f: {  	_ =	swait.ge [sflag:s16], $0x80  }
0x190: {  	[sflag:s16] =	ssyncset.done $0x0  }
0x191: {  	[sflag:s16] =	ssyncadd.s32 $0xFFFFFF80  }
0x192: {  	_ =	swait.ge [sflag:s16], $0x80  }
0x193: {  	[sflag:s16] =	ssyncset.done $0x0  }
0x194: {  	[sflag:s16] =	ssyncadd.s32 $0xFFFFFF80  }
0x195: {  	_ =	swait.ge [sflag:s16], $0x80  }
0x196: {  	[sflag:s16] =	ssyncset.done $0x0  }
0x197: {  	[sflag:s16] =	ssyncadd.s32 $0xFFFFFF80  }
0x198: {  	_ =	swait.ge [sflag:s16], $0x80  }
0x199: {  	[sflag:s16] =	ssyncset.done $0x0  }
0x19a: {  	[sflag:s16] =	ssyncadd.s32 $0xFFFFFF80  }
0x19b: {  	_ =	swait.ge [sflag:s16], $0x80  }
0x19c: {  	[sflag:s16] =	ssyncset.done $0x0  }
0x19d: {  	[sflag:s16] =	ssyncadd.s32 $0xFFFFFF80  }
0x19e: {  	_ =	swait.ge [sflag:s16], $0x80  }
0x19f: {  	[sflag:s16] =	ssyncset.done $0x0  }
0x1a0: {  	[sflag:s16] =	ssyncadd.s32 $0xFFFFFF80  }
0x1a1: {  	_ =	swait.ge [sflag:s16], $0x80  }
0x1a2: {  	[sflag:s16] =	ssyncset.done $0x0  }
0x1a3: {  	[sflag:s16] =	ssyncadd.s32 $0xFFFFFF80  }
0x1a4: {  	_ =	swait.ge [sflag:s16], $0x80  }
0x1a5: {  	[sflag:s16] =	ssyncset.done $0x0  }
0x1a6: {  	[sflag:s16] =	ssyncadd.s32 $0xFFFFFF80  }
0x1a7: {  	_ =	swait.ge [sflag:s16], $0x80  }
0x1a8: {  	[sflag:s16] =	ssyncset.done $0x0  }
0x1a9: {  	[sflag:s16] =	ssyncadd.s32 $0xFFFFFF80  }
0x1aa: {  	_ =	swait.ge [sflag:s16], $0x80  }
0x1ab: {  	[sflag:s16] =	ssyncset.done $0x0  }
0x1ac: {  	[sflag:s16] =	ssyncadd.s32 $0xFFFFFF80  }
0x1ad: {  	_ =	swait.ge [sflag:s16], $0x80  }
0x1ae: {  	[sflag:s16] =	ssyncset.done $0x0  }
0x1af: {  	[sflag:s16] =	ssyncadd.s32 $0xFFFFFF80  }
0x1b0: {  	_ =	swait.ge [sflag:s16], $0x80  }
0x1b1: {  	[sflag:s16] =	ssyncset.done $0x0  }
0x1b2: {  	[sflag:s16] =	ssyncadd.s32 $0xFFFFFF80  }
0x1b3: {  	_ =	swait.ge [sflag:s16], $0x80  }
0x1b4: {  	[sflag:s16] =	ssyncset.done $0x0  }
0x1b5: {  	[sflag:s16] =	ssyncadd.s32 $0xFFFFFF80  }
0x1b6: {  	_ =	swait.ge [sflag:s16], $0x80  }
0x1b7: {  	[sflag:s16] =	ssyncset.done $0x0  }
0x1b8: {  	s31 =	simm.s32 $0x2800;
	s28 =	simm.s32 $0x800;
	[sflag:s16] =	ssyncadd.s32 $0xFFFFFF80  }
0x1b9: {  	[spmem:s1] =	stream.indirect.scatter.add.f32 [tilespmem:s31], [sflag:$0x1], $0x1, s28, s9, $0xb8;
	[tilespmem:$0x14000] =	vst v63  }
0x1ba: {  	s29 =	simm.s32 $0x2880;
	s28 =	simm.s32 $0x880  }
0x1bb: {  	[spmem:s1] =	stream.indirect.scatter.add.f32 [tilespmem:s29], [sflag:$0x1], $0x1, s28, s9, $0xb8;
	[tilespmem:$0x14000] =	vst v63  }
0x1bc: {  	s31 =	simm.s32 $0x900;
	s28 =	simm.s32 $0x2900  }
0x1bd: {  	[spmem:s1] =	stream.indirect.scatter.add.f32 [tilespmem:s28], [sflag:$0x1], $0x1, s31, s9, $0xb8;
	[tilespmem:$0x14000] =	vst v63  }
0x1be: {  	s29 =	simm.s32 $0x980;
	s28 =	simm.s32 $0x2980  }
0x1bf: {  	[spmem:s1] =	stream.indirect.scatter.add.f32 [tilespmem:s28], [sflag:$0x1], $0x1, s29, s9, $0xb8;
	[tilespmem:$0x14000] =	vst v63  }
0x1c0: {  	s31 =	simm.s32 $0xA00;
	s28 =	simm.s32 $0x2A00  }
0x1c1: {  	[spmem:s1] =	stream.indirect.scatter.add.f32 [tilespmem:s28], [sflag:$0x1], $0x1, s31, s9, $0xb8;
	[tilespmem:$0x14000] =	vst v63  }
0x1c2: {  	s29 =	simm.s32 $0xA80;
	s28 =	simm.s32 $0x2A80  }
0x1c3: {  	[spmem:s1] =	stream.indirect.scatter.add.f32 [tilespmem:s28], [sflag:$0x1], $0x1, s29, s9, $0xb8;
	[tilespmem:$0x14000] =	vst v63  }
0x1c4: {  	s31 =	simm.s32 $0xB00;
	s28 =	simm.s32 $0x2B00  }
0x1c5: {  	[spmem:s1] =	stream.indirect.scatter.add.f32 [tilespmem:s28], [sflag:$0x1], $0x1, s31, s9, $0xb8;
	[tilespmem:$0x14000] =	vst v63  }
0x1c6: {  	s29 =	simm.s32 $0xB80;
	s28 =	simm.s32 $0x2B80  }
0x1c7: {  	[spmem:s1] =	stream.indirect.scatter.add.f32 [tilespmem:s28], [sflag:$0x1], $0x1, s29, s9, $0xb8;
	[tilespmem:$0x14000] =	vst v63  }
0x1c8: {  	s31 =	simm.s32 $0xC00;
	s28 =	simm.s32 $0x2C00  }
0x1c9: {  	[spmem:s1] =	stream.indirect.scatter.add.f32 [tilespmem:s28], [sflag:$0x1], $0x1, s31, s9, $0xb8;
	[tilespmem:$0x14000] =	vst v63  }
0x1ca: {  	s29 =	simm.s32 $0xC80;
	s28 =	simm.s32 $0x2C80  }
0x1cb: {  	[spmem:s1] =	stream.indirect.scatter.add.f32 [tilespmem:s28], [sflag:$0x1], $0x1, s29, s9, $0xb8;
	[tilespmem:$0x14000] =	vst v63  }
0x1cc: {  	s31 =	simm.s32 $0xD00;
	s28 =	simm.s32 $0x2D00  }
0x1cd: {  	[spmem:s1] =	stream.indirect.scatter.add.f32 [tilespmem:s28], [sflag:$0x1], $0x1, s31, s9, $0xb8;
	[tilespmem:$0x14000] =	vst v63  }
0x1ce: {  	s29 =	simm.s32 $0xD80;
	s28 =	simm.s32 $0x2D80  }
0x1cf: {  	[spmem:s1] =	stream.indirect.scatter.add.f32 [tilespmem:s28], [sflag:$0x1], $0x1, s29, s9, $0xb8;
	[tilespmem:$0x14000] =	vst v63  }
0x1d0: {  	s31 =	simm.s32 $0xE00;
	s28 =	simm.s32 $0x2E00  }
0x1d1: {  	[spmem:s1] =	stream.indirect.scatter.add.f32 [tilespmem:s28], [sflag:$0x1], $0x1, s31, s9, $0xb8;
	[tilespmem:$0x14000] =	vst v63  }
0x1d2: {  	s29 =	simm.s32 $0xE80;
	s28 =	simm.s32 $0x2E80  }
0x1d3: {  	[spmem:s1] =	stream.indirect.scatter.add.f32 [tilespmem:s28], [sflag:$0x1], $0x1, s29, s9, $0xb8;
	[tilespmem:$0x14000] =	vst v63  }
0x1d4: {  	s31 =	simm.s32 $0xF00;
	s28 =	simm.s32 $0x2F00  }
0x1d5: {  	[spmem:s1] =	stream.indirect.scatter.add.f32 [tilespmem:s28], [sflag:$0x1], $0x1, s31, s9, $0xb8;
	[tilespmem:$0x14000] =	vst v63  }
0x1d6: {  	s29 =	simm.s32 $0xF80;
	s28 =	simm.s32 $0x2F80  }
0x1d7: {  	[spmem:s1] =	stream.indirect.scatter.add.f32 [tilespmem:s28], [sflag:$0x1], $0x1, s29, s9, $0xb8;
	[tilespmem:$0x14000] =	vst v63  }
0x1d8: {  	_ =	swait.ge [sflag:s16], $0x80  }
0x1d9: {  	[sflag:s16] =	ssyncset.done $0x0  }
0x1da: {  	[sflag:s16] =	ssyncadd.s32 $0xFFFFFF80  }
0x1db: {  	_ =	swait.ge [sflag:s16], $0x80  }
0x1dc: {  	[sflag:s16] =	ssyncset.done $0x0  }
0x1dd: {  	[sflag:s16] =	ssyncadd.s32 $0xFFFFFF80  }
0x1de: {  	_ =	swait.ge [sflag:s16], $0x80  }
0x1df: {  	[sflag:s16] =	ssyncset.done $0x0  }
0x1e0: {  	[sflag:s16] =	ssyncadd.s32 $0xFFFFFF80  }
0x1e1: {  	_ =	swait.ge [sflag:s16], $0x80  }
0x1e2: {  	[sflag:s16] =	ssyncset.done $0x0  }
0x1e3: {  	[sflag:s16] =	ssyncadd.s32 $0xFFFFFF80  }
0x1e4: {  	_ =	swait.ge [sflag:s16], $0x80  }
0x1e5: {  	[sflag:s16] =	ssyncset.done $0x0  }
0x1e6: {  	[sflag:s16] =	ssyncadd.s32 $0xFFFFFF80  }
0x1e7: {  	_ =	swait.ge [sflag:s16], $0x80  }
0x1e8: {  	[sflag:s16] =	ssyncset.done $0x0  }
0x1e9: {  	[sflag:s16] =	ssyncadd.s32 $0xFFFFFF80  }
0x1ea: {  	_ =	swait.ge [sflag:s16], $0x80  }
0x1eb: {  	[sflag:s16] =	ssyncset.done $0x0  }
0x1ec: {  	[sflag:s16] =	ssyncadd.s32 $0xFFFFFF80  }
0x1ed: {  	_ =	swait.ge [sflag:s16], $0x80  }
0x1ee: {  	[sflag:s16] =	ssyncset.done $0x0  }
0x1ef: {  	[sflag:s16] =	ssyncadd.s32 $0xFFFFFF80  }
0x1f0: {  	_ =	swait.ge [sflag:s16], $0x80  }
0x1f1: {  	[sflag:s16] =	ssyncset.done $0x0  }
0x1f2: {  	[sflag:s16] =	ssyncadd.s32 $0xFFFFFF80  }
0x1f3: {  	_ =	swait.ge [sflag:s16], $0x80  }
0x1f4: {  	[sflag:s16] =	ssyncset.done $0x0  }
0x1f5: {  	[sflag:s16] =	ssyncadd.s32 $0xFFFFFF80  }
0x1f6: {  	_ =	swait.ge [sflag:s16], $0x80  }
0x1f7: {  	[sflag:s16] =	ssyncset.done $0x0  }
0x1f8: {  	[sflag:s16] =	ssyncadd.s32 $0xFFFFFF80  }
0x1f9: {  	_ =	swait.ge [sflag:s16], $0x80  }
0x1fa: {  	[sflag:s16] =	ssyncset.done $0x0  }
0x1fb: {  	[sflag:s16] =	ssyncadd.s32 $0xFFFFFF80  }
0x1fc: {  	_ =	swait.ge [sflag:s16], $0x80  }
0x1fd: {  	[sflag:s16] =	ssyncset.done $0x0  }
0x1fe: {  	[sflag:s16] =	ssyncadd.s32 $0xFFFFFF80  }
0x1ff: {  	_ =	swait.ge [sflag:s16], $0x80  }
0x200: {  	[sflag:s16] =	ssyncset.done $0x0  }
0x201: {  	[sflag:s16] =	ssyncadd.s32 $0xFFFFFF80  }
0x202: {  	_ =	swait.ge [sflag:s16], $0x80  }
0x203: {  	[sflag:s16] =	ssyncset.done $0x0  }
0x204: {  	[sflag:s16] =	ssyncadd.s32 $0xFFFFFF80  }
0x205: {  	_ =	swait.ge [sflag:s16], $0x80  }
0x206: {  	[sflag:s16] =	ssyncset.done $0x0  }
0x207: {  	s31 =	simm.s32 $0x3000;
	s28 =	simm.s32 $0x1000;
	[sflag:s16] =	ssyncadd.s32 $0xFFFFFF80  }
0x208: {  	[spmem:s1] =	stream.indirect.scatter.add.f32 [tilespmem:s31], [sflag:$0x1], $0x1, s28, s9, $0xb8;
	[tilespmem:$0x14000] =	vst v63  }
0x209: {  	s29 =	simm.s32 $0x3080;
	s28 =	simm.s32 $0x1080  }
0x20a: {  	[spmem:s1] =	stream.indirect.scatter.add.f32 [tilespmem:s29], [sflag:$0x1], $0x1, s28, s9, $0xb8;
	[tilespmem:$0x14000] =	vst v63  }
0x20b: {  	s31 =	simm.s32 $0x1100;
	s28 =	simm.s32 $0x3100  }
0x20c: {  	[spmem:s1] =	stream.indirect.scatter.add.f32 [tilespmem:s28], [sflag:$0x1], $0x1, s31, s9, $0xb8;
	[tilespmem:$0x14000] =	vst v63  }
0x20d: {  	s29 =	simm.s32 $0x1180;
	s28 =	simm.s32 $0x3180  }
0x20e: {  	[spmem:s1] =	stream.indirect.scatter.add.f32 [tilespmem:s28], [sflag:$0x1], $0x1, s29, s9, $0xb8;
	[tilespmem:$0x14000] =	vst v63  }
0x20f: {  	s31 =	simm.s32 $0x1200;
	s28 =	simm.s32 $0x3200  }
0x210: {  	[spmem:s1] =	stream.indirect.scatter.add.f32 [tilespmem:s28], [sflag:$0x1], $0x1, s31, s9, $0xb8;
	[tilespmem:$0x14000] =	vst v63  }
0x211: {  	s29 =	simm.s32 $0x1280;
	s28 =	simm.s32 $0x3280  }
0x212: {  	[spmem:s1] =	stream.indirect.scatter.add.f32 [tilespmem:s28], [sflag:$0x1], $0x1, s29, s9, $0xb8;
	[tilespmem:$0x14000] =	vst v63  }
0x213: {  	s31 =	simm.s32 $0x1300;
	s28 =	simm.s32 $0x3300  }
0x214: {  	[spmem:s1] =	stream.indirect.scatter.add.f32 [tilespmem:s28], [sflag:$0x1], $0x1, s31, s9, $0xb8;
	[tilespmem:$0x14000] =	vst v63  }
0x215: {  	s29 =	simm.s32 $0x1380;
	s28 =	simm.s32 $0x3380  }
0x216: {  	[spmem:s1] =	stream.indirect.scatter.add.f32 [tilespmem:s28], [sflag:$0x1], $0x1, s29, s9, $0xb8;
	[tilespmem:$0x14000] =	vst v63  }
0x217: {  	s31 =	simm.s32 $0x1400;
	s28 =	simm.s32 $0x3400  }
0x218: {  	[spmem:s1] =	stream.indirect.scatter.add.f32 [tilespmem:s28], [sflag:$0x1], $0x1, s31, s9, $0xb8;
	[tilespmem:$0x14000] =	vst v63  }
0x219: {  	s29 =	simm.s32 $0x1480;
	s28 =	simm.s32 $0x3480  }
0x21a: {  	[spmem:s1] =	stream.indirect.scatter.add.f32 [tilespmem:s28], [sflag:$0x1], $0x1, s29, s9, $0xb8;
	[tilespmem:$0x14000] =	vst v63  }
0x21b: {  	s31 =	simm.s32 $0x1500;
	s28 =	simm.s32 $0x3500  }
0x21c: {  	[spmem:s1] =	stream.indirect.scatter.add.f32 [tilespmem:s28], [sflag:$0x1], $0x1, s31, s9, $0xb8;
	[tilespmem:$0x14000] =	vst v63  }
0x21d: {  	s29 =	simm.s32 $0x1580;
	s28 =	simm.s32 $0x3580  }
0x21e: {  	[spmem:s1] =	stream.indirect.scatter.add.f32 [tilespmem:s28], [sflag:$0x1], $0x1, s29, s9, $0xb8;
	[tilespmem:$0x14000] =	vst v63  }
0x21f: {  	s31 =	simm.s32 $0x1600;
	s28 =	simm.s32 $0x3600  }
0x220: {  	[spmem:s1] =	stream.indirect.scatter.add.f32 [tilespmem:s28], [sflag:$0x1], $0x1, s31, s9, $0xb8;
	[tilespmem:$0x14000] =	vst v63  }
0x221: {  	s29 =	simm.s32 $0x1680;
	s28 =	simm.s32 $0x3680  }
0x222: {  	[spmem:s1] =	stream.indirect.scatter.add.f32 [tilespmem:s28], [sflag:$0x1], $0x1, s29, s9, $0xb8;
	[tilespmem:$0x14000] =	vst v63  }
0x223: {  	s31 =	simm.s32 $0x1700;
	s28 =	simm.s32 $0x3700  }
0x224: {  	[spmem:s1] =	stream.indirect.scatter.add.f32 [tilespmem:s28], [sflag:$0x1], $0x1, s31, s9, $0xb8;
	[tilespmem:$0x14000] =	vst v63  }
0x225: {  	s29 =	simm.s32 $0x1780;
	s28 =	simm.s32 $0x3780  }
0x226: {  	[spmem:s1] =	stream.indirect.scatter.add.f32 [tilespmem:s28], [sflag:$0x1], $0x1, s29, s9, $0xb8;
	[tilespmem:$0x14000] =	vst v63  }
0x227: {  	_ =	swait.ge [sflag:s16], $0x80  }
0x228: {  	[sflag:s16] =	ssyncset.done $0x0  }
0x229: {  	[sflag:s16] =	ssyncadd.s32 $0xFFFFFF80  }
0x22a: {  	_ =	swait.ge [sflag:s16], $0x80  }
0x22b: {  	[sflag:s16] =	ssyncset.done $0x0  }
0x22c: {  	[sflag:s16] =	ssyncadd.s32 $0xFFFFFF80  }
0x22d: {  	_ =	swait.ge [sflag:s16], $0x80  }
0x22e: {  	[sflag:s16] =	ssyncset.done $0x0  }
0x22f: {  	[sflag:s16] =	ssyncadd.s32 $0xFFFFFF80  }
0x230: {  	_ =	swait.ge [sflag:s16], $0x80  }
0x231: {  	[sflag:s16] =	ssyncset.done $0x0  }
0x232: {  	[sflag:s16] =	ssyncadd.s32 $0xFFFFFF80  }
0x233: {  	_ =	swait.ge [sflag:s16], $0x80  }
0x234: {  	[sflag:s16] =	ssyncset.done $0x0  }
0x235: {  	[sflag:s16] =	ssyncadd.s32 $0xFFFFFF80  }
0x236: {  	_ =	swait.ge [sflag:s16], $0x80  }
0x237: {  	[sflag:s16] =	ssyncset.done $0x0  }
0x238: {  	[sflag:s16] =	ssyncadd.s32 $0xFFFFFF80  }
0x239: {  	_ =	swait.ge [sflag:s16], $0x80  }
0x23a: {  	[sflag:s16] =	ssyncset.done $0x0  }
0x23b: {  	[sflag:s16] =	ssyncadd.s32 $0xFFFFFF80  }
0x23c: {  	_ =	swait.ge [sflag:s16], $0x80  }
0x23d: {  	[sflag:s16] =	ssyncset.done $0x0  }
0x23e: {  	[sflag:s16] =	ssyncadd.s32 $0xFFFFFF80  }
0x23f: {  	_ =	swait.ge [sflag:s16], $0x80  }
0x240: {  	[sflag:s16] =	ssyncset.done $0x0  }
0x241: {  	[sflag:s16] =	ssyncadd.s32 $0xFFFFFF80  }
0x242: {  	_ =	swait.ge [sflag:s16], $0x80  }
0x243: {  	[sflag:s16] =	ssyncset.done $0x0  }
0x244: {  	[sflag:s16] =	ssyncadd.s32 $0xFFFFFF80  }
0x245: {  	_ =	swait.ge [sflag:s16], $0x80  }
0x246: {  	[sflag:s16] =	ssyncset.done $0x0  }
0x247: {  	[sflag:s16] =	ssyncadd.s32 $0xFFFFFF80  }
0x248: {  	_ =	swait.ge [sflag:s16], $0x80  }
0x249: {  	[sflag:s16] =	ssyncset.done $0x0  }
0x24a: {  	[sflag:s16] =	ssyncadd.s32 $0xFFFFFF80  }
0x24b: {  	_ =	swait.ge [sflag:s16], $0x80  }
0x24c: {  	[sflag:s16] =	ssyncset.done $0x0  }
0x24d: {  	[sflag:s16] =	ssyncadd.s32 $0xFFFFFF80  }
0x24e: {  	_ =	swait.ge [sflag:s16], $0x80  }
0x24f: {  	[sflag:s16] =	ssyncset.done $0x0  }
0x250: {  	[sflag:s16] =	ssyncadd.s32 $0xFFFFFF80  }
0x251: {  	_ =	swait.ge [sflag:s16], $0x80  }
0x252: {  	[sflag:s16] =	ssyncset.done $0x0  }
0x253: {  	[sflag:s16] =	ssyncadd.s32 $0xFFFFFF80  }
0x254: {  	_ =	swait.ge [sflag:s16], $0x80  }
0x255: {  	[sflag:s16] =	ssyncset.done $0x0  }
0x256: {  	s31 =	simm.s32 $0x3800;
	s28 =	simm.s32 $0x1800;
	[sflag:s16] =	ssyncadd.s32 $0xFFFFFF80  }
0x257: {  	[spmem:s1] =	stream.indirect.scatter.add.f32 [tilespmem:s31], [sflag:$0x1], $0x1, s28, s9, $0xb8;
	[tilespmem:$0x14000] =	vst v63  }
0x258: {  	s29 =	simm.s32 $0x3880;
	s28 =	simm.s32 $0x1880  }
0x259: {  	[spmem:s1] =	stream.indirect.scatter.add.f32 [tilespmem:s29], [sflag:$0x1], $0x1, s28, s9, $0xb8;
	[tilespmem:$0x14000] =	vst v63  }
0x25a: {  	s31 =	simm.s32 $0x1900;
	s28 =	simm.s32 $0x3900  }
0x25b: {  	[spmem:s1] =	stream.indirect.scatter.add.f32 [tilespmem:s28], [sflag:$0x1], $0x1, s31, s9, $0xb8;
	[tilespmem:$0x14000] =	vst v63  }
0x25c: {  	s29 =	simm.s32 $0x1980;
	s28 =	simm.s32 $0x3980  }
0x25d: {  	[spmem:s1] =	stream.indirect.scatter.add.f32 [tilespmem:s28], [sflag:$0x1], $0x1, s29, s9, $0xb8;
	[tilespmem:$0x14000] =	vst v63  }
0x25e: {  	s31 =	simm.s32 $0x1A00;
	s28 =	simm.s32 $0x3A00  }
0x25f: {  	[spmem:s1] =	stream.indirect.scatter.add.f32 [tilespmem:s28], [sflag:$0x1], $0x1, s31, s9, $0xb8;
	[tilespmem:$0x14000] =	vst v63  }
0x260: {  	s29 =	simm.s32 $0x1A80;
	s28 =	simm.s32 $0x3A80  }
0x261: {  	[spmem:s1] =	stream.indirect.scatter.add.f32 [tilespmem:s28], [sflag:$0x1], $0x1, s29, s9, $0xb8;
	[tilespmem:$0x14000] =	vst v63  }
0x262: {  	s31 =	simm.s32 $0x1B00  }
0x263: {  	[spmem:s1] =	stream.indirect.scatter.add.f32 [tilespmem:s30], [sflag:$0x1], $0x1, s31, s9, $0xb8;
	[tilespmem:$0x14000] =	vst v63  }
0x264: {  	_ = 	snop  }
0x265: {  	[spmem:s1] =	stream.indirect.scatter.add.f32 [tilespmem:s25], [sflag:$0x1], $0x1, s26, s9, $0xb8;
	[tilespmem:$0x14000] =	vst v63  }
0x266: {  	_ = 	snop  }
0x267: {  	[spmem:s1] =	stream.indirect.scatter.add.f32 [tilespmem:s23], [sflag:$0x1], $0x1, s24, s9, $0xb8;
	[tilespmem:$0x14000] =	vst v63  }
0x268: {  	_ = 	snop  }
0x269: {  	[spmem:s1] =	stream.indirect.scatter.add.f32 [tilespmem:s21], [sflag:$0x1], $0x1, s22, s9, $0xb8;
	[tilespmem:$0x14000] =	vst v63  }
0x26a: {  	_ = 	snop  }
0x26b: {  	[spmem:s1] =	stream.indirect.scatter.add.f32 [tilespmem:s19], [sflag:$0x1], $0x1, s20, s9, $0xb8;
	[tilespmem:$0x14000] =	vst v63  }
0x26c: {  	_ = 	snop  }
0x26d: {  	[spmem:s1] =	stream.indirect.scatter.add.f32 [tilespmem:s17], [sflag:$0x1], $0x1, s18, s9, $0xb8;
	[tilespmem:$0x14000] =	vst v63  }
0x26e: {  	_ = 	snop  }
0x26f: {  	[spmem:s1] =	stream.indirect.scatter.add.f32 [tilespmem:s14], [sflag:$0x1], $0x1, s15, s9, $0xb8;
	[tilespmem:$0x14000] =	vst v63  }
0x270: {  	_ = 	snop  }
0x271: {  	[spmem:s1] =	stream.indirect.scatter.add.f32 [tilespmem:s12], [sflag:$0x1], $0x1, s13, s9, $0xb8;
	[tilespmem:$0x14000] =	vst v63  }
0x272: {  	_ = 	snop  }
0x273: {  	[spmem:s1] =	stream.indirect.scatter.add.f32 [tilespmem:s5], [sflag:$0x1], $0x1, s11, s9, $0xb8;
	[tilespmem:$0x14000] =	vst v63  }
0x274: {  	_ = 	snop  }
0x275: {  	[spmem:s1] =	stream.indirect.scatter.add.f32 [tilespmem:s0], [sflag:$0x1], $0x1, s2, s9, $0xb8;
	[tilespmem:$0x14000] =	vst v63  }
0x276: {  	_ =	swait.ge [sflag:s16], $0x80  }
0x277: {  	[sflag:s16] =	ssyncset.done $0x0  }
0x278: {  	[sflag:s16] =	ssyncadd.s32 $0xFFFFFF80  }
0x279: {  	_ =	swait.ge [sflag:s16], $0x80  }
0x27a: {  	[sflag:s16] =	ssyncset.done $0x0  }
0x27b: {  	[sflag:s16] =	ssyncadd.s32 $0xFFFFFF80  }
0x27c: {  	_ =	swait.ge [sflag:s16], $0x80  }
0x27d: {  	[sflag:s16] =	ssyncset.done $0x0  }
0x27e: {  	[sflag:s16] =	ssyncadd.s32 $0xFFFFFF80  }
0x27f: {  	_ =	swait.ge [sflag:s16], $0x80  }
0x280: {  	[sflag:s16] =	ssyncset.done $0x0  }
0x281: {  	[sflag:s16] =	ssyncadd.s32 $0xFFFFFF80  }
0x282: {  	_ =	swait.ge [sflag:s16], $0x80  }
0x283: {  	[sflag:s16] =	ssyncset.done $0x0  }
0x284: {  	[sflag:s16] =	ssyncadd.s32 $0xFFFFFF80  }
0x285: {  	_ =	swait.ge [sflag:s16], $0x80  }
0x286: {  	[sflag:s16] =	ssyncset.done $0x0  }
0x287: {  	[sflag:s16] =	ssyncadd.s32 $0xFFFFFF80  }
0x288: {  	_ =	swait.ge [sflag:s16], $0x80  }
0x289: {  	[sflag:s16] =	ssyncset.done $0x0  }
0x28a: {  	[sflag:s16] =	ssyncadd.s32 $0xFFFFFF80  }
0x28b: {  	_ =	swait.ge [sflag:s16], $0x80  }
0x28c: {  	[sflag:s16] =	ssyncset.done $0x0  }
0x28d: {  	[sflag:s16] =	ssyncadd.s32 $0xFFFFFF80  }
0x28e: {  	_ =	swait.ge [sflag:s16], $0x80  }
0x28f: {  	[sflag:s16] =	ssyncset.done $0x0  }
0x290: {  	[sflag:s16] =	ssyncadd.s32 $0xFFFFFF80  }
0x291: {  	_ =	swait.ge [sflag:s16], $0x80  }
0x292: {  	[sflag:s16] =	ssyncset.done $0x0  }
0x293: {  	[sflag:s16] =	ssyncadd.s32 $0xFFFFFF80  }
0x294: {  	_ =	swait.ge [sflag:s16], $0x80  }
0x295: {  	[sflag:s16] =	ssyncset.done $0x0  }
0x296: {  	[sflag:s16] =	ssyncadd.s32 $0xFFFFFF80  }
0x297: {  	_ =	swait.ge [sflag:s16], $0x80  }
0x298: {  	[sflag:s16] =	ssyncset.done $0x0  }
0x299: {  	[sflag:s16] =	ssyncadd.s32 $0xFFFFFF80  }
0x29a: {  	_ =	swait.ge [sflag:s16], $0x80  }
0x29b: {  	[sflag:s16] =	ssyncset.done $0x0  }
0x29c: {  	[sflag:s16] =	ssyncadd.s32 $0xFFFFFF80  }
0x29d: {  	_ =	swait.ge [sflag:s16], $0x80  }
0x29e: {  	[sflag:s16] =	ssyncset.done $0x0  }
0x29f: {  	[sflag:s16] =	ssyncadd.s32 $0xFFFFFF80  }
0x2a0: {  	_ =	swait.ge [sflag:s16], $0x80  }
0x2a1: {  	[sflag:s16] =	ssyncset.done $0x0  }
0x2a2: {  	[sflag:s16] =	ssyncadd.s32 $0xFFFFFF80  }
0x2a3: {  	_ =	swait.ge [sflag:s16], $0x80  }
0x2a4: {  	s29 =	rddreg [dreg:$0xd]  }
0x2a5: {  	s30 =	ssub.s32 $0x2, s29  }
0x2a6: {  	s28 =	sshrl.u32 s30, $0x1  }
0x2a7: {  	s28 =	ssub.s32 s30, s28  }
0x2a8: {  	s28 =	smax.u32 s28, $0x1  }
0x2a9: {  	[dreg:$0xb] =	wrdreg s7;
	p0 =	sne.s32 s28, $0x1  }
.Ltmp0:
0x2aa: {  	[dreg:$0xc] =	wrdreg s8;
	[sflag:s16] =	ssyncset.done $0x0;
	(pc) =	sbr.rel @!p0 .LBB2_3-.Ltmp0, $4  }
0x2ab: {  	s31 =	rddreg [dreg:$0x9];
	[sflag:s16] =	ssyncadd.s32 $0xFFFFFF80  }
0x2ac: {  	[hbm:s31@s10], [sflag:s7] =	dma.strided [spmem:s8@s4], $0x2000, s16, $0x10   }
0x2ad: {  	_ =	swait.ge [sflag:s6], $0x2000  }
0x2ae: {  	[sflag:s6] =	ssyncset.done $0x0;
	s28 =	sadd.s32 $0xFFFFFFFF, s28  }
0x2af: {  	s10 =	simm.s32 $0x2180;
	s12 =	simm.s32 $0x2200;
	s14 =	simm.s32 $0x2280  }
0x2b0: {  	s17 =	simm.s32 $0x2300;
	s19 =	simm.s32 $0x2380;
	s21 =	simm.s32 $0x2400  }
0x2b1: {  	s23 =	simm.s32 $0x2480;
	s25 =	simm.s32 $0x2500;
	s11 =	simm.s32 $0x2600  }
0x2b2: {  	s13 =	simm.s32 $0x2680;
	s15 =	simm.s32 $0x2700;
	s18 =	simm.s32 $0x2780  }
0x2b3: {  	s20 =	simm.s32 $0x2800;
	s22 =	simm.s32 $0x2880;
	s24 =	simm.s32 $0x2900  }
0x2b4: {  	s26 =	simm.s32 $0x2980;
	s30 =	simm.s32 $0x2A00;
	s31 =	simm.s32 $0x2A80  }
.LBB2_2:
0x2b5: {  	s8 =	rddreg [dreg:$0xa]  }
0x2b6: {  	s7 =	rddreg [dreg:$0xb]  }
0x2b7: {  	[sflag:s6] =	ssyncadd.s32 $0xFFFFE000;
	s2 =	rddreg [dreg:$0xc]  }
0x2b8: {  	[spmem:s2], [sflag:s7] =	dma.local [hbm:s8], $0x2000  }
0x2b9: {  	_ =	swait.ge [sflag:s6], $0x2000  }
0x2ba: {  	[sflag:s6] =	ssyncset.done $0x0  }
0x2bb: {  	s5 =	simm.s32 $0x0;
	s29 =	rddreg [dreg:$0x4];
	[sflag:s6] =	ssyncadd.s32 $0xFFFFE000  }
0x2bc: {  	[tilespmem:s5], [sflag:$0x2] =	stream.linear.gather [hbm4b:s29+s5], $0x2000, $0x38;
	[tilespmem:$0x14000] =	vst v63  }
0x2bd: {  	_ =	swait.ge [sflag:s6], $0x2000  }
0x2be: {  	[sflag:s6] =	ssyncset.done $0x0  }
0x2bf: {  	s3 =	simm.s32 $0x2000;
	s4 =	rddreg [dreg:$0x5];
	[sflag:s6] =	ssyncadd.s32 $0xFFFFE000  }
0x2c0: {  	[tilespmem:s3], [sflag:$0x2] =	stream.linear.gather [hbm4b:s4+s5], $0x2000, $0x38;
	[tilespmem:$0x14000] =	vst v63  }
0x2c1: {  	_ =	swait.ge [sflag:s6], $0x2000  }
0x2c2: {  	[sflag:s6] =	ssyncset.done $0x0  }
0x2c3: {  	[sflag:s6] =	ssyncadd.s32 $0xFFFFE000  }
0x2c4: {  	[spmem:s1] =	stream.indirect.scatter.add.f32 [tilespmem:s3], [sflag:$0x1], $0x1, s5, s9, $0xb8;
	[tilespmem:$0x14000] =	vst v63  }
0x2c5: {  	s0 =	simm.s32 $0x2080  }
0x2c6: {  	[spmem:s1] =	stream.indirect.scatter.add.f32 [tilespmem:s0], [sflag:$0x1], $0x1, s9, s9, $0xb8;
	[tilespmem:$0x14000] =	vst v63  }
0x2c7: {  	s29 =	simm.s32 $0x100;
	s4 =	simm.s32 $0x2100  }
0x2c8: {  	[spmem:s1] =	stream.indirect.scatter.add.f32 [tilespmem:s4], [sflag:$0x1], $0x1, s29, s9, $0xb8;
	[tilespmem:$0x14000] =	vst v63  }
0x2c9: {  	s4 =	simm.s32 $0x180  }
0x2ca: {  	[spmem:s1] =	stream.indirect.scatter.add.f32 [tilespmem:s10], [sflag:$0x1], $0x1, s4, s9, $0xb8;
	[tilespmem:$0x14000] =	vst v63  }
0x2cb: {  	s29 =	simm.s32 $0x200  }
0x2cc: {  	[spmem:s1] =	stream.indirect.scatter.add.f32 [tilespmem:s12], [sflag:$0x1], $0x1, s29, s9, $0xb8;
	[tilespmem:$0x14000] =	vst v63  }
0x2cd: {  	s4 =	simm.s32 $0x280  }
0x2ce: {  	[spmem:s1] =	stream.indirect.scatter.add.f32 [tilespmem:s14], [sflag:$0x1], $0x1, s4, s9, $0xb8;
	[tilespmem:$0x14000] =	vst v63  }
0x2cf: {  	s29 =	simm.s32 $0x300  }
0x2d0: {  	[spmem:s1] =	stream.indirect.scatter.add.f32 [tilespmem:s17], [sflag:$0x1], $0x1, s29, s9, $0xb8;
	[tilespmem:$0x14000] =	vst v63  }
0x2d1: {  	s4 =	simm.s32 $0x380  }
0x2d2: {  	[spmem:s1] =	stream.indirect.scatter.add.f32 [tilespmem:s19], [sflag:$0x1], $0x1, s4, s9, $0xb8;
	[tilespmem:$0x14000] =	vst v63  }
0x2d3: {  	s29 =	simm.s32 $0x400  }
0x2d4: {  	[spmem:s1] =	stream.indirect.scatter.add.f32 [tilespmem:s21], [sflag:$0x1], $0x1, s29, s9, $0xb8;
	[tilespmem:$0x14000] =	vst v63  }
0x2d5: {  	s4 =	simm.s32 $0x480  }
0x2d6: {  	[spmem:s1] =	stream.indirect.scatter.add.f32 [tilespmem:s23], [sflag:$0x1], $0x1, s4, s9, $0xb8;
	[tilespmem:$0x14000] =	vst v63  }
0x2d7: {  	s29 =	simm.s32 $0x500  }
0x2d8: {  	[spmem:s1] =	stream.indirect.scatter.add.f32 [tilespmem:s25], [sflag:$0x1], $0x1, s29, s9, $0xb8;
	[tilespmem:$0x14000] =	vst v63  }
0x2d9: {  	s4 =	simm.s32 $0x580;
	s29 =	simm.s32 $0x2580  }
0x2da: {  	[spmem:s1] =	stream.indirect.scatter.add.f32 [tilespmem:s29], [sflag:$0x1], $0x1, s4, s9, $0xb8;
	[tilespmem:$0x14000] =	vst v63  }
0x2db: {  	s4 =	simm.s32 $0x600  }
0x2dc: {  	[spmem:s1] =	stream.indirect.scatter.add.f32 [tilespmem:s11], [sflag:$0x1], $0x1, s4, s9, $0xb8;
	[tilespmem:$0x14000] =	vst v63  }
0x2dd: {  	s29 =	simm.s32 $0x680  }
0x2de: {  	[spmem:s1] =	stream.indirect.scatter.add.f32 [tilespmem:s13], [sflag:$0x1], $0x1, s29, s9, $0xb8;
	[tilespmem:$0x14000] =	vst v63  }
0x2df: {  	s4 =	simm.s32 $0x700  }
0x2e0: {  	[spmem:s1] =	stream.indirect.scatter.add.f32 [tilespmem:s15], [sflag:$0x1], $0x1, s4, s9, $0xb8;
	[tilespmem:$0x14000] =	vst v63  }
0x2e1: {  	s29 =	simm.s32 $0x780  }
0x2e2: {  	[spmem:s1] =	stream.indirect.scatter.add.f32 [tilespmem:s18], [sflag:$0x1], $0x1, s29, s9, $0xb8;
	[tilespmem:$0x14000] =	vst v63  }
0x2e3: {  	_ =	swait.ge [sflag:s16], $0x80  }
0x2e4: {  	[sflag:s16] =	ssyncset.done $0x0  }
0x2e5: {  	[sflag:s16] =	ssyncadd.s32 $0xFFFFFF80  }
0x2e6: {  	_ =	swait.ge [sflag:s16], $0x80  }
0x2e7: {  	[sflag:s16] =	ssyncset.done $0x0  }
0x2e8: {  	[sflag:s16] =	ssyncadd.s32 $0xFFFFFF80  }
0x2e9: {  	_ =	swait.ge [sflag:s16], $0x80  }
0x2ea: {  	[sflag:s16] =	ssyncset.done $0x0  }
0x2eb: {  	[sflag:s16] =	ssyncadd.s32 $0xFFFFFF80  }
0x2ec: {  	_ =	swait.ge [sflag:s16], $0x80  }
0x2ed: {  	[sflag:s16] =	ssyncset.done $0x0  }
0x2ee: {  	[sflag:s16] =	ssyncadd.s32 $0xFFFFFF80  }
0x2ef: {  	_ =	swait.ge [sflag:s16], $0x80  }
0x2f0: {  	[sflag:s16] =	ssyncset.done $0x0  }
0x2f1: {  	[sflag:s16] =	ssyncadd.s32 $0xFFFFFF80  }
0x2f2: {  	_ =	swait.ge [sflag:s16], $0x80  }
0x2f3: {  	[sflag:s16] =	ssyncset.done $0x0  }
0x2f4: {  	[sflag:s16] =	ssyncadd.s32 $0xFFFFFF80  }
0x2f5: {  	_ =	swait.ge [sflag:s16], $0x80  }
0x2f6: {  	[sflag:s16] =	ssyncset.done $0x0  }
0x2f7: {  	[sflag:s16] =	ssyncadd.s32 $0xFFFFFF80  }
0x2f8: {  	_ =	swait.ge [sflag:s16], $0x80  }
0x2f9: {  	[sflag:s16] =	ssyncset.done $0x0  }
0x2fa: {  	[sflag:s16] =	ssyncadd.s32 $0xFFFFFF80  }
0x2fb: {  	_ =	swait.ge [sflag:s16], $0x80  }
0x2fc: {  	[sflag:s16] =	ssyncset.done $0x0  }
0x2fd: {  	[sflag:s16] =	ssyncadd.s32 $0xFFFFFF80  }
0x2fe: {  	_ =	swait.ge [sflag:s16], $0x80  }
0x2ff: {  	[sflag:s16] =	ssyncset.done $0x0  }
0x300: {  	[sflag:s16] =	ssyncadd.s32 $0xFFFFFF80  }
0x301: {  	_ =	swait.ge [sflag:s16], $0x80  }
0x302: {  	[sflag:s16] =	ssyncset.done $0x0  }
0x303: {  	[sflag:s16] =	ssyncadd.s32 $0xFFFFFF80  }
0x304: {  	_ =	swait.ge [sflag:s16], $0x80  }
0x305: {  	[sflag:s16] =	ssyncset.done $0x0  }
0x306: {  	[sflag:s16] =	ssyncadd.s32 $0xFFFFFF80  }
0x307: {  	_ =	swait.ge [sflag:s16], $0x80  }
0x308: {  	[sflag:s16] =	ssyncset.done $0x0  }
0x309: {  	[sflag:s16] =	ssyncadd.s32 $0xFFFFFF80  }
0x30a: {  	_ =	swait.ge [sflag:s16], $0x80  }
0x30b: {  	[sflag:s16] =	ssyncset.done $0x0  }
0x30c: {  	[sflag:s16] =	ssyncadd.s32 $0xFFFFFF80  }
0x30d: {  	_ =	swait.ge [sflag:s16], $0x80  }
0x30e: {  	[sflag:s16] =	ssyncset.done $0x0  }
0x30f: {  	[sflag:s16] =	ssyncadd.s32 $0xFFFFFF80  }
0x310: {  	_ =	swait.ge [sflag:s16], $0x80  }
0x311: {  	[sflag:s16] =	ssyncset.done $0x0  }
0x312: {  	s4 =	simm.s32 $0x800;
	[sflag:s16] =	ssyncadd.s32 $0xFFFFFF80  }
0x313: {  	[spmem:s1] =	stream.indirect.scatter.add.f32 [tilespmem:s20], [sflag:$0x1], $0x1, s4, s9, $0xb8;
	[tilespmem:$0x14000] =	vst v63  }
0x314: {  	s29 =	simm.s32 $0x880  }
0x315: {  	[spmem:s1] =	stream.indirect.scatter.add.f32 [tilespmem:s22], [sflag:$0x1], $0x1, s29, s9, $0xb8;
	[tilespmem:$0x14000] =	vst v63  }
0x316: {  	s4 =	simm.s32 $0x900  }
0x317: {  	[spmem:s1] =	stream.indirect.scatter.add.f32 [tilespmem:s24], [sflag:$0x1], $0x1, s4, s9, $0xb8;
	[tilespmem:$0x14000] =	vst v63  }
0x318: {  	s29 =	simm.s32 $0x980  }
0x319: {  	[spmem:s1] =	stream.indirect.scatter.add.f32 [tilespmem:s26], [sflag:$0x1], $0x1, s29, s9, $0xb8;
	[tilespmem:$0x14000] =	vst v63  }
0x31a: {  	s4 =	simm.s32 $0xA00  }
0x31b: {  	[spmem:s1] =	stream.indirect.scatter.add.f32 [tilespmem:s30], [sflag:$0x1], $0x1, s4, s9, $0xb8;
	[tilespmem:$0x14000] =	vst v63  }
0x31c: {  	s29 =	simm.s32 $0xA80  }
0x31d: {  	[spmem:s1] =	stream.indirect.scatter.add.f32 [tilespmem:s31], [sflag:$0x1], $0x1, s29, s9, $0xb8;
	[tilespmem:$0x14000] =	vst v63  }
0x31e: {  	s4 =	simm.s32 $0xB00;
	s29 =	simm.s32 $0x2B00  }
0x31f: {  	[spmem:s1] =	stream.indirect.scatter.add.f32 [tilespmem:s29], [sflag:$0x1], $0x1, s4, s9, $0xb8;
	[tilespmem:$0x14000] =	vst v63  }
0x320: {  	s4 =	simm.s32 $0xB80;
	s29 =	simm.s32 $0x2B80  }
0x321: {  	[spmem:s1] =	stream.indirect.scatter.add.f32 [tilespmem:s29], [sflag:$0x1], $0x1, s4, s9, $0xb8;
	[tilespmem:$0x14000] =	vst v63  }
0x322: {  	s4 =	simm.s32 $0xC00;
	s29 =	simm.s32 $0x2C00  }
0x323: {  	[spmem:s1] =	stream.indirect.scatter.add.f32 [tilespmem:s29], [sflag:$0x1], $0x1, s4, s9, $0xb8;
	[tilespmem:$0x14000] =	vst v63  }
0x324: {  	s4 =	simm.s32 $0xC80;
	s29 =	simm.s32 $0x2C80  }
0x325: {  	[spmem:s1] =	stream.indirect.scatter.add.f32 [tilespmem:s29], [sflag:$0x1], $0x1, s4, s9, $0xb8;
	[tilespmem:$0x14000] =	vst v63  }
0x326: {  	s4 =	simm.s32 $0xD00;
	s29 =	simm.s32 $0x2D00  }
0x327: {  	[spmem:s1] =	stream.indirect.scatter.add.f32 [tilespmem:s29], [sflag:$0x1], $0x1, s4, s9, $0xb8;
	[tilespmem:$0x14000] =	vst v63  }
0x328: {  	s4 =	simm.s32 $0xD80;
	s29 =	simm.s32 $0x2D80  }
0x329: {  	[spmem:s1] =	stream.indirect.scatter.add.f32 [tilespmem:s29], [sflag:$0x1], $0x1, s4, s9, $0xb8;
	[tilespmem:$0x14000] =	vst v63  }
0x32a: {  	s4 =	simm.s32 $0xE00;
	s29 =	simm.s32 $0x2E00  }
0x32b: {  	[spmem:s1] =	stream.indirect.scatter.add.f32 [tilespmem:s29], [sflag:$0x1], $0x1, s4, s9, $0xb8;
	[tilespmem:$0x14000] =	vst v63  }
0x32c: {  	s4 =	simm.s32 $0xE80;
	s29 =	simm.s32 $0x2E80  }
0x32d: {  	[spmem:s1] =	stream.indirect.scatter.add.f32 [tilespmem:s29], [sflag:$0x1], $0x1, s4, s9, $0xb8;
	[tilespmem:$0x14000] =	vst v63  }
0x32e: {  	s4 =	simm.s32 $0xF00;
	s29 =	simm.s32 $0x2F00  }
0x32f: {  	[spmem:s1] =	stream.indirect.scatter.add.f32 [tilespmem:s29], [sflag:$0x1], $0x1, s4, s9, $0xb8;
	[tilespmem:$0x14000] =	vst v63  }
0x330: {  	s4 =	simm.s32 $0xF80;
	s29 =	simm.s32 $0x2F80  }
0x331: {  	[spmem:s1] =	stream.indirect.scatter.add.f32 [tilespmem:s29], [sflag:$0x1], $0x1, s4, s9, $0xb8;
	[tilespmem:$0x14000] =	vst v63  }
0x332: {  	_ =	swait.ge [sflag:s16], $0x80  }
0x333: {  	[sflag:s16] =	ssyncset.done $0x0  }
0x334: {  	[sflag:s16] =	ssyncadd.s32 $0xFFFFFF80  }
0x335: {  	_ =	swait.ge [sflag:s16], $0x80  }
0x336: {  	[sflag:s16] =	ssyncset.done $0x0  }
0x337: {  	[sflag:s16] =	ssyncadd.s32 $0xFFFFFF80  }
0x338: {  	_ =	swait.ge [sflag:s16], $0x80  }
0x339: {  	[sflag:s16] =	ssyncset.done $0x0  }
0x33a: {  	[sflag:s16] =	ssyncadd.s32 $0xFFFFFF80  }
0x33b: {  	_ =	swait.ge [sflag:s16], $0x80  }
0x33c: {  	[sflag:s16] =	ssyncset.done $0x0  }
0x33d: {  	[sflag:s16] =	ssyncadd.s32 $0xFFFFFF80  }
0x33e: {  	_ =	swait.ge [sflag:s16], $0x80  }
0x33f: {  	[sflag:s16] =	ssyncset.done $0x0  }
0x340: {  	[sflag:s16] =	ssyncadd.s32 $0xFFFFFF80  }
0x341: {  	_ =	swait.ge [sflag:s16], $0x80  }
0x342: {  	[sflag:s16] =	ssyncset.done $0x0  }
0x343: {  	[sflag:s16] =	ssyncadd.s32 $0xFFFFFF80  }
0x344: {  	_ =	swait.ge [sflag:s16], $0x80  }
0x345: {  	[sflag:s16] =	ssyncset.done $0x0  }
0x346: {  	[sflag:s16] =	ssyncadd.s32 $0xFFFFFF80  }
0x347: {  	_ =	swait.ge [sflag:s16], $0x80  }
0x348: {  	[sflag:s16] =	ssyncset.done $0x0  }
0x349: {  	[sflag:s16] =	ssyncadd.s32 $0xFFFFFF80  }
0x34a: {  	_ =	swait.ge [sflag:s16], $0x80  }
0x34b: {  	[sflag:s16] =	ssyncset.done $0x0  }
0x34c: {  	[sflag:s16] =	ssyncadd.s32 $0xFFFFFF80  }
0x34d: {  	_ =	swait.ge [sflag:s16], $0x80  }
0x34e: {  	[sflag:s16] =	ssyncset.done $0x0  }
0x34f: {  	[sflag:s16] =	ssyncadd.s32 $0xFFFFFF80  }
0x350: {  	_ =	swait.ge [sflag:s16], $0x80  }
0x351: {  	[sflag:s16] =	ssyncset.done $0x0  }
0x352: {  	[sflag:s16] =	ssyncadd.s32 $0xFFFFFF80  }
0x353: {  	_ =	swait.ge [sflag:s16], $0x80  }
0x354: {  	[sflag:s16] =	ssyncset.done $0x0  }
0x355: {  	[sflag:s16] =	ssyncadd.s32 $0xFFFFFF80  }
0x356: {  	_ =	swait.ge [sflag:s16], $0x80  }
0x357: {  	[sflag:s16] =	ssyncset.done $0x0  }
0x358: {  	[sflag:s16] =	ssyncadd.s32 $0xFFFFFF80  }
0x359: {  	_ =	swait.ge [sflag:s16], $0x80  }
0x35a: {  	[sflag:s16] =	ssyncset.done $0x0  }
0x35b: {  	[sflag:s16] =	ssyncadd.s32 $0xFFFFFF80  }
0x35c: {  	_ =	swait.ge [sflag:s16], $0x80  }
0x35d: {  	[sflag:s16] =	ssyncset.done $0x0  }
0x35e: {  	[sflag:s16] =	ssyncadd.s32 $0xFFFFFF80  }
0x35f: {  	_ =	swait.ge [sflag:s16], $0x80  }
0x360: {  	[sflag:s16] =	ssyncset.done $0x0  }
0x361: {  	s4 =	simm.s32 $0x1000;
	s29 =	simm.s32 $0x3000;
	[sflag:s16] =	ssyncadd.s32 $0xFFFFFF80  }
0x362: {  	[spmem:s1] =	stream.indirect.scatter.add.f32 [tilespmem:s29], [sflag:$0x1], $0x1, s4, s9, $0xb8;
	[tilespmem:$0x14000] =	vst v63  }
0x363: {  	s4 =	simm.s32 $0x1080;
	s29 =	simm.s32 $0x3080  }
0x364: {  	[spmem:s1] =	stream.indirect.scatter.add.f32 [tilespmem:s29], [sflag:$0x1], $0x1, s4, s9, $0xb8;
	[tilespmem:$0x14000] =	vst v63  }
0x365: {  	s4 =	simm.s32 $0x1100;
	s29 =	simm.s32 $0x3100  }
0x366: {  	[spmem:s1] =	stream.indirect.scatter.add.f32 [tilespmem:s29], [sflag:$0x1], $0x1, s4, s9, $0xb8;
	[tilespmem:$0x14000] =	vst v63  }
0x367: {  	s4 =	simm.s32 $0x1180;
	s29 =	simm.s32 $0x3180  }
0x368: {  	[spmem:s1] =	stream.indirect.scatter.add.f32 [tilespmem:s29], [sflag:$0x1], $0x1, s4, s9, $0xb8;
	[tilespmem:$0x14000] =	vst v63  }
0x369: {  	s4 =	simm.s32 $0x1200;
	s29 =	simm.s32 $0x3200  }
0x36a: {  	[spmem:s1] =	stream.indirect.scatter.add.f32 [tilespmem:s29], [sflag:$0x1], $0x1, s4, s9, $0xb8;
	[tilespmem:$0x14000] =	vst v63  }
0x36b: {  	s4 =	simm.s32 $0x1280;
	s29 =	simm.s32 $0x3280  }
0x36c: {  	[spmem:s1] =	stream.indirect.scatter.add.f32 [tilespmem:s29], [sflag:$0x1], $0x1, s4, s9, $0xb8;
	[tilespmem:$0x14000] =	vst v63  }
0x36d: {  	s4 =	simm.s32 $0x1300;
	s29 =	simm.s32 $0x3300  }
0x36e: {  	[spmem:s1] =	stream.indirect.scatter.add.f32 [tilespmem:s29], [sflag:$0x1], $0x1, s4, s9, $0xb8;
	[tilespmem:$0x14000] =	vst v63  }
0x36f: {  	s4 =	simm.s32 $0x1380;
	s29 =	simm.s32 $0x3380  }
0x370: {  	[spmem:s1] =	stream.indirect.scatter.add.f32 [tilespmem:s29], [sflag:$0x1], $0x1, s4, s9, $0xb8;
	[tilespmem:$0x14000] =	vst v63  }
0x371: {  	s4 =	simm.s32 $0x1400;
	s29 =	simm.s32 $0x3400  }
0x372: {  	[spmem:s1] =	stream.indirect.scatter.add.f32 [tilespmem:s29], [sflag:$0x1], $0x1, s4, s9, $0xb8;
	[tilespmem:$0x14000] =	vst v63  }
0x373: {  	s4 =	simm.s32 $0x1480;
	s29 =	simm.s32 $0x3480  }
0x374: {  	[spmem:s1] =	stream.indirect.scatter.add.f32 [tilespmem:s29], [sflag:$0x1], $0x1, s4, s9, $0xb8;
	[tilespmem:$0x14000] =	vst v63  }
0x375: {  	s4 =	simm.s32 $0x1500;
	s29 =	simm.s32 $0x3500  }
0x376: {  	[spmem:s1] =	stream.indirect.scatter.add.f32 [tilespmem:s29], [sflag:$0x1], $0x1, s4, s9, $0xb8;
	[tilespmem:$0x14000] =	vst v63  }
0x377: {  	s4 =	simm.s32 $0x1580;
	s29 =	simm.s32 $0x3580  }
0x378: {  	[spmem:s1] =	stream.indirect.scatter.add.f32 [tilespmem:s29], [sflag:$0x1], $0x1, s4, s9, $0xb8;
	[tilespmem:$0x14000] =	vst v63  }
0x379: {  	s4 =	simm.s32 $0x1600;
	s29 =	simm.s32 $0x3600  }
0x37a: {  	[spmem:s1] =	stream.indirect.scatter.add.f32 [tilespmem:s29], [sflag:$0x1], $0x1, s4, s9, $0xb8;
	[tilespmem:$0x14000] =	vst v63  }
0x37b: {  	s4 =	simm.s32 $0x1680;
	s29 =	simm.s32 $0x3680  }
0x37c: {  	[spmem:s1] =	stream.indirect.scatter.add.f32 [tilespmem:s29], [sflag:$0x1], $0x1, s4, s9, $0xb8;
	[tilespmem:$0x14000] =	vst v63  }
0x37d: {  	s4 =	simm.s32 $0x1700;
	s29 =	simm.s32 $0x3700  }
0x37e: {  	[spmem:s1] =	stream.indirect.scatter.add.f32 [tilespmem:s29], [sflag:$0x1], $0x1, s4, s9, $0xb8;
	[tilespmem:$0x14000] =	vst v63  }
0x37f: {  	s4 =	simm.s32 $0x1780;
	s29 =	simm.s32 $0x3780  }
0x380: {  	[spmem:s1] =	stream.indirect.scatter.add.f32 [tilespmem:s29], [sflag:$0x1], $0x1, s4, s9, $0xb8;
	[tilespmem:$0x14000] =	vst v63  }
0x381: {  	_ =	swait.ge [sflag:s16], $0x80  }
0x382: {  	[sflag:s16] =	ssyncset.done $0x0  }
0x383: {  	[sflag:s16] =	ssyncadd.s32 $0xFFFFFF80  }
0x384: {  	_ =	swait.ge [sflag:s16], $0x80  }
0x385: {  	[sflag:s16] =	ssyncset.done $0x0  }
0x386: {  	[sflag:s16] =	ssyncadd.s32 $0xFFFFFF80  }
0x387: {  	_ =	swait.ge [sflag:s16], $0x80  }
0x388: {  	[sflag:s16] =	ssyncset.done $0x0  }
0x389: {  	[sflag:s16] =	ssyncadd.s32 $0xFFFFFF80  }
0x38a: {  	_ =	swait.ge [sflag:s16], $0x80  }
0x38b: {  	[sflag:s16] =	ssyncset.done $0x0  }
0x38c: {  	[sflag:s16] =	ssyncadd.s32 $0xFFFFFF80  }
0x38d: {  	_ =	swait.ge [sflag:s16], $0x80  }
0x38e: {  	[sflag:s16] =	ssyncset.done $0x0  }
0x38f: {  	[sflag:s16] =	ssyncadd.s32 $0xFFFFFF80  }
0x390: {  	_ =	swait.ge [sflag:s16], $0x80  }
0x391: {  	[sflag:s16] =	ssyncset.done $0x0  }
0x392: {  	[sflag:s16] =	ssyncadd.s32 $0xFFFFFF80  }
0x393: {  	_ =	swait.ge [sflag:s16], $0x80  }
0x394: {  	[sflag:s16] =	ssyncset.done $0x0  }
0x395: {  	[sflag:s16] =	ssyncadd.s32 $0xFFFFFF80  }
0x396: {  	_ =	swait.ge [sflag:s16], $0x80  }
0x397: {  	[sflag:s16] =	ssyncset.done $0x0  }
0x398: {  	[sflag:s16] =	ssyncadd.s32 $0xFFFFFF80  }
0x399: {  	_ =	swait.ge [sflag:s16], $0x80  }
0x39a: {  	[sflag:s16] =	ssyncset.done $0x0  }
0x39b: {  	[sflag:s16] =	ssyncadd.s32 $0xFFFFFF80  }
0x39c: {  	_ =	swait.ge [sflag:s16], $0x80  }
0x39d: {  	[sflag:s16] =	ssyncset.done $0x0  }
0x39e: {  	[sflag:s16] =	ssyncadd.s32 $0xFFFFFF80  }
0x39f: {  	_ =	swait.ge [sflag:s16], $0x80  }
0x3a0: {  	[sflag:s16] =	ssyncset.done $0x0  }
0x3a1: {  	[sflag:s16] =	ssyncadd.s32 $0xFFFFFF80  }
0x3a2: {  	_ =	swait.ge [sflag:s16], $0x80  }
0x3a3: {  	[sflag:s16] =	ssyncset.done $0x0  }
0x3a4: {  	[sflag:s16] =	ssyncadd.s32 $0xFFFFFF80  }
0x3a5: {  	_ =	swait.ge [sflag:s16], $0x80  }
0x3a6: {  	[sflag:s16] =	ssyncset.done $0x0  }
0x3a7: {  	[sflag:s16] =	ssyncadd.s32 $0xFFFFFF80  }
0x3a8: {  	_ =	swait.ge [sflag:s16], $0x80  }
0x3a9: {  	[sflag:s16] =	ssyncset.done $0x0  }
0x3aa: {  	[sflag:s16] =	ssyncadd.s32 $0xFFFFFF80  }
0x3ab: {  	_ =	swait.ge [sflag:s16], $0x80  }
0x3ac: {  	[sflag:s16] =	ssyncset.done $0x0  }
0x3ad: {  	[sflag:s16] =	ssyncadd.s32 $0xFFFFFF80  }
0x3ae: {  	_ =	swait.ge [sflag:s16], $0x80  }
0x3af: {  	[sflag:s16] =	ssyncset.done $0x0  }
0x3b0: {  	s4 =	simm.s32 $0x1800;
	s29 =	simm.s32 $0x3800;
	[sflag:s16] =	ssyncadd.s32 $0xFFFFFF80  }
0x3b1: {  	[spmem:s1] =	stream.indirect.scatter.add.f32 [tilespmem:s29], [sflag:$0x1], $0x1, s4, s9, $0xb8;
	[tilespmem:$0x14000] =	vst v63  }
0x3b2: {  	s4 =	simm.s32 $0x1880;
	s29 =	simm.s32 $0x3880  }
0x3b3: {  	[spmem:s1] =	stream.indirect.scatter.add.f32 [tilespmem:s29], [sflag:$0x1], $0x1, s4, s9, $0xb8;
	[tilespmem:$0x14000] =	vst v63  }
0x3b4: {  	s4 =	simm.s32 $0x1900;
	s29 =	simm.s32 $0x3900  }
0x3b5: {  	[spmem:s1] =	stream.indirect.scatter.add.f32 [tilespmem:s29], [sflag:$0x1], $0x1, s4, s9, $0xb8;
	[tilespmem:$0x14000] =	vst v63  }
0x3b6: {  	s4 =	simm.s32 $0x1980;
	s29 =	simm.s32 $0x3980  }
0x3b7: {  	[spmem:s1] =	stream.indirect.scatter.add.f32 [tilespmem:s29], [sflag:$0x1], $0x1, s4, s9, $0xb8;
	[tilespmem:$0x14000] =	vst v63  }
0x3b8: {  	s4 =	simm.s32 $0x1A00;
	s29 =	simm.s32 $0x3A00  }
0x3b9: {  	[spmem:s1] =	stream.indirect.scatter.add.f32 [tilespmem:s29], [sflag:$0x1], $0x1, s4, s9, $0xb8;
	[tilespmem:$0x14000] =	vst v63  }
0x3ba: {  	s4 =	simm.s32 $0x1A80;
	s29 =	simm.s32 $0x3A80  }
0x3bb: {  	[spmem:s1] =	stream.indirect.scatter.add.f32 [tilespmem:s29], [sflag:$0x1], $0x1, s4, s9, $0xb8;
	[tilespmem:$0x14000] =	vst v63  }
0x3bc: {  	s4 =	simm.s32 $0x1B00;
	s29 =	simm.s32 $0x3B00  }
0x3bd: {  	[spmem:s1] =	stream.indirect.scatter.add.f32 [tilespmem:s29], [sflag:$0x1], $0x1, s4, s9, $0xb8;
	[tilespmem:$0x14000] =	vst v63  }
0x3be: {  	s4 =	simm.s32 $0x1B80;
	s29 =	simm.s32 $0x3B80  }
0x3bf: {  	[spmem:s1] =	stream.indirect.scatter.add.f32 [tilespmem:s29], [sflag:$0x1], $0x1, s4, s9, $0xb8;
	[tilespmem:$0x14000] =	vst v63  }
0x3c0: {  	s4 =	simm.s32 $0x1C00;
	s29 =	simm.s32 $0x3C00  }
0x3c1: {  	[spmem:s1] =	stream.indirect.scatter.add.f32 [tilespmem:s29], [sflag:$0x1], $0x1, s4, s9, $0xb8;
	[tilespmem:$0x14000] =	vst v63  }
0x3c2: {  	s4 =	simm.s32 $0x1C80;
	s29 =	simm.s32 $0x3C80  }
0x3c3: {  	[spmem:s1] =	stream.indirect.scatter.add.f32 [tilespmem:s29], [sflag:$0x1], $0x1, s4, s9, $0xb8;
	[tilespmem:$0x14000] =	vst v63  }
0x3c4: {  	s4 =	simm.s32 $0x1D00;
	s29 =	simm.s32 $0x3D00  }
0x3c5: {  	[spmem:s1] =	stream.indirect.scatter.add.f32 [tilespmem:s29], [sflag:$0x1], $0x1, s4, s9, $0xb8;
	[tilespmem:$0x14000] =	vst v63  }
0x3c6: {  	s4 =	simm.s32 $0x1D80;
	s29 =	simm.s32 $0x3D80  }
0x3c7: {  	[spmem:s1] =	stream.indirect.scatter.add.f32 [tilespmem:s29], [sflag:$0x1], $0x1, s4, s9, $0xb8;
	[tilespmem:$0x14000] =	vst v63  }
0x3c8: {  	s4 =	simm.s32 $0x1E00;
	s29 =	simm.s32 $0x3E00  }
0x3c9: {  	[spmem:s1] =	stream.indirect.scatter.add.f32 [tilespmem:s29], [sflag:$0x1], $0x1, s4, s9, $0xb8;
	[tilespmem:$0x14000] =	vst v63  }
0x3ca: {  	s4 =	simm.s32 $0x1E80;
	s29 =	simm.s32 $0x3E80  }
0x3cb: {  	[spmem:s1] =	stream.indirect.scatter.add.f32 [tilespmem:s29], [sflag:$0x1], $0x1, s4, s9, $0xb8;
	[tilespmem:$0x14000] =	vst v63  }
0x3cc: {  	s4 =	simm.s32 $0x1F00;
	s29 =	simm.s32 $0x3F00  }
0x3cd: {  	[spmem:s1] =	stream.indirect.scatter.add.f32 [tilespmem:s29], [sflag:$0x1], $0x1, s4, s9, $0xb8;
	[tilespmem:$0x14000] =	vst v63  }
0x3ce: {  	s4 =	simm.s32 $0x1F80;
	s29 =	simm.s32 $0x3F80  }
0x3cf: {  	[spmem:s1] =	stream.indirect.scatter.add.f32 [tilespmem:s29], [sflag:$0x1], $0x1, s4, s9, $0xb8;
	[tilespmem:$0x14000] =	vst v63  }
0x3d0: {  	_ =	swait.ge [sflag:s16], $0x80  }
0x3d1: {  	[sflag:s16] =	ssyncset.done $0x0  }
0x3d2: {  	[sflag:s16] =	ssyncadd.s32 $0xFFFFFF80  }
0x3d3: {  	_ =	swait.ge [sflag:s16], $0x80  }
0x3d4: {  	[sflag:s16] =	ssyncset.done $0x0  }
0x3d5: {  	[sflag:s16] =	ssyncadd.s32 $0xFFFFFF80  }
0x3d6: {  	_ =	swait.ge [sflag:s16], $0x80  }
0x3d7: {  	[sflag:s16] =	ssyncset.done $0x0  }
0x3d8: {  	[sflag:s16] =	ssyncadd.s32 $0xFFFFFF80  }
0x3d9: {  	_ =	swait.ge [sflag:s16], $0x80  }
0x3da: {  	[sflag:s16] =	ssyncset.done $0x0  }
0x3db: {  	[sflag:s16] =	ssyncadd.s32 $0xFFFFFF80  }
0x3dc: {  	_ =	swait.ge [sflag:s16], $0x80  }
0x3dd: {  	[sflag:s16] =	ssyncset.done $0x0  }
0x3de: {  	[sflag:s16] =	ssyncadd.s32 $0xFFFFFF80  }
0x3df: {  	_ =	swait.ge [sflag:s16], $0x80  }
0x3e0: {  	[sflag:s16] =	ssyncset.done $0x0  }
0x3e1: {  	[sflag:s16] =	ssyncadd.s32 $0xFFFFFF80  }
0x3e2: {  	_ =	swait.ge [sflag:s16], $0x80  }
0x3e3: {  	[sflag:s16] =	ssyncset.done $0x0  }
0x3e4: {  	[sflag:s16] =	ssyncadd.s32 $0xFFFFFF80  }
0x3e5: {  	_ =	swait.ge [sflag:s16], $0x80  }
0x3e6: {  	[sflag:s16] =	ssyncset.done $0x0  }
0x3e7: {  	[sflag:s16] =	ssyncadd.s32 $0xFFFFFF80  }
0x3e8: {  	_ =	swait.ge [sflag:s16], $0x80  }
0x3e9: {  	[sflag:s16] =	ssyncset.done $0x0  }
0x3ea: {  	[sflag:s16] =	ssyncadd.s32 $0xFFFFFF80  }
0x3eb: {  	_ =	swait.ge [sflag:s16], $0x80  }
0x3ec: {  	[sflag:s16] =	ssyncset.done $0x0  }
0x3ed: {  	[sflag:s16] =	ssyncadd.s32 $0xFFFFFF80  }
0x3ee: {  	_ =	swait.ge [sflag:s16], $0x80  }
0x3ef: {  	[sflag:s16] =	ssyncset.done $0x0  }
0x3f0: {  	[sflag:s16] =	ssyncadd.s32 $0xFFFFFF80  }
0x3f1: {  	_ =	swait.ge [sflag:s16], $0x80  }
0x3f2: {  	[sflag:s16] =	ssyncset.done $0x0  }
0x3f3: {  	[sflag:s16] =	ssyncadd.s32 $0xFFFFFF80  }
0x3f4: {  	_ =	swait.ge [sflag:s16], $0x80  }
0x3f5: {  	[sflag:s16] =	ssyncset.done $0x0  }
0x3f6: {  	[sflag:s16] =	ssyncadd.s32 $0xFFFFFF80  }
0x3f7: {  	_ =	swait.ge [sflag:s16], $0x80  }
0x3f8: {  	[sflag:s16] =	ssyncset.done $0x0  }
0x3f9: {  	[sflag:s16] =	ssyncadd.s32 $0xFFFFFF80  }
0x3fa: {  	_ =	swait.ge [sflag:s16], $0x80  }
0x3fb: {  	[sflag:s16] =	ssyncset.done $0x0  }
0x3fc: {  	[sflag:s16] =	ssyncadd.s32 $0xFFFFFF80  }
0x3fd: {  	_ =	swait.ge [sflag:s16], $0x80  }
0x3fe: {  	s0 =	simm.s32 $0x40;
	[sflag:s16] =	ssyncset.done $0x0  }
0x3ff: {  	s4 =	simm.s32 $0x10;
	s29 =	rddreg [dreg:$0x6];
	[sflag:s16] =	ssyncadd.s32 $0xFFFFFF80  }
0x400: {  	[hbm:s29@s0], [sflag:s7] =	dma.strided [spmem:s2@s4], $0x2000, s16, $0x10   }
0x401: {  	_ =	swait.ge [sflag:s6], $0x2000  }
0x402: {  	[sflag:s6] =	ssyncset.done $0x0  }
0x403: {  	[sflag:s6] =	ssyncadd.s32 $0xFFFFE000  }
0x404: {  	[spmem:s2], [sflag:s7] =	dma.local [hbm:s8], $0x2000  }
0x405: {  	_ =	swait.ge [sflag:s6], $0x2000  }
0x406: {  	[sflag:s6] =	ssyncset.done $0x0  }
0x407: {  	s8 =	rddreg [dreg:$0x7];
	[sflag:s6] =	ssyncadd.s32 $0xFFFFE000  }
0x408: {  	[tilespmem:s5], [sflag:$0x2] =	stream.linear.gather [hbm4b:s8+s5], $0x2000, $0x38;
	[tilespmem:$0x14000] =	vst v63  }
0x409: {  	_ =	swait.ge [sflag:s6], $0x2000  }
0x40a: {  	[sflag:s6] =	ssyncset.done $0x0  }
0x40b: {  	s8 =	rddreg [dreg:$0x8];
	[sflag:s6] =	ssyncadd.s32 $0xFFFFE000  }
0x40c: {  	[tilespmem:s3], [sflag:$0x2] =	stream.linear.gather [hbm4b:s8+s5], $0x2000, $0x38;
	[tilespmem:$0x14000] =	vst v63  }
0x40d: {  	_ =	swait.ge [sflag:s6], $0x2000  }
0x40e: {  	[sflag:s6] =	ssyncset.done $0x0  }
0x40f: {  	[sflag:s6] =	ssyncadd.s32 $0xFFFFE000  }
0x410: {  	[spmem:s1] =	stream.indirect.scatter.add.f32 [tilespmem:s3], [sflag:$0x1], $0x1, s5, s9, $0xb8;
	[tilespmem:$0x14000] =	vst v63  }
0x411: {  	s29 =	simm.s32 $0x2080  }
0x412: {  	[spmem:s1] =	stream.indirect.scatter.add.f32 [tilespmem:s29], [sflag:$0x1], $0x1, s9, s9, $0xb8;
	[tilespmem:$0x14000] =	vst v63  }
0x413: {  	s8 =	simm.s32 $0x100;
	s5 =	simm.s32 $0x2100  }
0x414: {  	[spmem:s1] =	stream.indirect.scatter.add.f32 [tilespmem:s5], [sflag:$0x1], $0x1, s8, s9, $0xb8;
	[tilespmem:$0x14000] =	vst v63  }
0x415: {  	s29 =	simm.s32 $0x180  }
0x416: {  	[spmem:s1] =	stream.indirect.scatter.add.f32 [tilespmem:s10], [sflag:$0x1], $0x1, s29, s9, $0xb8;
	[tilespmem:$0x14000] =	vst v63  }
0x417: {  	s5 =	simm.s32 $0x200  }
0x418: {  	[spmem:s1] =	stream.indirect.scatter.add.f32 [tilespmem:s12], [sflag:$0x1], $0x1, s5, s9, $0xb8;
	[tilespmem:$0x14000] =	vst v63  }
0x419: {  	s8 =	simm.s32 $0x280  }
0x41a: {  	[spmem:s1] =	stream.indirect.scatter.add.f32 [tilespmem:s14], [sflag:$0x1], $0x1, s8, s9, $0xb8;
	[tilespmem:$0x14000] =	vst v63  }
0x41b: {  	s29 =	simm.s32 $0x300  }
0x41c: {  	[spmem:s1] =	stream.indirect.scatter.add.f32 [tilespmem:s17], [sflag:$0x1], $0x1, s29, s9, $0xb8;
	[tilespmem:$0x14000] =	vst v63  }
0x41d: {  	s5 =	simm.s32 $0x380  }
0x41e: {  	[spmem:s1] =	stream.indirect.scatter.add.f32 [tilespmem:s19], [sflag:$0x1], $0x1, s5, s9, $0xb8;
	[tilespmem:$0x14000] =	vst v63  }
0x41f: {  	s8 =	simm.s32 $0x400  }
0x420: {  	[spmem:s1] =	stream.indirect.scatter.add.f32 [tilespmem:s21], [sflag:$0x1], $0x1, s8, s9, $0xb8;
	[tilespmem:$0x14000] =	vst v63  }
0x421: {  	s29 =	simm.s32 $0x480  }
0x422: {  	[spmem:s1] =	stream.indirect.scatter.add.f32 [tilespmem:s23], [sflag:$0x1], $0x1, s29, s9, $0xb8;
	[tilespmem:$0x14000] =	vst v63  }
0x423: {  	s5 =	simm.s32 $0x500  }
0x424: {  	[spmem:s1] =	stream.indirect.scatter.add.f32 [tilespmem:s25], [sflag:$0x1], $0x1, s5, s9, $0xb8;
	[tilespmem:$0x14000] =	vst v63  }
0x425: {  	s8 =	simm.s32 $0x2580;
	s29 =	simm.s32 $0x580  }
0x426: {  	[spmem:s1] =	stream.indirect.scatter.add.f32 [tilespmem:s8], [sflag:$0x1], $0x1, s29, s9, $0xb8;
	[tilespmem:$0x14000] =	vst v63  }
0x427: {  	s5 =	simm.s32 $0x600  }
0x428: {  	[spmem:s1] =	stream.indirect.scatter.add.f32 [tilespmem:s11], [sflag:$0x1], $0x1, s5, s9, $0xb8;
	[tilespmem:$0x14000] =	vst v63  }
0x429: {  	s8 =	simm.s32 $0x680  }
0x42a: {  	[spmem:s1] =	stream.indirect.scatter.add.f32 [tilespmem:s13], [sflag:$0x1], $0x1, s8, s9, $0xb8;
	[tilespmem:$0x14000] =	vst v63  }
0x42b: {  	s29 =	simm.s32 $0x700  }
0x42c: {  	[spmem:s1] =	stream.indirect.scatter.add.f32 [tilespmem:s15], [sflag:$0x1], $0x1, s29, s9, $0xb8;
	[tilespmem:$0x14000] =	vst v63  }
0x42d: {  	s5 =	simm.s32 $0x780  }
0x42e: {  	[spmem:s1] =	stream.indirect.scatter.add.f32 [tilespmem:s18], [sflag:$0x1], $0x1, s5, s9, $0xb8;
	[tilespmem:$0x14000] =	vst v63  }
0x42f: {  	_ =	swait.ge [sflag:s16], $0x80  }
0x430: {  	[sflag:s16] =	ssyncset.done $0x0  }
0x431: {  	[sflag:s16] =	ssyncadd.s32 $0xFFFFFF80  }
0x432: {  	_ =	swait.ge [sflag:s16], $0x80  }
0x433: {  	[sflag:s16] =	ssyncset.done $0x0  }
0x434: {  	[sflag:s16] =	ssyncadd.s32 $0xFFFFFF80  }
0x435: {  	_ =	swait.ge [sflag:s16], $0x80  }
0x436: {  	[sflag:s16] =	ssyncset.done $0x0  }
0x437: {  	[sflag:s16] =	ssyncadd.s32 $0xFFFFFF80  }
0x438: {  	_ =	swait.ge [sflag:s16], $0x80  }
0x439: {  	[sflag:s16] =	ssyncset.done $0x0  }
0x43a: {  	[sflag:s16] =	ssyncadd.s32 $0xFFFFFF80  }
0x43b: {  	_ =	swait.ge [sflag:s16], $0x80  }
0x43c: {  	[sflag:s16] =	ssyncset.done $0x0  }
0x43d: {  	[sflag:s16] =	ssyncadd.s32 $0xFFFFFF80  }
0x43e: {  	_ =	swait.ge [sflag:s16], $0x80  }
0x43f: {  	[sflag:s16] =	ssyncset.done $0x0  }
0x440: {  	[sflag:s16] =	ssyncadd.s32 $0xFFFFFF80  }
0x441: {  	_ =	swait.ge [sflag:s16], $0x80  }
0x442: {  	[sflag:s16] =	ssyncset.done $0x0  }
0x443: {  	[sflag:s16] =	ssyncadd.s32 $0xFFFFFF80  }
0x444: {  	_ =	swait.ge [sflag:s16], $0x80  }
0x445: {  	[sflag:s16] =	ssyncset.done $0x0  }
0x446: {  	[sflag:s16] =	ssyncadd.s32 $0xFFFFFF80  }
0x447: {  	_ =	swait.ge [sflag:s16], $0x80  }
0x448: {  	[sflag:s16] =	ssyncset.done $0x0  }
0x449: {  	[sflag:s16] =	ssyncadd.s32 $0xFFFFFF80  }
0x44a: {  	_ =	swait.ge [sflag:s16], $0x80  }
0x44b: {  	[sflag:s16] =	ssyncset.done $0x0  }
0x44c: {  	[sflag:s16] =	ssyncadd.s32 $0xFFFFFF80  }
0x44d: {  	_ =	swait.ge [sflag:s16], $0x80  }
0x44e: {  	[sflag:s16] =	ssyncset.done $0x0  }
0x44f: {  	[sflag:s16] =	ssyncadd.s32 $0xFFFFFF80  }
0x450: {  	_ =	swait.ge [sflag:s16], $0x80  }
0x451: {  	[sflag:s16] =	ssyncset.done $0x0  }
0x452: {  	[sflag:s16] =	ssyncadd.s32 $0xFFFFFF80  }
0x453: {  	_ =	swait.ge [sflag:s16], $0x80  }
0x454: {  	[sflag:s16] =	ssyncset.done $0x0  }
0x455: {  	[sflag:s16] =	ssyncadd.s32 $0xFFFFFF80  }
0x456: {  	_ =	swait.ge [sflag:s16], $0x80  }
0x457: {  	[sflag:s16] =	ssyncset.done $0x0  }
0x458: {  	[sflag:s16] =	ssyncadd.s32 $0xFFFFFF80  }
0x459: {  	_ =	swait.ge [sflag:s16], $0x80  }
0x45a: {  	[sflag:s16] =	ssyncset.done $0x0  }
0x45b: {  	[sflag:s16] =	ssyncadd.s32 $0xFFFFFF80  }
0x45c: {  	_ =	swait.ge [sflag:s16], $0x80  }
0x45d: {  	[sflag:s16] =	ssyncset.done $0x0  }
0x45e: {  	s8 =	simm.s32 $0x800;
	[sflag:s16] =	ssyncadd.s32 $0xFFFFFF80  }
0x45f: {  	[spmem:s1] =	stream.indirect.scatter.add.f32 [tilespmem:s20], [sflag:$0x1], $0x1, s8, s9, $0xb8;
	[tilespmem:$0x14000] =	vst v63  }
0x460: {  	s29 =	simm.s32 $0x880  }
0x461: {  	[spmem:s1] =	stream.indirect.scatter.add.f32 [tilespmem:s22], [sflag:$0x1], $0x1, s29, s9, $0xb8;
	[tilespmem:$0x14000] =	vst v63  }
0x462: {  	s5 =	simm.s32 $0x900  }
0x463: {  	[spmem:s1] =	stream.indirect.scatter.add.f32 [tilespmem:s24], [sflag:$0x1], $0x1, s5, s9, $0xb8;
	[tilespmem:$0x14000] =	vst v63  }
0x464: {  	s8 =	simm.s32 $0x980  }
0x465: {  	[spmem:s1] =	stream.indirect.scatter.add.f32 [tilespmem:s26], [sflag:$0x1], $0x1, s8, s9, $0xb8;
	[tilespmem:$0x14000] =	vst v63  }
0x466: {  	s29 =	simm.s32 $0xA00  }
0x467: {  	[spmem:s1] =	stream.indirect.scatter.add.f32 [tilespmem:s30], [sflag:$0x1], $0x1, s29, s9, $0xb8;
	[tilespmem:$0x14000] =	vst v63  }
0x468: {  	s5 =	simm.s32 $0xA80  }
0x469: {  	[spmem:s1] =	stream.indirect.scatter.add.f32 [tilespmem:s31], [sflag:$0x1], $0x1, s5, s9, $0xb8;
	[tilespmem:$0x14000] =	vst v63  }
0x46a: {  	s8 =	simm.s32 $0x2B00;
	s29 =	simm.s32 $0xB00  }
0x46b: {  	[spmem:s1] =	stream.indirect.scatter.add.f32 [tilespmem:s8], [sflag:$0x1], $0x1, s29, s9, $0xb8;
	[tilespmem:$0x14000] =	vst v63  }
0x46c: {  	s8 =	simm.s32 $0x2B80;
	s29 =	simm.s32 $0xB80  }
0x46d: {  	[spmem:s1] =	stream.indirect.scatter.add.f32 [tilespmem:s8], [sflag:$0x1], $0x1, s29, s9, $0xb8;
	[tilespmem:$0x14000] =	vst v63  }
0x46e: {  	s8 =	simm.s32 $0x2C00;
	s29 =	simm.s32 $0xC00  }
0x46f: {  	[spmem:s1] =	stream.indirect.scatter.add.f32 [tilespmem:s8], [sflag:$0x1], $0x1, s29, s9, $0xb8;
	[tilespmem:$0x14000] =	vst v63  }
0x470: {  	s8 =	simm.s32 $0x2C80;
	s29 =	simm.s32 $0xC80  }
0x471: {  	[spmem:s1] =	stream.indirect.scatter.add.f32 [tilespmem:s8], [sflag:$0x1], $0x1, s29, s9, $0xb8;
	[tilespmem:$0x14000] =	vst v63  }
0x472: {  	s8 =	simm.s32 $0x2D00;
	s29 =	simm.s32 $0xD00  }
0x473: {  	[spmem:s1] =	stream.indirect.scatter.add.f32 [tilespmem:s8], [sflag:$0x1], $0x1, s29, s9, $0xb8;
	[tilespmem:$0x14000] =	vst v63  }
0x474: {  	s8 =	simm.s32 $0x2D80;
	s29 =	simm.s32 $0xD80  }
0x475: {  	[spmem:s1] =	stream.indirect.scatter.add.f32 [tilespmem:s8], [sflag:$0x1], $0x1, s29, s9, $0xb8;
	[tilespmem:$0x14000] =	vst v63  }
0x476: {  	s8 =	simm.s32 $0x2E00;
	s29 =	simm.s32 $0xE00  }
0x477: {  	[spmem:s1] =	stream.indirect.scatter.add.f32 [tilespmem:s8], [sflag:$0x1], $0x1, s29, s9, $0xb8;
	[tilespmem:$0x14000] =	vst v63  }
0x478: {  	s8 =	simm.s32 $0x2E80;
	s29 =	simm.s32 $0xE80  }
0x479: {  	[spmem:s1] =	stream.indirect.scatter.add.f32 [tilespmem:s8], [sflag:$0x1], $0x1, s29, s9, $0xb8;
	[tilespmem:$0x14000] =	vst v63  }
0x47a: {  	s8 =	simm.s32 $0x2F00;
	s29 =	simm.s32 $0xF00  }
0x47b: {  	[spmem:s1] =	stream.indirect.scatter.add.f32 [tilespmem:s8], [sflag:$0x1], $0x1, s29, s9, $0xb8;
	[tilespmem:$0x14000] =	vst v63  }
0x47c: {  	s8 =	simm.s32 $0x2F80;
	s29 =	simm.s32 $0xF80  }
0x47d: {  	[spmem:s1] =	stream.indirect.scatter.add.f32 [tilespmem:s8], [sflag:$0x1], $0x1, s29, s9, $0xb8;
	[tilespmem:$0x14000] =	vst v63  }
0x47e: {  	_ =	swait.ge [sflag:s16], $0x80  }
0x47f: {  	[sflag:s16] =	ssyncset.done $0x0  }
0x480: {  	[sflag:s16] =	ssyncadd.s32 $0xFFFFFF80  }
0x481: {  	_ =	swait.ge [sflag:s16], $0x80  }
0x482: {  	[sflag:s16] =	ssyncset.done $0x0  }
0x483: {  	[sflag:s16] =	ssyncadd.s32 $0xFFFFFF80  }
0x484: {  	_ =	swait.ge [sflag:s16], $0x80  }
0x485: {  	[sflag:s16] =	ssyncset.done $0x0  }
0x486: {  	[sflag:s16] =	ssyncadd.s32 $0xFFFFFF80  }
0x487: {  	_ =	swait.ge [sflag:s16], $0x80  }
0x488: {  	[sflag:s16] =	ssyncset.done $0x0  }
0x489: {  	[sflag:s16] =	ssyncadd.s32 $0xFFFFFF80  }
0x48a: {  	_ =	swait.ge [sflag:s16], $0x80  }
0x48b: {  	[sflag:s16] =	ssyncset.done $0x0  }
0x48c: {  	[sflag:s16] =	ssyncadd.s32 $0xFFFFFF80  }
0x48d: {  	_ =	swait.ge [sflag:s16], $0x80  }
0x48e: {  	[sflag:s16] =	ssyncset.done $0x0  }
0x48f: {  	[sflag:s16] =	ssyncadd.s32 $0xFFFFFF80  }
0x490: {  	_ =	swait.ge [sflag:s16], $0x80  }
0x491: {  	[sflag:s16] =	ssyncset.done $0x0  }
0x492: {  	[sflag:s16] =	ssyncadd.s32 $0xFFFFFF80  }
0x493: {  	_ =	swait.ge [sflag:s16], $0x80  }
0x494: {  	[sflag:s16] =	ssyncset.done $0x0  }
0x495: {  	[sflag:s16] =	ssyncadd.s32 $0xFFFFFF80  }
0x496: {  	_ =	swait.ge [sflag:s16], $0x80  }
0x497: {  	[sflag:s16] =	ssyncset.done $0x0  }
0x498: {  	[sflag:s16] =	ssyncadd.s32 $0xFFFFFF80  }
0x499: {  	_ =	swait.ge [sflag:s16], $0x80  }
0x49a: {  	[sflag:s16] =	ssyncset.done $0x0  }
0x49b: {  	[sflag:s16] =	ssyncadd.s32 $0xFFFFFF80  }
0x49c: {  	_ =	swait.ge [sflag:s16], $0x80  }
0x49d: {  	[sflag:s16] =	ssyncset.done $0x0  }
0x49e: {  	[sflag:s16] =	ssyncadd.s32 $0xFFFFFF80  }
0x49f: {  	_ =	swait.ge [sflag:s16], $0x80  }
0x4a0: {  	[sflag:s16] =	ssyncset.done $0x0  }
0x4a1: {  	[sflag:s16] =	ssyncadd.s32 $0xFFFFFF80  }
0x4a2: {  	_ =	swait.ge [sflag:s16], $0x80  }
0x4a3: {  	[sflag:s16] =	ssyncset.done $0x0  }
0x4a4: {  	[sflag:s16] =	ssyncadd.s32 $0xFFFFFF80  }
0x4a5: {  	_ =	swait.ge [sflag:s16], $0x80  }
0x4a6: {  	[sflag:s16] =	ssyncset.done $0x0  }
0x4a7: {  	[sflag:s16] =	ssyncadd.s32 $0xFFFFFF80  }
0x4a8: {  	_ =	swait.ge [sflag:s16], $0x80  }
0x4a9: {  	[sflag:s16] =	ssyncset.done $0x0  }
0x4aa: {  	[sflag:s16] =	ssyncadd.s32 $0xFFFFFF80  }
0x4ab: {  	_ =	swait.ge [sflag:s16], $0x80  }
0x4ac: {  	[sflag:s16] =	ssyncset.done $0x0  }
0x4ad: {  	s8 =	simm.s32 $0x3000;
	s29 =	simm.s32 $0x1000;
	[sflag:s16] =	ssyncadd.s32 $0xFFFFFF80  }
0x4ae: {  	[spmem:s1] =	stream.indirect.scatter.add.f32 [tilespmem:s8], [sflag:$0x1], $0x1, s29, s9, $0xb8;
	[tilespmem:$0x14000] =	vst v63  }
0x4af: {  	s8 =	simm.s32 $0x3080;
	s29 =	simm.s32 $0x1080  }
0x4b0: {  	[spmem:s1] =	stream.indirect.scatter.add.f32 [tilespmem:s8], [sflag:$0x1], $0x1, s29, s9, $0xb8;
	[tilespmem:$0x14000] =	vst v63  }
0x4b1: {  	s8 =	simm.s32 $0x3100;
	s29 =	simm.s32 $0x1100  }
0x4b2: {  	[spmem:s1] =	stream.indirect.scatter.add.f32 [tilespmem:s8], [sflag:$0x1], $0x1, s29, s9, $0xb8;
	[tilespmem:$0x14000] =	vst v63  }
0x4b3: {  	s8 =	simm.s32 $0x3180;
	s29 =	simm.s32 $0x1180  }
0x4b4: {  	[spmem:s1] =	stream.indirect.scatter.add.f32 [tilespmem:s8], [sflag:$0x1], $0x1, s29, s9, $0xb8;
	[tilespmem:$0x14000] =	vst v63  }
0x4b5: {  	s8 =	simm.s32 $0x3200;
	s29 =	simm.s32 $0x1200  }
0x4b6: {  	[spmem:s1] =	stream.indirect.scatter.add.f32 [tilespmem:s8], [sflag:$0x1], $0x1, s29, s9, $0xb8;
	[tilespmem:$0x14000] =	vst v63  }
0x4b7: {  	s8 =	simm.s32 $0x3280;
	s29 =	simm.s32 $0x1280  }
0x4b8: {  	[spmem:s1] =	stream.indirect.scatter.add.f32 [tilespmem:s8], [sflag:$0x1], $0x1, s29, s9, $0xb8;
	[tilespmem:$0x14000] =	vst v63  }
0x4b9: {  	s8 =	simm.s32 $0x3300;
	s29 =	simm.s32 $0x1300  }
0x4ba: {  	[spmem:s1] =	stream.indirect.scatter.add.f32 [tilespmem:s8], [sflag:$0x1], $0x1, s29, s9, $0xb8;
	[tilespmem:$0x14000] =	vst v63  }
0x4bb: {  	s8 =	simm.s32 $0x3380;
	s29 =	simm.s32 $0x1380  }
0x4bc: {  	[spmem:s1] =	stream.indirect.scatter.add.f32 [tilespmem:s8], [sflag:$0x1], $0x1, s29, s9, $0xb8;
	[tilespmem:$0x14000] =	vst v63  }
0x4bd: {  	s8 =	simm.s32 $0x3400;
	s29 =	simm.s32 $0x1400  }
0x4be: {  	[spmem:s1] =	stream.indirect.scatter.add.f32 [tilespmem:s8], [sflag:$0x1], $0x1, s29, s9, $0xb8;
	[tilespmem:$0x14000] =	vst v63  }
0x4bf: {  	s8 =	simm.s32 $0x3480;
	s29 =	simm.s32 $0x1480  }
0x4c0: {  	[spmem:s1] =	stream.indirect.scatter.add.f32 [tilespmem:s8], [sflag:$0x1], $0x1, s29, s9, $0xb8;
	[tilespmem:$0x14000] =	vst v63  }
0x4c1: {  	s8 =	simm.s32 $0x3500;
	s29 =	simm.s32 $0x1500  }
0x4c2: {  	[spmem:s1] =	stream.indirect.scatter.add.f32 [tilespmem:s8], [sflag:$0x1], $0x1, s29, s9, $0xb8;
	[tilespmem:$0x14000] =	vst v63  }
0x4c3: {  	s8 =	simm.s32 $0x3580;
	s29 =	simm.s32 $0x1580  }
0x4c4: {  	[spmem:s1] =	stream.indirect.scatter.add.f32 [tilespmem:s8], [sflag:$0x1], $0x1, s29, s9, $0xb8;
	[tilespmem:$0x14000] =	vst v63  }
0x4c5: {  	s8 =	simm.s32 $0x3600;
	s29 =	simm.s32 $0x1600  }
0x4c6: {  	[spmem:s1] =	stream.indirect.scatter.add.f32 [tilespmem:s8], [sflag:$0x1], $0x1, s29, s9, $0xb8;
	[tilespmem:$0x14000] =	vst v63  }
0x4c7: {  	s8 =	simm.s32 $0x3680;
	s29 =	simm.s32 $0x1680  }
0x4c8: {  	[spmem:s1] =	stream.indirect.scatter.add.f32 [tilespmem:s8], [sflag:$0x1], $0x1, s29, s9, $0xb8;
	[tilespmem:$0x14000] =	vst v63  }
0x4c9: {  	s8 =	simm.s32 $0x3700;
	s29 =	simm.s32 $0x1700  }
0x4ca: {  	[spmem:s1] =	stream.indirect.scatter.add.f32 [tilespmem:s8], [sflag:$0x1], $0x1, s29, s9, $0xb8;
	[tilespmem:$0x14000] =	vst v63  }
0x4cb: {  	s8 =	simm.s32 $0x3780;
	s29 =	simm.s32 $0x1780  }
0x4cc: {  	[spmem:s1] =	stream.indirect.scatter.add.f32 [tilespmem:s8], [sflag:$0x1], $0x1, s29, s9, $0xb8;
	[tilespmem:$0x14000] =	vst v63  }
0x4cd: {  	_ =	swait.ge [sflag:s16], $0x80  }
0x4ce: {  	[sflag:s16] =	ssyncset.done $0x0  }
0x4cf: {  	[sflag:s16] =	ssyncadd.s32 $0xFFFFFF80  }
0x4d0: {  	_ =	swait.ge [sflag:s16], $0x80  }
0x4d1: {  	[sflag:s16] =	ssyncset.done $0x0  }
0x4d2: {  	[sflag:s16] =	ssyncadd.s32 $0xFFFFFF80  }
0x4d3: {  	_ =	swait.ge [sflag:s16], $0x80  }
0x4d4: {  	[sflag:s16] =	ssyncset.done $0x0  }
0x4d5: {  	[sflag:s16] =	ssyncadd.s32 $0xFFFFFF80  }
0x4d6: {  	_ =	swait.ge [sflag:s16], $0x80  }
0x4d7: {  	[sflag:s16] =	ssyncset.done $0x0  }
0x4d8: {  	[sflag:s16] =	ssyncadd.s32 $0xFFFFFF80  }
0x4d9: {  	_ =	swait.ge [sflag:s16], $0x80  }
0x4da: {  	[sflag:s16] =	ssyncset.done $0x0  }
0x4db: {  	[sflag:s16] =	ssyncadd.s32 $0xFFFFFF80  }
0x4dc: {  	_ =	swait.ge [sflag:s16], $0x80  }
0x4dd: {  	[sflag:s16] =	ssyncset.done $0x0  }
0x4de: {  	[sflag:s16] =	ssyncadd.s32 $0xFFFFFF80  }
0x4df: {  	_ =	swait.ge [sflag:s16], $0x80  }
0x4e0: {  	[sflag:s16] =	ssyncset.done $0x0  }
0x4e1: {  	[sflag:s16] =	ssyncadd.s32 $0xFFFFFF80  }
0x4e2: {  	_ =	swait.ge [sflag:s16], $0x80  }
0x4e3: {  	[sflag:s16] =	ssyncset.done $0x0  }
0x4e4: {  	[sflag:s16] =	ssyncadd.s32 $0xFFFFFF80  }
0x4e5: {  	_ =	swait.ge [sflag:s16], $0x80  }
0x4e6: {  	[sflag:s16] =	ssyncset.done $0x0  }
0x4e7: {  	[sflag:s16] =	ssyncadd.s32 $0xFFFFFF80  }
0x4e8: {  	_ =	swait.ge [sflag:s16], $0x80  }
0x4e9: {  	[sflag:s16] =	ssyncset.done $0x0  }
0x4ea: {  	[sflag:s16] =	ssyncadd.s32 $0xFFFFFF80  }
0x4eb: {  	_ =	swait.ge [sflag:s16], $0x80  }
0x4ec: {  	[sflag:s16] =	ssyncset.done $0x0  }
0x4ed: {  	[sflag:s16] =	ssyncadd.s32 $0xFFFFFF80  }
0x4ee: {  	_ =	swait.ge [sflag:s16], $0x80  }
0x4ef: {  	[sflag:s16] =	ssyncset.done $0x0  }
0x4f0: {  	[sflag:s16] =	ssyncadd.s32 $0xFFFFFF80  }
0x4f1: {  	_ =	swait.ge [sflag:s16], $0x80  }
0x4f2: {  	[sflag:s16] =	ssyncset.done $0x0  }
0x4f3: {  	[sflag:s16] =	ssyncadd.s32 $0xFFFFFF80  }
0x4f4: {  	_ =	swait.ge [sflag:s16], $0x80  }
0x4f5: {  	[sflag:s16] =	ssyncset.done $0x0  }
0x4f6: {  	[sflag:s16] =	ssyncadd.s32 $0xFFFFFF80  }
0x4f7: {  	_ =	swait.ge [sflag:s16], $0x80  }
0x4f8: {  	[sflag:s16] =	ssyncset.done $0x0  }
0x4f9: {  	[sflag:s16] =	ssyncadd.s32 $0xFFFFFF80  }
0x4fa: {  	_ =	swait.ge [sflag:s16], $0x80  }
0x4fb: {  	[sflag:s16] =	ssyncset.done $0x0  }
0x4fc: {  	s8 =	simm.s32 $0x3800;
	s29 =	simm.s32 $0x1800;
	[sflag:s16] =	ssyncadd.s32 $0xFFFFFF80  }
0x4fd: {  	[spmem:s1] =	stream.indirect.scatter.add.f32 [tilespmem:s8], [sflag:$0x1], $0x1, s29, s9, $0xb8;
	[tilespmem:$0x14000] =	vst v63  }
0x4fe: {  	s8 =	simm.s32 $0x3880;
	s29 =	simm.s32 $0x1880  }
0x4ff: {  	[spmem:s1] =	stream.indirect.scatter.add.f32 [tilespmem:s8], [sflag:$0x1], $0x1, s29, s9, $0xb8;
	[tilespmem:$0x14000] =	vst v63  }
0x500: {  	s8 =	simm.s32 $0x3900;
	s29 =	simm.s32 $0x1900  }
0x501: {  	[spmem:s1] =	stream.indirect.scatter.add.f32 [tilespmem:s8], [sflag:$0x1], $0x1, s29, s9, $0xb8;
	[tilespmem:$0x14000] =	vst v63  }
0x502: {  	s8 =	simm.s32 $0x3980;
	s29 =	simm.s32 $0x1980  }
0x503: {  	[spmem:s1] =	stream.indirect.scatter.add.f32 [tilespmem:s8], [sflag:$0x1], $0x1, s29, s9, $0xb8;
	[tilespmem:$0x14000] =	vst v63  }
0x504: {  	s8 =	simm.s32 $0x3A00;
	s29 =	simm.s32 $0x1A00  }
0x505: {  	[spmem:s1] =	stream.indirect.scatter.add.f32 [tilespmem:s8], [sflag:$0x1], $0x1, s29, s9, $0xb8;
	[tilespmem:$0x14000] =	vst v63  }
0x506: {  	s8 =	simm.s32 $0x3A80;
	s29 =	simm.s32 $0x1A80  }
0x507: {  	[spmem:s1] =	stream.indirect.scatter.add.f32 [tilespmem:s8], [sflag:$0x1], $0x1, s29, s9, $0xb8;
	[tilespmem:$0x14000] =	vst v63  }
0x508: {  	s8 =	simm.s32 $0x3B00;
	s29 =	simm.s32 $0x1B00  }
0x509: {  	[spmem:s1] =	stream.indirect.scatter.add.f32 [tilespmem:s8], [sflag:$0x1], $0x1, s29, s9, $0xb8;
	[tilespmem:$0x14000] =	vst v63  }
0x50a: {  	s8 =	simm.s32 $0x3B80;
	s29 =	simm.s32 $0x1B80  }
0x50b: {  	[spmem:s1] =	stream.indirect.scatter.add.f32 [tilespmem:s8], [sflag:$0x1], $0x1, s29, s9, $0xb8;
	[tilespmem:$0x14000] =	vst v63  }
0x50c: {  	s8 =	simm.s32 $0x3C00;
	s29 =	simm.s32 $0x1C00  }
0x50d: {  	[spmem:s1] =	stream.indirect.scatter.add.f32 [tilespmem:s8], [sflag:$0x1], $0x1, s29, s9, $0xb8;
	[tilespmem:$0x14000] =	vst v63  }
0x50e: {  	s8 =	simm.s32 $0x3C80;
	s29 =	simm.s32 $0x1C80  }
0x50f: {  	[spmem:s1] =	stream.indirect.scatter.add.f32 [tilespmem:s8], [sflag:$0x1], $0x1, s29, s9, $0xb8;
	[tilespmem:$0x14000] =	vst v63  }
0x510: {  	s8 =	simm.s32 $0x3D00;
	s29 =	simm.s32 $0x1D00  }
0x511: {  	[spmem:s1] =	stream.indirect.scatter.add.f32 [tilespmem:s8], [sflag:$0x1], $0x1, s29, s9, $0xb8;
	[tilespmem:$0x14000] =	vst v63  }
0x512: {  	s8 =	simm.s32 $0x3D80;
	s29 =	simm.s32 $0x1D80  }
0x513: {  	[spmem:s1] =	stream.indirect.scatter.add.f32 [tilespmem:s8], [sflag:$0x1], $0x1, s29, s9, $0xb8;
	[tilespmem:$0x14000] =	vst v63  }
0x514: {  	s8 =	simm.s32 $0x3E00;
	s29 =	simm.s32 $0x1E00  }
0x515: {  	[spmem:s1] =	stream.indirect.scatter.add.f32 [tilespmem:s8], [sflag:$0x1], $0x1, s29, s9, $0xb8;
	[tilespmem:$0x14000] =	vst v63  }
0x516: {  	s8 =	simm.s32 $0x3E80;
	s29 =	simm.s32 $0x1E80  }
0x517: {  	[spmem:s1] =	stream.indirect.scatter.add.f32 [tilespmem:s8], [sflag:$0x1], $0x1, s29, s9, $0xb8;
	[tilespmem:$0x14000] =	vst v63  }
0x518: {  	s8 =	simm.s32 $0x3F00;
	s29 =	simm.s32 $0x1F00  }
0x519: {  	[spmem:s1] =	stream.indirect.scatter.add.f32 [tilespmem:s8], [sflag:$0x1], $0x1, s29, s9, $0xb8;
	[tilespmem:$0x14000] =	vst v63  }
0x51a: {  	s8 =	simm.s32 $0x3F80;
	s29 =	simm.s32 $0x1F80  }
0x51b: {  	[spmem:s1] =	stream.indirect.scatter.add.f32 [tilespmem:s8], [sflag:$0x1], $0x1, s29, s9, $0xb8;
	[tilespmem:$0x14000] =	vst v63  }
0x51c: {  	_ =	swait.ge [sflag:s16], $0x80  }
0x51d: {  	[sflag:s16] =	ssyncset.done $0x0  }
0x51e: {  	[sflag:s16] =	ssyncadd.s32 $0xFFFFFF80  }
0x51f: {  	_ =	swait.ge [sflag:s16], $0x80  }
0x520: {  	[sflag:s16] =	ssyncset.done $0x0  }
0x521: {  	[sflag:s16] =	ssyncadd.s32 $0xFFFFFF80  }
0x522: {  	_ =	swait.ge [sflag:s16], $0x80  }
0x523: {  	[sflag:s16] =	ssyncset.done $0x0  }
0x524: {  	[sflag:s16] =	ssyncadd.s32 $0xFFFFFF80  }
0x525: {  	_ =	swait.ge [sflag:s16], $0x80  }
0x526: {  	[sflag:s16] =	ssyncset.done $0x0  }
0x527: {  	[sflag:s16] =	ssyncadd.s32 $0xFFFFFF80  }
0x528: {  	_ =	swait.ge [sflag:s16], $0x80  }
0x529: {  	[sflag:s16] =	ssyncset.done $0x0  }
0x52a: {  	[sflag:s16] =	ssyncadd.s32 $0xFFFFFF80  }
0x52b: {  	_ =	swait.ge [sflag:s16], $0x80  }
0x52c: {  	[sflag:s16] =	ssyncset.done $0x0  }
0x52d: {  	[sflag:s16] =	ssyncadd.s32 $0xFFFFFF80  }
0x52e: {  	_ =	swait.ge [sflag:s16], $0x80  }
0x52f: {  	[sflag:s16] =	ssyncset.done $0x0  }
0x530: {  	[sflag:s16] =	ssyncadd.s32 $0xFFFFFF80  }
0x531: {  	_ =	swait.ge [sflag:s16], $0x80  }
0x532: {  	[sflag:s16] =	ssyncset.done $0x0  }
0x533: {  	[sflag:s16] =	ssyncadd.s32 $0xFFFFFF80  }
0x534: {  	_ =	swait.ge [sflag:s16], $0x80  }
0x535: {  	[sflag:s16] =	ssyncset.done $0x0  }
0x536: {  	[sflag:s16] =	ssyncadd.s32 $0xFFFFFF80  }
0x537: {  	_ =	swait.ge [sflag:s16], $0x80  }
0x538: {  	[sflag:s16] =	ssyncset.done $0x0  }
0x539: {  	[sflag:s16] =	ssyncadd.s32 $0xFFFFFF80  }
0x53a: {  	_ =	swait.ge [sflag:s16], $0x80  }
0x53b: {  	[sflag:s16] =	ssyncset.done $0x0  }
0x53c: {  	[sflag:s16] =	ssyncadd.s32 $0xFFFFFF80  }
0x53d: {  	_ =	swait.ge [sflag:s16], $0x80  }
0x53e: {  	[sflag:s16] =	ssyncset.done $0x0  }
0x53f: {  	[sflag:s16] =	ssyncadd.s32 $0xFFFFFF80  }
0x540: {  	_ =	swait.ge [sflag:s16], $0x80  }
0x541: {  	[sflag:s16] =	ssyncset.done $0x0  }
0x542: {  	[sflag:s16] =	ssyncadd.s32 $0xFFFFFF80  }
0x543: {  	_ =	swait.ge [sflag:s16], $0x80  }
0x544: {  	[sflag:s16] =	ssyncset.done $0x0  }
0x545: {  	[sflag:s16] =	ssyncadd.s32 $0xFFFFFF80  }
0x546: {  	_ =	swait.ge [sflag:s16], $0x80  }
0x547: {  	[sflag:s16] =	ssyncset.done $0x0  }
0x548: {  	[sflag:s16] =	ssyncadd.s32 $0xFFFFFF80  }
0x549: {  	p0 =	sne.s32 s28, $0x1;
	_ =	swait.ge [sflag:s16], $0x80  }
.Ltmp1:
0x54a: {  	s0 =	simm.s32 $0x10;
	[sflag:s16] =	ssyncset.done $0x0;
	(pc) =	sbr.rel @p0 .LBB2_2-.Ltmp1, $4  }
0x54b: {  	s4 =	simm.s32 $0x40;
	s8 =	rddreg [dreg:$0x9];
	[sflag:s16] =	ssyncadd.s32 $0xFFFFFF80  }
0x54c: {  	[hbm:s8@s4], [sflag:s7] =	dma.strided [spmem:s2@s0], $0x2000, s16, $0x10   }
0x54d: {  	_ =	swait.ge [sflag:s6], $0x2000  }
0x54e: {  	s28 =	sadd.s32 $0xFFFFFFFF, s28;
	[sflag:s6] =	ssyncset.done $0x0  }
.LBB2_3:
0x54f: {  	[sflag:s6] =	ssyncadd.s32 $0xFFFFE000  }
0x550: {  	_ =	sfence.sel $0x180000  }
0x551: {  	[bflag:$0x0] =	sbarrier.arrive $0xFFFF  }
0x552: {  	_ =	strace $0x90000047  }
0x553: {  	s0 =	stileid.u32;
	[bflag:$0x2] =	sbarrier.arrive $0xFFFF  }
0x554: {  	p0 =	sne.s32 s0, $0x0;
	s0 =	rddreg [dreg:$0x3]  }
0x555: {  	s0 =	sadd.s32 @!p0 $0x100000, s0  }
0x556: {  	[sflag:s0] =	ssyncadd.tile.s32 @!p0 $0x1;
	_ =	shalt  }
.Lfunc_end2:
_tile_overlayer_lowered:
.L_overlay_start_2:
0x557: {  	(tag) =	ssettag $0x2  }
0x558: {  	s0 =	rddreg [dreg:$0x0];
	s2 =	stileid.u32  }
0x559: {  	s1 =	rddreg [dreg:$0x1];
	p0 =	sne.s32 s2, $0x0  }
0x55a: {  	s3 =	rddreg [dreg:$0x2];
	[bflag:$0x3] =	sbarrier.arrive $0xFFFF;
	s2 =	simm.s32 @!p0 $0x1C02  }
0x55b: {  	[timem:s3], [sflag:s2] =	dma.local @!p0 [hbm:s0], s1  }
0x55c: {  	s0 =	simm.s32 @!p0 $0x2  }
0x55d: {  	_ =	swait.ge @!p0 [sflag:s0], s1  }
0x55e: {  	s1 =	ssub.s32 @!p0 $0x0, s1;
	[sflag:s0] =	ssyncset.done @!p0 $0x0  }
0x55f: {  	[sflag:s0] =	ssyncadd.s32 @!p0 s1  }
0x560: {  	[bflag:$0x3] =	sbarrier.arrive $0xFFFF  }
0x561: {  	_ =	shalt  }

</sc_bundles>
